<compile_context>
chip_gen: v7x
topology: tpu7x:2x2x1
jax: 0.10.2.dev20260603
libtpu: 0.0.44.dev20260713+nightly
codegen_flags: <defaults>
</compile_context>

<pallas_src>
import functools

import jax
import jax.numpy as jnp
from jax import lax
from jax.experimental import pallas as pl
from jax.experimental.pallas import tpu as pltpu
from jax.experimental.pallas import tpu_sc as plsc

B = 4096
L = 200
D = 64
DD = 3 * D
H = 256
C = 10
V = 1000000
W = D // 2
DP = 128

NC = 2
NS = 16
NW = NC * NS
RW = B // NW
LANES = 16
G0 = 128
G1 = L - G0

TBLK = 4096
NB = (V + TBLK - 1) // TBLK
NQUAD = (NB + 3) // 4
VC = NQUAD * TBLK


def _pack_words(x):
    lo = x[:W, :].astype(jnp.bfloat16)
    hi = x[W:, :].astype(jnp.bfloat16)
    lou = lax.bitcast_convert_type(lo, jnp.uint16).astype(jnp.uint32)
    hiu = lax.bitcast_convert_type(hi, jnp.uint16).astype(jnp.uint32)
    w = (hiu << 16) | lou
    return lax.bitcast_convert_type(jnp.swapaxes(w, 0, 1), jnp.float32)


def _detile_kernel(a_ref, b_ref, c_ref, d_ref, o_ref):
    o_ref[...] = jnp.concatenate(
        [_pack_words(a_ref[...]), _pack_words(b_ref[...]),
         _pack_words(c_ref[...]), _pack_words(d_ref[...])], axis=1)


def _detile_quad_tc(tab):
    tt = tab.T

    def spec(k):
        return pl.BlockSpec(
            (D, TBLK), lambda i: (0, jnp.minimum(4 * i + k, NB - 1)))

    return pl.pallas_call(
        _detile_kernel,
        grid=(NQUAD,),
        in_specs=[spec(0), spec(1), spec(2), spec(3)],
        out_specs=pl.BlockSpec((TBLK, DP), lambda i: (i, 0)),
        out_shape=jax.ShapeDtypeStruct((VC, DP), jnp.float32),
    )(tt, tt, tt, tt)


def _pool_one_sc(h, tab):
    mesh = plsc.VectorSubcoreMesh(core_axis_name="c", subcore_axis_name="s")

    @functools.partial(
        pl.kernel,
        out_type=jax.ShapeDtypeStruct((B, D), jnp.float32),
        mesh=mesh,
        scratch_types=[
            pltpu.VMEM((RW, L), jnp.int32),
            pltpu.VMEM((L, W), jnp.float32),
            pltpu.VMEM((L, W), jnp.float32),
            pltpu.VMEM((RW, D), jnp.float32),
            pltpu.SemaphoreType.DMA,
            pltpu.SemaphoreType.DMA,
        ],
        compiler_params=pltpu.CompilerParams(
            use_tc_tiling_on_sc=False, needs_layout_passes=False),
    )
    def kern(h_hbm, t_hbm, out_hbm, idx_v, rows_a, rows_b, out_v, sem_a, sem_b):
        wid = lax.axis_index("c") * NS + lax.axis_index("s")
        base = wid * RW

        pltpu.sync_copy(h_hbm.at[pl.ds(base, RW)], idx_v)

        def issue(r, buf, sem):
            pltpu.async_copy(
                t_hbm.at[idx_v.at[r, pl.ds(0, G0)]], buf.at[pl.ds(0, G0)], sem)
            pltpu.async_copy(
                t_hbm.at[idx_v.at[r, pl.ds(G0, G1)]], buf.at[pl.ds(G0, G1)], sem)

        def wait(buf, sem):
            pltpu.make_async_copy(
                t_hbm.at[pl.ds(0, G0)], buf.at[pl.ds(0, G0)], sem).wait()
            pltpu.make_async_copy(
                t_hbm.at[pl.ds(0, G1)], buf.at[pl.ds(G0, G1)], sem).wait()

        def reduce_into(r, buf):
            zero = jnp.zeros((LANES,), jnp.float32)

            def body(i, accs):
                a0, a1, a2, a3 = accs
                b0 = plsc.bitcast(buf[i, pl.ds(0, LANES)], jnp.bfloat16)
                b1 = plsc.bitcast(buf[i, pl.ds(LANES, LANES)], jnp.bfloat16)
                lo0, hi0 = plsc.unpack(
                    b0, format=plsc.PackFormat.INTERLEAVED,
                    preferred_element_type=jnp.float32)
                lo1, hi1 = plsc.unpack(
                    b1, format=plsc.PackFormat.INTERLEAVED,
                    preferred_element_type=jnp.float32)
                return (a0 + lo0, a1 + lo1, a2 + hi0, a3 + hi1)

            accs = lax.fori_loop(0, L, body, (zero, zero, zero, zero),
                                 unroll=4)
            for j, a in enumerate(accs):
                out_v[r, pl.ds(j * LANES, LANES)] = a

        issue(0, rows_a, sem_a)

        @pl.loop(0, RW, step=2)
        def _pair(r):
            issue(r + 1, rows_b, sem_b)
            wait(rows_a, sem_a)
            reduce_into(r, rows_a)
            issue(jnp.minimum(r + 2, RW - 1), rows_a, sem_a)
            wait(rows_b, sem_b)
            reduce_into(r + 1, rows_b)

        wait(rows_a, sem_a)

        pltpu.sync_copy(out_v, out_hbm.at[pl.ds(base, RW)])

    return kern(h, tab.reshape(4 * VC, W))


def _mlp_kernel(x_ref, w1_ref, b1_ref, w2_ref, b2_ref, o_ref):
    x = x_ref[...] * jnp.float32(1.0 / L)
    h = jnp.dot(x, w1_ref[...], preferred_element_type=jnp.float32) + b1_ref[...]
    h = jnp.maximum(h, 0.0)
    o_ref[...] = jnp.dot(h, w2_ref[...], preferred_element_type=jnp.float32) + b2_ref[...]


def _mlp_tc(pooled, W1, b1, W2, b2):
    BLK = 512
    return pl.pallas_call(
        _mlp_kernel,
        grid=(B // BLK,),
        in_specs=[
            pl.BlockSpec((BLK, DD), lambda i: (i, 0)),
            pl.BlockSpec((DD, H), lambda i: (0, 0)),
            pl.BlockSpec((1, H), lambda i: (0, 0)),
            pl.BlockSpec((H, C), lambda i: (0, 0)),
            pl.BlockSpec((1, C), lambda i: (0, 0)),
        ],
        out_specs=pl.BlockSpec((BLK, C), lambda i: (i, 0)),
        out_shape=jax.ShapeDtypeStruct((B, C), jnp.float32),
    )(pooled, W1, b1.reshape(1, H), W2, b2.reshape(1, C))


@jax.jit
def kernel(x0, x1, x2, emb_uni, emb_bi, emb_tri, W1, b1, W2, b2):
    hs = []
    for x in (x0, x1, x2):
        q = x >> 12
        hs.append(((q >> 2) << 14) | ((x & (TBLK - 1)) << 2) | (q & 3))
    tabs = [_detile_quad_tc(t) for t in (emb_uni, emb_bi, emb_tri)]
    pools = [_pool_one_sc(h, t) for h, t in zip(hs, tabs)]
    pooled = jnp.concatenate(pools, axis=1)
    return _mlp_tc(pooled, W1, b1, W2, b2)

# --- scband reference (transcript-rebuilt; emitter-appended) ---
"""Pipeline reference for scband-fast-text-87729001988445 (READ-ONLY COPY).

The authoritative reference and input builder live on the scoring server;
editing this copy changes nothing except your own understanding.
"""

import jax, jax.numpy as jnp
import numpy as np

B = 4096
L = 200
V = 1000000      # n_vocab (padding_idx = V-1)
NG = 1000000     # ngram_vocab
D = 64           # embedding_dim
H = 256          # hidden_size
C = 10           # num_classes


def setup_inputs(seed: int = 0) -> dict:
    key = jax.random.key(seed)
    ks = jax.random.split(key, 10)
    x0 = jax.random.randint(ks[0], (B, L), 0, V, dtype=jnp.int32)
    x1 = jax.random.randint(ks[1], (B, L), 0, NG, dtype=jnp.int32)
    x2 = jax.random.randint(ks[2], (B, L), 0, NG, dtype=jnp.int32)
    emb_uni = jax.random.normal(ks[3], (V, D), dtype=jnp.float32) * 0.02
    # torch nn.Embedding with padding_idx initializes that row to zeros
    emb_uni = emb_uni.at[V - 1].set(0.0)
    emb_bi = jax.random.normal(ks[4], (NG, D), dtype=jnp.float32) * 0.02
    emb_tri = jax.random.normal(ks[5], (NG, D), dtype=jnp.float32) * 0.02
    W1 = jax.random.normal(ks[6], (3 * D, H), dtype=jnp.float32) * 0.02
    b1 = jnp.zeros((H,), dtype=jnp.float32)
    W2 = jax.random.normal(ks[7], (H, C), dtype=jnp.float32) * 0.02
    b2 = jnp.zeros((C,), dtype=jnp.float32)
    return {"x0": x0, "x1": x1, "x2": x2,
            "emb_uni": emb_uni, "emb_bi": emb_bi, "emb_tri": emb_tri,
            "W1": W1, "b1": b1, "W2": W2, "b2": b2}


def reference(x0, x1, x2, emb_uni, emb_bi, emb_tri, W1, b1, W2, b2):
    # embedding lookups (gather)
    unigram = jnp.take(emb_uni, x0, axis=0)   # [B, L, D]
    bigram = jnp.take(emb_bi, x1, axis=0)     # [B, L, D]
    trigram = jnp.take(emb_tri, x2, axis=0)   # [B, L, D]
    out = jnp.concatenate([unigram, bigram, trigram], axis=-1)  # [B, L, 3D]
    out = out.mean(axis=1)                    # [B, 3D]
    # dropout is identity in eval mode
    out = out @ W1 + b1
    out = jax.nn.relu(out)
    out = out @ W2 + b2
    return out

if __name__ == "__main__":
    import jax
    _d = setup_inputs()
    print(jax.jit(kernel)(*tuple(_d.values())))

</pallas_src>

<mosaic_0001>
#map = affine_map<(d0, d1) -> (0, 0)>
module attributes {stable_mosaic.version = 14 : i64} {
  func.func @kern(%arg0: i32, %arg1: i32, %arg2: memref<4096x200xi32, #tpu.memory_space<hbm>>, %arg3: memref<1015808x32xf32, #tpu.memory_space<hbm>>, %arg4: memref<4096x64xf32, #tpu.memory_space<hbm>>, %arg5: memref<128x200xi32, #tpu.memory_space<vmem>>, %arg6: memref<200x32xf32, #tpu.memory_space<vmem>>, %arg7: memref<200x32xf32, #tpu.memory_space<vmem>>, %arg8: memref<128x64xf32, #tpu.memory_space<vmem>>, %arg9: memref<!tpu.dma_semaphore, #tpu.memory_space<semaphore_mem>>, %arg10: memref<!tpu.dma_semaphore, #tpu.memory_space<semaphore_mem>>) attributes {dimension_semantics = [#tpu.dimension_semantics<core_parallel>, #tpu.dimension_semantics<subcore_parallel>], iteration_bounds = array<i64: 2, 16>, scalar_prefetch = 0 : i64, scratch_operands = 6 : i64, tpu.core_type = #tpu.core_type<sc_vector_subcore>, window_params = [{transform_indices = #map}, {transform_indices = #map}, {transform_indices = #map}]} {
    %mul3A = arith.constant 16 : i32
    %mul3A_0 = arith.muli %arg0, %mul3A : i32
    %add3A = arith.addi %mul3A_0, %arg1 : i32
    %mul3A_1 = arith.constant 128 : i32
    %mul3A_2 = arith.muli %add3A, %mul3A_1 : i32
    "tpu.region"() ({
      %run_scoped3A = tpu.sem_alloc : memref<!tpu.dma_semaphore, #tpu.memory_space<semaphore_mem>>
      %dma_start3A_49 = arith.constant 0 : i32
      %dma_start3A_50 = tpu.memref_slice %arg2[%mul3A_2, %dma_start3A_49] : memref<4096x200xi32, #tpu.memory_space<hbm>> -> memref<128x200xi32, #tpu.memory_space<hbm>>
      %dma_start3A_51 = arith.constant 0 : i32
      %dma_start3A_52 = tpu.memref_slice %arg2[%mul3A_2, %dma_start3A_51] : memref<4096x200xi32, #tpu.memory_space<hbm>> -> memref<128x200xi32, #tpu.memory_space<hbm>>
      tpu.enqueue_dma source(%dma_start3A_52 : memref<128x200xi32, #tpu.memory_space<hbm>>) target(%arg5 : memref<128x200xi32, #tpu.memory_space<vmem>>) target_semaphore(%run_scoped3A : memref<!tpu.dma_semaphore, #tpu.memory_space<semaphore_mem>>)
      %dma_wait3A_53 = arith.constant 0 : i32
      %dma_wait3A_54 = tpu.memref_slice %arg2[%mul3A_2, %dma_wait3A_53] : memref<4096x200xi32, #tpu.memory_space<hbm>> -> memref<128x200xi32, #tpu.memory_space<hbm>>
      %dma_wait3A_55 = arith.constant 0 : i32
      %dma_wait3A_56 = tpu.memref_slice %arg2[%mul3A_2, %dma_wait3A_55] : memref<4096x200xi32, #tpu.memory_space<hbm>> -> memref<128x200xi32, #tpu.memory_space<hbm>>
      tpu.wait_dma2 semaphore(%run_scoped3A : memref<!tpu.dma_semaphore, #tpu.memory_space<semaphore_mem>>) src(%dma_wait3A_56 : memref<128x200xi32, #tpu.memory_space<hbm>>) dst(%arg5 : memref<128x200xi32, #tpu.memory_space<vmem>>)
      tpu.yield
    }) : () -> ()
    %dma_start3A = arith.constant 0 : i32
    %dma_start3A_3 = arith.constant 0 : i32
    %dma_start3A_4 = arith.constant 0 : i32
    %dma_start3A_5 = tpu.memref_slice %arg6[%dma_start3A_3, %dma_start3A_4] : memref<200x32xf32, #tpu.memory_space<vmem>> -> memref<128x32xf32, #tpu.memory_space<vmem>>
    %dma_start3A_6 = arith.constant 0 : i32
    %dma_start3A_7 = tpu.memref_slice %arg5[%dma_start3A, %dma_start3A_6] : memref<128x200xi32, #tpu.memory_space<vmem>> -> memref<1x128xi32, #tpu.memory_space<vmem>>
    %dma_start3A_8 = tpu.memref_squeeze %dma_start3A_7 : memref<1x128xi32, #tpu.memory_space<vmem>> -> memref<128xi32, #tpu.memory_space<vmem>>
    %dma_start3A_9 = arith.constant 0 : i32
    %dma_start3A_10 = arith.constant 0 : i32
    %dma_start3A_11 = tpu.memref_slice %arg3[%dma_start3A_9, %dma_start3A_10] : memref<1015808x32xf32, #tpu.memory_space<hbm>> -> memref<1015808x32xf32, #tpu.memory_space<hbm>>
    tpu.enqueue_indirect_dma source(%dma_start3A_11 : memref<1015808x32xf32, #tpu.memory_space<hbm>>) target(%dma_start3A_5 : memref<128x32xf32, #tpu.memory_space<vmem>>) offsets(%dma_start3A_8 : memref<128xi32, #tpu.memory_space<vmem>>) semaphore(%arg9 : memref<!tpu.dma_semaphore, #tpu.memory_space<semaphore_mem>>)
    %dma_start3A_12 = arith.constant 0 : i32
    %dma_start3A_13 = arith.constant 128 : i32
    %dma_start3A_14 = arith.constant 0 : i32
    %dma_start3A_15 = tpu.memref_slice %arg6[%dma_start3A_13, %dma_start3A_14] : memref<200x32xf32, #tpu.memory_space<vmem>> -> memref<72x32xf32, #tpu.memory_space<vmem>>
    %dma_start3A_16 = arith.constant 128 : i32
    %dma_start3A_17 = tpu.memref_slice %arg5[%dma_start3A_12, %dma_start3A_16] : memref<128x200xi32, #tpu.memory_space<vmem>> -> memref<1x72xi32, #tpu.memory_space<vmem>>
    %dma_start3A_18 = tpu.memref_squeeze %dma_start3A_17 : memref<1x72xi32, #tpu.memory_space<vmem>> -> memref<72xi32, #tpu.memory_space<vmem>>
    %dma_start3A_19 = arith.constant 0 : i32
    %dma_start3A_20 = arith.constant 0 : i32
    %dma_start3A_21 = tpu.memref_slice %arg3[%dma_start3A_19, %dma_start3A_20] : memref<1015808x32xf32, #tpu.memory_space<hbm>> -> memref<1015808x32xf32, #tpu.memory_space<hbm>>
    tpu.enqueue_indirect_dma source(%dma_start3A_21 : memref<1015808x32xf32, #tpu.memory_space<hbm>>) target(%dma_start3A_15 : memref<72x32xf32, #tpu.memory_space<vmem>>) offsets(%dma_start3A_18 : memref<72xi32, #tpu.memory_space<vmem>>) semaphore(%arg9 : memref<!tpu.dma_semaphore, #tpu.memory_space<semaphore_mem>>)
    %scan3A = arith.constant 0 : i32
    %scan3A_22 = arith.constant 64 : i32
    %scan3A_23 = arith.addi %scan3A, %scan3A_22 : i32
    %scan3A_24 = arith.constant 1 : i32
    scf.for %scan3A_49 = %scan3A to %scan3A_23 step %scan3A_24  : i32 {
      %mul3A_50 = arith.constant 2 : i32
      %mul3A_51 = arith.muli %scan3A_49, %mul3A_50 : i32
      %add3A_52 = arith.constant 0 : i32
      %add3A_53 = arith.addi %add3A_52, %mul3A_51 : i32
      %add3A_54 = arith.constant 1 : i32
      %add3A_55 = arith.addi %add3A_53, %add3A_54 : i32
      %dma_start3A_56 = arith.constant 0 : i32
      %dma_start3A_57 = arith.constant 0 : i32
      %dma_start3A_58 = tpu.memref_slice %arg7[%dma_start3A_56, %dma_start3A_57] : memref<200x32xf32, #tpu.memory_space<vmem>> -> memref<128x32xf32, #tpu.memory_space<vmem>>
      %dma_start3A_59 = arith.constant 0 : i32
      %dma_start3A_60 = tpu.memref_slice %arg5[%add3A_55, %dma_start3A_59] : memref<128x200xi32, #tpu.memory_space<vmem>> -> memref<1x128xi32, #tpu.memory_space<vmem>>
      %dma_start3A_61 = tpu.memref_squeeze %dma_start3A_60 : memref<1x128xi32, #tpu.memory_space<vmem>> -> memref<128xi32, #tpu.memory_space<vmem>>
      %dma_start3A_62 = arith.constant 0 : i32
      %dma_start3A_63 = arith.constant 0 : i32
      %dma_start3A_64 = tpu.memref_slice %arg3[%dma_start3A_62, %dma_start3A_63] : memref<1015808x32xf32, #tpu.memory_space<hbm>> -> memref<1015808x32xf32, #tpu.memory_space<hbm>>
      tpu.enqueue_indirect_dma source(%dma_start3A_64 : memref<1015808x32xf32, #tpu.memory_space<hbm>>) target(%dma_start3A_58 : memref<128x32xf32, #tpu.memory_space<vmem>>) offsets(%dma_start3A_61 : memref<128xi32, #tpu.memory_space<vmem>>) semaphore(%arg10 : memref<!tpu.dma_semaphore, #tpu.memory_space<semaphore_mem>>)
      %dma_start3A_65 = arith.constant 128 : i32
      %dma_start3A_66 = arith.constant 0 : i32
      %dma_start3A_67 = tpu.memref_slice %arg7[%dma_start3A_65, %dma_start3A_66] : memref<200x32xf32, #tpu.memory_space<vmem>> -> memref<72x32xf32, #tpu.memory_space<vmem>>
      %dma_start3A_68 = arith.constant 128 : i32
      %dma_start3A_69 = tpu.memref_slice %arg5[%add3A_55, %dma_start3A_68] : memref<128x200xi32, #tpu.memory_space<vmem>> -> memref<1x72xi32, #tpu.memory_space<vmem>>
      %dma_start3A_70 = tpu.memref_squeeze %dma_start3A_69 : memref<1x72xi32, #tpu.memory_space<vmem>> -> memref<72xi32, #tpu.memory_space<vmem>>
      %dma_start3A_71 = arith.constant 0 : i32
      %dma_start3A_72 = arith.constant 0 : i32
      %dma_start3A_73 = tpu.memref_slice %arg3[%dma_start3A_71, %dma_start3A_72] : memref<1015808x32xf32, #tpu.memory_space<hbm>> -> memref<1015808x32xf32, #tpu.memory_space<hbm>>
      tpu.enqueue_indirect_dma source(%dma_start3A_73 : memref<1015808x32xf32, #tpu.memory_space<hbm>>) target(%dma_start3A_67 : memref<72x32xf32, #tpu.memory_space<vmem>>) offsets(%dma_start3A_70 : memref<72xi32, #tpu.memory_space<vmem>>) semaphore(%arg10 : memref<!tpu.dma_semaphore, #tpu.memory_space<semaphore_mem>>)
      %dma_wait3A_74 = arith.constant 0 : i32
      %dma_wait3A_75 = arith.constant 0 : i32
      %dma_wait3A_76 = tpu.memref_slice %arg6[%dma_wait3A_74, %dma_wait3A_75] : memref<200x32xf32, #tpu.memory_space<vmem>> -> memref<128x32xf32, #tpu.memory_space<vmem>>
      %dma_wait3A_77 = arith.constant 0 : i32
      %dma_wait3A_78 = arith.constant 0 : i32
      %dma_wait3A_79 = tpu.memref_slice %arg3[%dma_wait3A_77, %dma_wait3A_78] : memref<1015808x32xf32, #tpu.memory_space<hbm>> -> memref<128x32xf32, #tpu.memory_space<hbm>>
      %dma_wait3A_80 = arith.constant 0 : i32
      %dma_wait3A_81 = arith.constant 0 : i32
      %dma_wait3A_82 = tpu.memref_slice %arg6[%dma_wait3A_80, %dma_wait3A_81] : memref<200x32xf32, #tpu.memory_space<vmem>> -> memref<128x32xf32, #tpu.memory_space<vmem>>
      %dma_wait3A_83 = arith.constant 0 : i32
      %dma_wait3A_84 = arith.constant 0 : i32
      %dma_wait3A_85 = tpu.memref_slice %arg3[%dma_wait3A_83, %dma_wait3A_84] : memref<1015808x32xf32, #tpu.memory_space<hbm>> -> memref<128x32xf32, #tpu.memory_space<hbm>>
      tpu.wait_dma2 semaphore(%arg9 : memref<!tpu.dma_semaphore, #tpu.memory_space<semaphore_mem>>) src(%dma_wait3A_85 : memref<128x32xf32, #tpu.memory_space<hbm>>) dst(%dma_wait3A_82 : memref<128x32xf32, #tpu.memory_space<vmem>>)
      %dma_wait3A_86 = arith.constant 128 : i32
      %dma_wait3A_87 = arith.constant 0 : i32
      %dma_wait3A_88 = tpu.memref_slice %arg6[%dma_wait3A_86, %dma_wait3A_87] : memref<200x32xf32, #tpu.memory_space<vmem>> -> memref<72x32xf32, #tpu.memory_space<vmem>>
      %dma_wait3A_89 = arith.constant 0 : i32
      %dma_wait3A_90 = arith.constant 0 : i32
      %dma_wait3A_91 = tpu.memref_slice %arg3[%dma_wait3A_89, %dma_wait3A_90] : memref<1015808x32xf32, #tpu.memory_space<hbm>> -> memref<72x32xf32, #tpu.memory_space<hbm>>
      %dma_wait3A_92 = arith.constant 128 : i32
      %dma_wait3A_93 = arith.constant 0 : i32
      %dma_wait3A_94 = tpu.memref_slice %arg6[%dma_wait3A_92, %dma_wait3A_93] : memref<200x32xf32, #tpu.memory_space<vmem>> -> memref<72x32xf32, #tpu.memory_space<vmem>>
      %dma_wait3A_95 = arith.constant 0 : i32
      %dma_wait3A_96 = arith.constant 0 : i32
      %dma_wait3A_97 = tpu.memref_slice %arg3[%dma_wait3A_95, %dma_wait3A_96] : memref<1015808x32xf32, #tpu.memory_space<hbm>> -> memref<72x32xf32, #tpu.memory_space<hbm>>
      tpu.wait_dma2 semaphore(%arg9 : memref<!tpu.dma_semaphore, #tpu.memory_space<semaphore_mem>>) src(%dma_wait3A_97 : memref<72x32xf32, #tpu.memory_space<hbm>>) dst(%dma_wait3A_94 : memref<72x32xf32, #tpu.memory_space<vmem>>)
      %broadcast_in_dim3A = arith.constant 0.000000e+00 : f32
      %broadcast_in_dim3A_98 = vector.broadcast %broadcast_in_dim3A : f32 to vector<16xf32>
      %scan3A_99 = arith.constant 0 : i32
      %scan3A_100 = arith.constant 200 : i32
      %scan3A_101 = arith.addi %scan3A_99, %scan3A_100 : i32
      %scan3A_102 = arith.constant 4 : i32
      %scan3A_103:4 = scf.for %scan3A_183 = %scan3A_99 to %scan3A_101 step %scan3A_102 iter_args(%scan3A_184 = %broadcast_in_dim3A_98, %scan3A_185 = %broadcast_in_dim3A_98, %scan3A_186 = %broadcast_in_dim3A_98, %scan3A_187 = %broadcast_in_dim3A_98) -> (vector<16xf32>, vector<16xf32>, vector<16xf32>, vector<16xf32>)  : i32 {
        %get3A = arith.index_cast %scan3A_183 : i32 to index
        %get3A_188 = arith.constant 0 : index
        %get3A_189 = tpu.vector_load %arg6[%get3A, %get3A_188] {strides = array<i32>} : memref<200x32xf32, #tpu.memory_space<vmem>>, vector<16xf32>,
        %bitcast3A = vector.bitcast %get3A_189 : vector<16xf32> to vector<32xbf16>
        %get3A_190 = arith.index_cast %scan3A_183 : i32 to index
        %get3A_191 = arith.constant 16 : index
        %get3A_192 = tpu.vector_load %arg6[%get3A_190, %get3A_191] {strides = array<i32>} : memref<200x32xf32, #tpu.memory_space<vmem>>, vector<16xf32>,
        %bitcast3A_193 = vector.bitcast %get3A_192 : vector<16xf32> to vector<32xbf16>
        %unpack3A = tpu.unpack_subelements %bitcast3A, 0 {pack_format = #tpu.pack_format<interleaved>} : vector<32xbf16> -> vector<16xf32>
        %unpack3A_194 = tpu.unpack_subelements %bitcast3A, 1 {pack_format = #tpu.pack_format<interleaved>} : vector<32xbf16> -> vector<16xf32>
        %unpack3A_195 = tpu.unpack_subelements %bitcast3A_193, 0 {pack_format = #tpu.pack_format<interleaved>} : vector<32xbf16> -> vector<16xf32>
        %unpack3A_196 = tpu.unpack_subelements %bitcast3A_193, 1 {pack_format = #tpu.pack_format<interleaved>} : vector<32xbf16> -> vector<16xf32>
        %add3A_197 = arith.addf %scan3A_184, %unpack3A : vector<16xf32>
        %add3A_198 = arith.addf %scan3A_185, %unpack3A_195 : vector<16xf32>
        %add3A_199 = arith.addf %scan3A_186, %unpack3A_194 : vector<16xf32>
        %add3A_200 = arith.addf %scan3A_187, %unpack3A_196 : vector<16xf32>
        %scan3A_201 = arith.constant 1 : i32
        %scan3A_202 = arith.addi %scan3A_183, %scan3A_201 : i32
        %get3A_203 = arith.index_cast %scan3A_202 : i32 to index
        %get3A_204 = arith.constant 0 : index
        %get3A_205 = tpu.vector_load %arg6[%get3A_203, %get3A_204] {strides = array<i32>} : memref<200x32xf32, #tpu.memory_space<vmem>>, vector<16xf32>,
        %bitcast3A_206 = vector.bitcast %get3A_205 : vector<16xf32> to vector<32xbf16>
        %get3A_207 = arith.index_cast %scan3A_202 : i32 to index
        %get3A_208 = arith.constant 16 : index
        %get3A_209 = tpu.vector_load %arg6[%get3A_207, %get3A_208] {strides = array<i32>} : memref<200x32xf32, #tpu.memory_space<vmem>>, vector<16xf32>,
        %bitcast3A_210 = vector.bitcast %get3A_209 : vector<16xf32> to vector<32xbf16>
        %unpack3A_211 = tpu.unpack_subelements %bitcast3A_206, 0 {pack_format = #tpu.pack_format<interleaved>} : vector<32xbf16> -> vector<16xf32>
        %unpack3A_212 = tpu.unpack_subelements %bitcast3A_206, 1 {pack_format = #tpu.pack_format<interleaved>} : vector<32xbf16> -> vector<16xf32>
        %unpack3A_213 = tpu.unpack_subelements %bitcast3A_210, 0 {pack_format = #tpu.pack_format<interleaved>} : vector<32xbf16> -> vector<16xf32>
        %unpack3A_214 = tpu.unpack_subelements %bitcast3A_210, 1 {pack_format = #tpu.pack_format<interleaved>} : vector<32xbf16> -> vector<16xf32>
        %add3A_215 = arith.addf %add3A_197, %unpack3A_211 : vector<16xf32>
        %add3A_216 = arith.addf %add3A_198, %unpack3A_213 : vector<16xf32>
        %add3A_217 = arith.addf %add3A_199, %unpack3A_212 : vector<16xf32>
        %add3A_218 = arith.addf %add3A_200, %unpack3A_214 : vector<16xf32>
        %scan3A_219 = arith.constant 2 : i32
        %scan3A_220 = arith.addi %scan3A_183, %scan3A_219 : i32
        %get3A_221 = arith.index_cast %scan3A_220 : i32 to index
        %get3A_222 = arith.constant 0 : index
        %get3A_223 = tpu.vector_load %arg6[%get3A_221, %get3A_222] {strides = array<i32>} : memref<200x32xf32, #tpu.memory_space<vmem>>, vector<16xf32>,
        %bitcast3A_224 = vector.bitcast %get3A_223 : vector<16xf32> to vector<32xbf16>
        %get3A_225 = arith.index_cast %scan3A_220 : i32 to index
        %get3A_226 = arith.constant 16 : index
        %get3A_227 = tpu.vector_load %arg6[%get3A_225, %get3A_226] {strides = array<i32>} : memref<200x32xf32, #tpu.memory_space<vmem>>, vector<16xf32>,
        %bitcast3A_228 = vector.bitcast %get3A_227 : vector<16xf32> to vector<32xbf16>
        %unpack3A_229 = tpu.unpack_subelements %bitcast3A_224, 0 {pack_format = #tpu.pack_format<interleaved>} : vector<32xbf16> -> vector<16xf32>
        %unpack3A_230 = tpu.unpack_subelements %bitcast3A_224, 1 {pack_format = #tpu.pack_format<interleaved>} : vector<32xbf16> -> vector<16xf32>
        %unpack3A_231 = tpu.unpack_subelements %bitcast3A_228, 0 {pack_format = #tpu.pack_format<interleaved>} : vector<32xbf16> -> vector<16xf32>
        %unpack3A_232 = tpu.unpack_subelements %bitcast3A_228, 1 {pack_format = #tpu.pack_format<interleaved>} : vector<32xbf16> -> vector<16xf32>
        %add3A_233 = arith.addf %add3A_215, %unpack3A_229 : vector<16xf32>
        %add3A_234 = arith.addf %add3A_216, %unpack3A_231 : vector<16xf32>
        %add3A_235 = arith.addf %add3A_217, %unpack3A_230 : vector<16xf32>
        %add3A_236 = arith.addf %add3A_218, %unpack3A_232 : vector<16xf32>
        %scan3A_237 = arith.constant 3 : i32
        %scan3A_238 = arith.addi %scan3A_183, %scan3A_237 : i32
        %get3A_239 = arith.index_cast %scan3A_238 : i32 to index
        %get3A_240 = arith.constant 0 : index
        %get3A_241 = tpu.vector_load %arg6[%get3A_239, %get3A_240] {strides = array<i32>} : memref<200x32xf32, #tpu.memory_space<vmem>>, vector<16xf32>,
        %bitcast3A_242 = vector.bitcast %get3A_241 : vector<16xf32> to vector<32xbf16>
        %get3A_243 = arith.index_cast %scan3A_238 : i32 to index
        %get3A_244 = arith.constant 16 : index
        %get3A_245 = tpu.vector_load %arg6[%get3A_243, %get3A_244] {strides = array<i32>} : memref<200x32xf32, #tpu.memory_space<vmem>>, vector<16xf32>,
        %bitcast3A_246 = vector.bitcast %get3A_245 : vector<16xf32> to vector<32xbf16>
        %unpack3A_247 = tpu.unpack_subelements %bitcast3A_242, 0 {pack_format = #tpu.pack_format<interleaved>} : vector<32xbf16> -> vector<16xf32>
        %unpack3A_248 = tpu.unpack_subelements %bitcast3A_242, 1 {pack_format = #tpu.pack_format<interleaved>} : vector<32xbf16> -> vector<16xf32>
        %unpack3A_249 = tpu.unpack_subelements %bitcast3A_246, 0 {pack_format = #tpu.pack_format<interleaved>} : vector<32xbf16> -> vector<16xf32>
        %unpack3A_250 = tpu.unpack_subelements %bitcast3A_246, 1 {pack_format = #tpu.pack_format<interleaved>} : vector<32xbf16> -> vector<16xf32>
        %add3A_251 = arith.addf %add3A_233, %unpack3A_247 : vector<16xf32>
        %add3A_252 = arith.addf %add3A_234, %unpack3A_249 : vector<16xf32>
        %add3A_253 = arith.addf %add3A_235, %unpack3A_248 : vector<16xf32>
        %add3A_254 = arith.addf %add3A_236, %unpack3A_250 : vector<16xf32>
        scf.yield %add3A_251, %add3A_252, %add3A_253, %add3A_254 : vector<16xf32>, vector<16xf32>, vector<16xf32>, vector<16xf32>
      }
      %scan3A_104 = arith.constant 200 : i32
      %swap3A = arith.index_cast %add3A_53 : i32 to index
      %swap3A_105 = arith.constant 0 : index
      %swap3A_106 = tpu.vector_load %arg8[%swap3A, %swap3A_105] {strides = array<i32>} : memref<128x64xf32, #tpu.memory_space<vmem>>, vector<16xf32>,
      tpu.vector_store %arg8[%swap3A, %swap3A_105], %scan3A_103#0 {strides = array<i32>} : memref<128x64xf32, #tpu.memory_space<vmem>>, vector<16xf32>,
      %swap3A_107 = arith.index_cast %add3A_53 : i32 to index
      %swap3A_108 = arith.constant 16 : index
      %swap3A_109 = tpu.vector_load %arg8[%swap3A_107, %swap3A_108] {strides = array<i32>} : memref<128x64xf32, #tpu.memory_space<vmem>>, vector<16xf32>,
      tpu.vector_store %arg8[%swap3A_107, %swap3A_108], %scan3A_103#1 {strides = array<i32>} : memref<128x64xf32, #tpu.memory_space<vmem>>, vector<16xf32>,
      %swap3A_110 = arith.index_cast %add3A_53 : i32 to index
      %swap3A_111 = arith.constant 32 : index
      %swap3A_112 = tpu.vector_load %arg8[%swap3A_110, %swap3A_111] {strides = array<i32>} : memref<128x64xf32, #tpu.memory_space<vmem>>, vector<16xf32>,
      tpu.vector_store %arg8[%swap3A_110, %swap3A_111], %scan3A_103#2 {strides = array<i32>} : memref<128x64xf32, #tpu.memory_space<vmem>>, vector<16xf32>,
      %swap3A_113 = arith.index_cast %add3A_53 : i32 to index
      %swap3A_114 = arith.constant 48 : index
      %swap3A_115 = tpu.vector_load %arg8[%swap3A_113, %swap3A_114] {strides = array<i32>} : memref<128x64xf32, #tpu.memory_space<vmem>>, vector<16xf32>,
      tpu.vector_store %arg8[%swap3A_113, %swap3A_114], %scan3A_103#3 {strides = array<i32>} : memref<128x64xf32, #tpu.memory_space<vmem>>, vector<16xf32>,
      %add3A_116 = arith.constant 2 : i32
      %add3A_117 = arith.addi %add3A_53, %add3A_116 : i32
      %min3A = arith.constant 127 : i32
      %min3A_118 = arith.minsi %add3A_117, %min3A : i32
      %dma_start3A_119 = arith.constant 0 : i32
      %dma_start3A_120 = arith.constant 0 : i32
      %dma_start3A_121 = tpu.memref_slice %arg6[%dma_start3A_119, %dma_start3A_120] : memref<200x32xf32, #tpu.memory_space<vmem>> -> memref<128x32xf32, #tpu.memory_space<vmem>>
      %dma_start3A_122 = arith.constant 0 : i32
      %dma_start3A_123 = tpu.memref_slice %arg5[%min3A_118, %dma_start3A_122] : memref<128x200xi32, #tpu.memory_space<vmem>> -> memref<1x128xi32, #tpu.memory_space<vmem>>
      %dma_start3A_124 = tpu.memref_squeeze %dma_start3A_123 : memref<1x128xi32, #tpu.memory_space<vmem>> -> memref<128xi32, #tpu.memory_space<vmem>>
      %dma_start3A_125 = arith.constant 0 : i32
      %dma_start3A_126 = arith.constant 0 : i32
      %dma_start3A_127 = tpu.memref_slice %arg3[%dma_start3A_125, %dma_start3A_126] : memref<1015808x32xf32, #tpu.memory_space<hbm>> -> memref<1015808x32xf32, #tpu.memory_space<hbm>>
      tpu.enqueue_indirect_dma source(%dma_start3A_127 : memref<1015808x32xf32, #tpu.memory_space<hbm>>) target(%dma_start3A_121 : memref<128x32xf32, #tpu.memory_space<vmem>>) offsets(%dma_start3A_124 : memref<128xi32, #tpu.memory_space<vmem>>) semaphore(%arg9 : memref<!tpu.dma_semaphore, #tpu.memory_space<semaphore_mem>>)
      %dma_start3A_128 = arith.constant 128 : i32
      %dma_start3A_129 = arith.constant 0 : i32
      %dma_start3A_130 = tpu.memref_slice %arg6[%dma_start3A_128, %dma_start3A_129] : memref<200x32xf32, #tpu.memory_space<vmem>> -> memref<72x32xf32, #tpu.memory_space<vmem>>
      %dma_start3A_131 = arith.constant 128 : i32
      %dma_start3A_132 = tpu.memref_slice %arg5[%min3A_118, %dma_start3A_131] : memref<128x200xi32, #tpu.memory_space<vmem>> -> memref<1x72xi32, #tpu.memory_space<vmem>>
      %dma_start3A_133 = tpu.memref_squeeze %dma_start3A_132 : memref<1x72xi32, #tpu.memory_space<vmem>> -> memref<72xi32, #tpu.memory_space<vmem>>
      %dma_start3A_134 = arith.constant 0 : i32
      %dma_start3A_135 = arith.constant 0 : i32
      %dma_start3A_136 = tpu.memref_slice %arg3[%dma_start3A_134, %dma_start3A_135] : memref<1015808x32xf32, #tpu.memory_space<hbm>> -> memref<1015808x32xf32, #tpu.memory_space<hbm>>
      tpu.enqueue_indirect_dma source(%dma_start3A_136 : memref<1015808x32xf32, #tpu.memory_space<hbm>>) target(%dma_start3A_130 : memref<72x32xf32, #tpu.memory_space<vmem>>) offsets(%dma_start3A_133 : memref<72xi32, #tpu.memory_space<vmem>>) semaphore(%arg9 : memref<!tpu.dma_semaphore, #tpu.memory_space<semaphore_mem>>)
      %dma_wait3A_137 = arith.constant 0 : i32
      %dma_wait3A_138 = arith.constant 0 : i32
      %dma_wait3A_139 = tpu.memref_slice %arg7[%dma_wait3A_137, %dma_wait3A_138] : memref<200x32xf32, #tpu.memory_space<vmem>> -> memref<128x32xf32, #tpu.memory_space<vmem>>
      %dma_wait3A_140 = arith.constant 0 : i32
      %dma_wait3A_141 = arith.constant 0 : i32
      %dma_wait3A_142 = tpu.memref_slice %arg3[%dma_wait3A_140, %dma_wait3A_141] : memref<1015808x32xf32, #tpu.memory_space<hbm>> -> memref<128x32xf32, #tpu.memory_space<hbm>>
      %dma_wait3A_143 = arith.constant 0 : i32
      %dma_wait3A_144 = arith.constant 0 : i32
      %dma_wait3A_145 = tpu.memref_slice %arg7[%dma_wait3A_143, %dma_wait3A_144] : memref<200x32xf32, #tpu.memory_space<vmem>> -> memref<128x32xf32, #tpu.memory_space<vmem>>
      %dma_wait3A_146 = arith.constant 0 : i32
      %dma_wait3A_147 = arith.constant 0 : i32
      %dma_wait3A_148 = tpu.memref_slice %arg3[%dma_wait3A_146, %dma_wait3A_147] : memref<1015808x32xf32, #tpu.memory_space<hbm>> -> memref<128x32xf32, #tpu.memory_space<hbm>>
      tpu.wait_dma2 semaphore(%arg10 : memref<!tpu.dma_semaphore, #tpu.memory_space<semaphore_mem>>) src(%dma_wait3A_148 : memref<128x32xf32, #tpu.memory_space<hbm>>) dst(%dma_wait3A_145 : memref<128x32xf32, #tpu.memory_space<vmem>>)
      %dma_wait3A_149 = arith.constant 128 : i32
      %dma_wait3A_150 = arith.constant 0 : i32
      %dma_wait3A_151 = tpu.memref_slice %arg7[%dma_wait3A_149, %dma_wait3A_150] : memref<200x32xf32, #tpu.memory_space<vmem>> -> memref<72x32xf32, #tpu.memory_space<vmem>>
      %dma_wait3A_152 = arith.constant 0 : i32
      %dma_wait3A_153 = arith.constant 0 : i32
      %dma_wait3A_154 = tpu.memref_slice %arg3[%dma_wait3A_152, %dma_wait3A_153] : memref<1015808x32xf32, #tpu.memory_space<hbm>> -> memref<72x32xf32, #tpu.memory_space<hbm>>
      %dma_wait3A_155 = arith.constant 128 : i32
      %dma_wait3A_156 = arith.constant 0 : i32
      %dma_wait3A_157 = tpu.memref_slice %arg7[%dma_wait3A_155, %dma_wait3A_156] : memref<200x32xf32, #tpu.memory_space<vmem>> -> memref<72x32xf32, #tpu.memory_space<vmem>>
      %dma_wait3A_158 = arith.constant 0 : i32
      %dma_wait3A_159 = arith.constant 0 : i32
      %dma_wait3A_160 = tpu.memref_slice %arg3[%dma_wait3A_158, %dma_wait3A_159] : memref<1015808x32xf32, #tpu.memory_space<hbm>> -> memref<72x32xf32, #tpu.memory_space<hbm>>
      tpu.wait_dma2 semaphore(%arg10 : memref<!tpu.dma_semaphore, #tpu.memory_space<semaphore_mem>>) src(%dma_wait3A_160 : memref<72x32xf32, #tpu.memory_space<hbm>>) dst(%dma_wait3A_157 : memref<72x32xf32, #tpu.memory_space<vmem>>)
      %add3A_161 = arith.constant 1 : i32
      %add3A_162 = arith.addi %add3A_53, %add3A_161 : i32
      %broadcast_in_dim3A_163 = arith.constant 0.000000e+00 : f32
      %broadcast_in_dim3A_164 = vector.broadcast %broadcast_in_dim3A_163 : f32 to vector<16xf32>
      %scan3A_165 = arith.constant 0 : i32
      %scan3A_166 = arith.constant 200 : i32
      %scan3A_167 = arith.addi %scan3A_165, %scan3A_166 : i32
      %scan3A_168 = arith.constant 4 : i32
      %scan3A_169:4 = scf.for %scan3A_183 = %scan3A_165 to %scan3A_167 step %scan3A_168 iter_args(%scan3A_184 = %broadcast_in_dim3A_164, %scan3A_185 = %broadcast_in_dim3A_164, %scan3A_186 = %broadcast_in_dim3A_164, %scan3A_187 = %broadcast_in_dim3A_164) -> (vector<16xf32>, vector<16xf32>, vector<16xf32>, vector<16xf32>)  : i32 {
        %get3A = arith.index_cast %scan3A_183 : i32 to index
        %get3A_188 = arith.constant 0 : index
        %get3A_189 = tpu.vector_load %arg7[%get3A, %get3A_188] {strides = array<i32>} : memref<200x32xf32, #tpu.memory_space<vmem>>, vector<16xf32>,
        %bitcast3A = vector.bitcast %get3A_189 : vector<16xf32> to vector<32xbf16>
        %get3A_190 = arith.index_cast %scan3A_183 : i32 to index
        %get3A_191 = arith.constant 16 : index
        %get3A_192 = tpu.vector_load %arg7[%get3A_190, %get3A_191] {strides = array<i32>} : memref<200x32xf32, #tpu.memory_space<vmem>>, vector<16xf32>,
        %bitcast3A_193 = vector.bitcast %get3A_192 : vector<16xf32> to vector<32xbf16>
        %unpack3A = tpu.unpack_subelements %bitcast3A, 0 {pack_format = #tpu.pack_format<interleaved>} : vector<32xbf16> -> vector<16xf32>
        %unpack3A_194 = tpu.unpack_subelements %bitcast3A, 1 {pack_format = #tpu.pack_format<interleaved>} : vector<32xbf16> -> vector<16xf32>
        %unpack3A_195 = tpu.unpack_subelements %bitcast3A_193, 0 {pack_format = #tpu.pack_format<interleaved>} : vector<32xbf16> -> vector<16xf32>
        %unpack3A_196 = tpu.unpack_subelements %bitcast3A_193, 1 {pack_format = #tpu.pack_format<interleaved>} : vector<32xbf16> -> vector<16xf32>
        %add3A_197 = arith.addf %scan3A_184, %unpack3A : vector<16xf32>
        %add3A_198 = arith.addf %scan3A_185, %unpack3A_195 : vector<16xf32>
        %add3A_199 = arith.addf %scan3A_186, %unpack3A_194 : vector<16xf32>
        %add3A_200 = arith.addf %scan3A_187, %unpack3A_196 : vector<16xf32>
        %scan3A_201 = arith.constant 1 : i32
        %scan3A_202 = arith.addi %scan3A_183, %scan3A_201 : i32
        %get3A_203 = arith.index_cast %scan3A_202 : i32 to index
        %get3A_204 = arith.constant 0 : index
        %get3A_205 = tpu.vector_load %arg7[%get3A_203, %get3A_204] {strides = array<i32>} : memref<200x32xf32, #tpu.memory_space<vmem>>, vector<16xf32>,
        %bitcast3A_206 = vector.bitcast %get3A_205 : vector<16xf32> to vector<32xbf16>
        %get3A_207 = arith.index_cast %scan3A_202 : i32 to index
        %get3A_208 = arith.constant 16 : index
        %get3A_209 = tpu.vector_load %arg7[%get3A_207, %get3A_208] {strides = array<i32>} : memref<200x32xf32, #tpu.memory_space<vmem>>, vector<16xf32>,
        %bitcast3A_210 = vector.bitcast %get3A_209 : vector<16xf32> to vector<32xbf16>
        %unpack3A_211 = tpu.unpack_subelements %bitcast3A_206, 0 {pack_format = #tpu.pack_format<interleaved>} : vector<32xbf16> -> vector<16xf32>
        %unpack3A_212 = tpu.unpack_subelements %bitcast3A_206, 1 {pack_format = #tpu.pack_format<interleaved>} : vector<32xbf16> -> vector<16xf32>
        %unpack3A_213 = tpu.unpack_subelements %bitcast3A_210, 0 {pack_format = #tpu.pack_format<interleaved>} : vector<32xbf16> -> vector<16xf32>
        %unpack3A_214 = tpu.unpack_subelements %bitcast3A_210, 1 {pack_format = #tpu.pack_format<interleaved>} : vector<32xbf16> -> vector<16xf32>
        %add3A_215 = arith.addf %add3A_197, %unpack3A_211 : vector<16xf32>
        %add3A_216 = arith.addf %add3A_198, %unpack3A_213 : vector<16xf32>
        %add3A_217 = arith.addf %add3A_199, %unpack3A_212 : vector<16xf32>
        %add3A_218 = arith.addf %add3A_200, %unpack3A_214 : vector<16xf32>
        %scan3A_219 = arith.constant 2 : i32
        %scan3A_220 = arith.addi %scan3A_183, %scan3A_219 : i32
        %get3A_221 = arith.index_cast %scan3A_220 : i32 to index
        %get3A_222 = arith.constant 0 : index
        %get3A_223 = tpu.vector_load %arg7[%get3A_221, %get3A_222] {strides = array<i32>} : memref<200x32xf32, #tpu.memory_space<vmem>>, vector<16xf32>,
        %bitcast3A_224 = vector.bitcast %get3A_223 : vector<16xf32> to vector<32xbf16>
        %get3A_225 = arith.index_cast %scan3A_220 : i32 to index
        %get3A_226 = arith.constant 16 : index
        %get3A_227 = tpu.vector_load %arg7[%get3A_225, %get3A_226] {strides = array<i32>} : memref<200x32xf32, #tpu.memory_space<vmem>>, vector<16xf32>,
        %bitcast3A_228 = vector.bitcast %get3A_227 : vector<16xf32> to vector<32xbf16>
        %unpack3A_229 = tpu.unpack_subelements %bitcast3A_224, 0 {pack_format = #tpu.pack_format<interleaved>} : vector<32xbf16> -> vector<16xf32>
        %unpack3A_230 = tpu.unpack_subelements %bitcast3A_224, 1 {pack_format = #tpu.pack_format<interleaved>} : vector<32xbf16> -> vector<16xf32>
        %unpack3A_231 = tpu.unpack_subelements %bitcast3A_228, 0 {pack_format = #tpu.pack_format<interleaved>} : vector<32xbf16> -> vector<16xf32>
        %unpack3A_232 = tpu.unpack_subelements %bitcast3A_228, 1 {pack_format = #tpu.pack_format<interleaved>} : vector<32xbf16> -> vector<16xf32>
        %add3A_233 = arith.addf %add3A_215, %unpack3A_229 : vector<16xf32>
        %add3A_234 = arith.addf %add3A_216, %unpack3A_231 : vector<16xf32>
        %add3A_235 = arith.addf %add3A_217, %unpack3A_230 : vector<16xf32>
        %add3A_236 = arith.addf %add3A_218, %unpack3A_232 : vector<16xf32>
        %scan3A_237 = arith.constant 3 : i32
        %scan3A_238 = arith.addi %scan3A_183, %scan3A_237 : i32
        %get3A_239 = arith.index_cast %scan3A_238 : i32 to index
        %get3A_240 = arith.constant 0 : index
        %get3A_241 = tpu.vector_load %arg7[%get3A_239, %get3A_240] {strides = array<i32>} : memref<200x32xf32, #tpu.memory_space<vmem>>, vector<16xf32>,
        %bitcast3A_242 = vector.bitcast %get3A_241 : vector<16xf32> to vector<32xbf16>
        %get3A_243 = arith.index_cast %scan3A_238 : i32 to index
        %get3A_244 = arith.constant 16 : index
        %get3A_245 = tpu.vector_load %arg7[%get3A_243, %get3A_244] {strides = array<i32>} : memref<200x32xf32, #tpu.memory_space<vmem>>, vector<16xf32>,
        %bitcast3A_246 = vector.bitcast %get3A_245 : vector<16xf32> to vector<32xbf16>
        %unpack3A_247 = tpu.unpack_subelements %bitcast3A_242, 0 {pack_format = #tpu.pack_format<interleaved>} : vector<32xbf16> -> vector<16xf32>
        %unpack3A_248 = tpu.unpack_subelements %bitcast3A_242, 1 {pack_format = #tpu.pack_format<interleaved>} : vector<32xbf16> -> vector<16xf32>
        %unpack3A_249 = tpu.unpack_subelements %bitcast3A_246, 0 {pack_format = #tpu.pack_format<interleaved>} : vector<32xbf16> -> vector<16xf32>
        %unpack3A_250 = tpu.unpack_subelements %bitcast3A_246, 1 {pack_format = #tpu.pack_format<interleaved>} : vector<32xbf16> -> vector<16xf32>
        %add3A_251 = arith.addf %add3A_233, %unpack3A_247 : vector<16xf32>
        %add3A_252 = arith.addf %add3A_234, %unpack3A_249 : vector<16xf32>
        %add3A_253 = arith.addf %add3A_235, %unpack3A_248 : vector<16xf32>
        %add3A_254 = arith.addf %add3A_236, %unpack3A_250 : vector<16xf32>
        scf.yield %add3A_251, %add3A_252, %add3A_253, %add3A_254 : vector<16xf32>, vector<16xf32>, vector<16xf32>, vector<16xf32>
      }
      %scan3A_170 = arith.constant 200 : i32
      %swap3A_171 = arith.index_cast %add3A_162 : i32 to index
      %swap3A_172 = arith.constant 0 : index
      %swap3A_173 = tpu.vector_load %arg8[%swap3A_171, %swap3A_172] {strides = array<i32>} : memref<128x64xf32, #tpu.memory_space<vmem>>, vector<16xf32>,
      tpu.vector_store %arg8[%swap3A_171, %swap3A_172], %scan3A_169#0 {strides = array<i32>} : memref<128x64xf32, #tpu.memory_space<vmem>>, vector<16xf32>,
      %swap3A_174 = arith.index_cast %add3A_162 : i32 to index
      %swap3A_175 = arith.constant 16 : index
      %swap3A_176 = tpu.vector_load %arg8[%swap3A_174, %swap3A_175] {strides = array<i32>} : memref<128x64xf32, #tpu.memory_space<vmem>>, vector<16xf32>,
      tpu.vector_store %arg8[%swap3A_174, %swap3A_175], %scan3A_169#1 {strides = array<i32>} : memref<128x64xf32, #tpu.memory_space<vmem>>, vector<16xf32>,
      %swap3A_177 = arith.index_cast %add3A_162 : i32 to index
      %swap3A_178 = arith.constant 32 : index
      %swap3A_179 = tpu.vector_load %arg8[%swap3A_177, %swap3A_178] {strides = array<i32>} : memref<128x64xf32, #tpu.memory_space<vmem>>, vector<16xf32>,
      tpu.vector_store %arg8[%swap3A_177, %swap3A_178], %scan3A_169#2 {strides = array<i32>} : memref<128x64xf32, #tpu.memory_space<vmem>>, vector<16xf32>,
      %swap3A_180 = arith.index_cast %add3A_162 : i32 to index
      %swap3A_181 = arith.constant 48 : index
      %swap3A_182 = tpu.vector_load %arg8[%swap3A_180, %swap3A_181] {strides = array<i32>} : memref<128x64xf32, #tpu.memory_space<vmem>>, vector<16xf32>,
      tpu.vector_store %arg8[%swap3A_180, %swap3A_181], %scan3A_169#3 {strides = array<i32>} : memref<128x64xf32, #tpu.memory_space<vmem>>, vector<16xf32>,
    }
    %scan3A_25 = arith.constant 64 : i32
    %dma_wait3A = arith.constant 0 : i32
    %dma_wait3A_26 = arith.constant 0 : i32
    %dma_wait3A_27 = tpu.memref_slice %arg6[%dma_wait3A, %dma_wait3A_26] : memref<200x32xf32, #tpu.memory_space<vmem>> -> memref<128x32xf32, #tpu.memory_space<vmem>>
    %dma_wait3A_28 = arith.constant 0 : i32
    %dma_wait3A_29 = arith.constant 0 : i32
    %dma_wait3A_30 = tpu.memref_slice %arg3[%dma_wait3A_28, %dma_wait3A_29] : memref<1015808x32xf32, #tpu.memory_space<hbm>> -> memref<128x32xf32, #tpu.memory_space<hbm>>
    %dma_wait3A_31 = arith.constant 0 : i32
    %dma_wait3A_32 = arith.constant 0 : i32
    %dma_wait3A_33 = tpu.memref_slice %arg6[%dma_wait3A_31, %dma_wait3A_32] : memref<200x32xf32, #tpu.memory_space<vmem>> -> memref<128x32xf32, #tpu.memory_space<vmem>>
    %dma_wait3A_34 = arith.constant 0 : i32
    %dma_wait3A_35 = arith.constant 0 : i32
    %dma_wait3A_36 = tpu.memref_slice %arg3[%dma_wait3A_34, %dma_wait3A_35] : memref<1015808x32xf32, #tpu.memory_space<hbm>> -> memref<128x32xf32, #tpu.memory_space<hbm>>
    tpu.wait_dma2 semaphore(%arg9 : memref<!tpu.dma_semaphore, #tpu.memory_space<semaphore_mem>>) src(%dma_wait3A_36 : memref<128x32xf32, #tpu.memory_space<hbm>>) dst(%dma_wait3A_33 : memref<128x32xf32, #tpu.memory_space<vmem>>)
    %dma_wait3A_37 = arith.constant 128 : i32
    %dma_wait3A_38 = arith.constant 0 : i32
    %dma_wait3A_39 = tpu.memref_slice %arg6[%dma_wait3A_37, %dma_wait3A_38] : memref<200x32xf32, #tpu.memory_space<vmem>> -> memref<72x32xf32, #tpu.memory_space<vmem>>
    %dma_wait3A_40 = arith.constant 0 : i32
    %dma_wait3A_41 = arith.constant 0 : i32
    %dma_wait3A_42 = tpu.memref_slice %arg3[%dma_wait3A_40, %dma_wait3A_41] : memref<1015808x32xf32, #tpu.memory_space<hbm>> -> memref<72x32xf32, #tpu.memory_space<hbm>>
    %dma_wait3A_43 = arith.constant 128 : i32
    %dma_wait3A_44 = arith.constant 0 : i32
    %dma_wait3A_45 = tpu.memref_slice %arg6[%dma_wait3A_43, %dma_wait3A_44] : memref<200x32xf32, #tpu.memory_space<vmem>> -> memref<72x32xf32, #tpu.memory_space<vmem>>
    %dma_wait3A_46 = arith.constant 0 : i32
    %dma_wait3A_47 = arith.constant 0 : i32
    %dma_wait3A_48 = tpu.memref_slice %arg3[%dma_wait3A_46, %dma_wait3A_47] : memref<1015808x32xf32, #tpu.memory_space<hbm>> -> memref<72x32xf32, #tpu.memory_space<hbm>>
    tpu.wait_dma2 semaphore(%arg9 : memref<!tpu.dma_semaphore, #tpu.memory_space<semaphore_mem>>) src(%dma_wait3A_48 : memref<72x32xf32, #tpu.memory_space<hbm>>) dst(%dma_wait3A_45 : memref<72x32xf32, #tpu.memory_space<vmem>>)
    "tpu.region"() ({
      %run_scoped3A = tpu.sem_alloc : memref<!tpu.dma_semaphore, #tpu.memory_space<semaphore_mem>>
      %dma_start3A_49 = arith.constant 0 : i32
      %dma_start3A_50 = tpu.memref_slice %arg4[%mul3A_2, %dma_start3A_49] : memref<4096x64xf32, #tpu.memory_space<hbm>> -> memref<128x64xf32, #tpu.memory_space<hbm>>
      %dma_start3A_51 = arith.constant 0 : i32
      %dma_start3A_52 = tpu.memref_slice %arg4[%mul3A_2, %dma_start3A_51] : memref<4096x64xf32, #tpu.memory_space<hbm>> -> memref<128x64xf32, #tpu.memory_space<hbm>>
      tpu.enqueue_dma source(%arg8 : memref<128x64xf32, #tpu.memory_space<vmem>>) target(%dma_start3A_52 : memref<128x64xf32, #tpu.memory_space<hbm>>) target_semaphore(%run_scoped3A : memref<!tpu.dma_semaphore, #tpu.memory_space<semaphore_mem>>)
      %dma_wait3A_53 = arith.constant 0 : i32
      %dma_wait3A_54 = tpu.memref_slice %arg4[%mul3A_2, %dma_wait3A_53] : memref<4096x64xf32, #tpu.memory_space<hbm>> -> memref<128x64xf32, #tpu.memory_space<hbm>>
      %dma_wait3A_55 = arith.constant 0 : i32
      %dma_wait3A_56 = tpu.memref_slice %arg4[%mul3A_2, %dma_wait3A_55] : memref<4096x64xf32, #tpu.memory_space<hbm>> -> memref<128x64xf32, #tpu.memory_space<hbm>>
      tpu.wait_dma2 semaphore(%run_scoped3A : memref<!tpu.dma_semaphore, #tpu.memory_space<semaphore_mem>>) src(%arg8 : memref<128x64xf32, #tpu.memory_space<vmem>>) dst(%dma_wait3A_56 : memref<128x64xf32, #tpu.memory_space<hbm>>)
      tpu.yield
    }) : () -> ()
    return
  }
}

#map = affine_map<(d0, d1) -> (0, 0)>
module attributes {stable_mosaic.version = 14 : i64} {
  func.func @kern(%arg0: i32, %arg1: i32, %arg2: memref<4096x200xi32, #tpu.memory_space<hbm>>, %arg3: memref<1015808x32xf32, #tpu.memory_space<hbm>>, %arg4: memref<4096x64xf32, #tpu.memory_space<hbm>>, %arg5: memref<128x200xi32, #tpu.memory_space<vmem>>, %arg6: memref<200x32xf32, #tpu.memory_space<vmem>>, %arg7: memref<200x32xf32, #tpu.memory_space<vmem>>, %arg8: memref<128x64xf32, #tpu.memory_space<vmem>>, %arg9: memref<!tpu.dma_semaphore, #tpu.memory_space<semaphore_mem>>, %arg10: memref<!tpu.dma_semaphore, #tpu.memory_space<semaphore_mem>>) attributes {dimension_semantics = [#tpu.dimension_semantics<core_parallel>, #tpu.dimension_semantics<subcore_parallel>], iteration_bounds = array<i64: 2, 16>, scalar_prefetch = 0 : i64, scratch_operands = 6 : i64, tpu.core_type = #tpu.core_type<sc_vector_subcore>, window_params = [{transform_indices = #map}, {transform_indices = #map}, {transform_indices = #map}]} {
    %mul3A = arith.constant 16 : i32
    %mul3A_0 = arith.muli %arg0, %mul3A : i32
    %add3A = arith.addi %mul3A_0, %arg1 : i32
    %mul3A_1 = arith.constant 128 : i32
    %mul3A_2 = arith.muli %add3A, %mul3A_1 : i32
    "tpu.region"() ({
      %run_scoped3A = tpu.sem_alloc : memref<!tpu.dma_semaphore, #tpu.memory_space<semaphore_mem>>
      %dma_start3A_49 = arith.constant 0 : i32
      %dma_start3A_50 = tpu.memref_slice %arg2[%mul3A_2, %dma_start3A_49] : memref<4096x200xi32, #tpu.memory_space<hbm>> -> memref<128x200xi32, #tpu.memory_space<hbm>>
      %dma_start3A_51 = arith.constant 0 : i32
      %dma_start3A_52 = tpu.memref_slice %arg2[%mul3A_2, %dma_start3A_51] : memref<4096x200xi32, #tpu.memory_space<hbm>> -> memref<128x200xi32, #tpu.memory_space<hbm>>
      tpu.enqueue_dma source(%dma_start3A_52 : memref<128x200xi32, #tpu.memory_space<hbm>>) target(%arg5 : memref<128x200xi32, #tpu.memory_space<vmem>>) target_semaphore(%run_scoped3A : memref<!tpu.dma_semaphore, #tpu.memory_space<semaphore_mem>>)
      %dma_wait3A_53 = arith.constant 0 : i32
      %dma_wait3A_54 = tpu.memref_slice %arg2[%mul3A_2, %dma_wait3A_53] : memref<4096x200xi32, #tpu.memory_space<hbm>> -> memref<128x200xi32, #tpu.memory_space<hbm>>
      %dma_wait3A_55 = arith.constant 0 : i32
      %dma_wait3A_56 = tpu.memref_slice %arg2[%mul3A_2, %dma_wait3A_55] : memref<4096x200xi32, #tpu.memory_space<hbm>> -> memref<128x200xi32, #tpu.memory_space<hbm>>
      tpu.wait_dma2 semaphore(%run_scoped3A : memref<!tpu.dma_semaphore, #tpu.memory_space<semaphore_mem>>) src(%dma_wait3A_56 : memref<128x200xi32, #tpu.memory_space<hbm>>) dst(%arg5 : memref<128x200xi32, #tpu.memory_space<vmem>>)
      tpu.yield
    }) : () -> ()
    %dma_start3A = arith.constant 0 : i32
    %dma_start3A_3 = arith.constant 0 : i32
    %dma_start3A_4 = arith.constant 0 : i32
    %dma_start3A_5 = tpu.memref_slice %arg6[%dma_start3A_3, %dma_start3A_4] : memref<200x32xf32, #tpu.memory_space<vmem>> -> memref<128x32xf32, #tpu.memory_space<vmem>>
    %dma_start3A_6 = arith.constant 0 : i32
    %dma_start3A_7 = tpu.memref_slice %arg5[%dma_start3A, %dma_start3A_6] : memref<128x200xi32, #tpu.memory_space<vmem>> -> memref<1x128xi32, #tpu.memory_space<vmem>>
    %dma_start3A_8 = tpu.memref_squeeze %dma_start3A_7 : memref<1x128xi32, #tpu.memory_space<vmem>> -> memref<128xi32, #tpu.memory_space<vmem>>
    %dma_start3A_9 = arith.constant 0 : i32
    %dma_start3A_10 = arith.constant 0 : i32
    %dma_start3A_11 = tpu.memref_slice %arg3[%dma_start3A_9, %dma_start3A_10] : memref<1015808x32xf32, #tpu.memory_space<hbm>> -> memref<1015808x32xf32, #tpu.memory_space<hbm>>
    tpu.enqueue_indirect_dma source(%dma_start3A_11 : memref<1015808x32xf32, #tpu.memory_space<hbm>>) target(%dma_start3A_5 : memref<128x32xf32, #tpu.memory_space<vmem>>) offsets(%dma_start3A_8 : memref<128xi32, #tpu.memory_space<vmem>>) semaphore(%arg9 : memref<!tpu.dma_semaphore, #tpu.memory_space<semaphore_mem>>)
    %dma_start3A_12 = arith.constant 0 : i32
    %dma_start3A_13 = arith.constant 128 : i32
    %dma_start3A_14 = arith.constant 0 : i32
    %dma_start3A_15 = tpu.memref_slice %arg6[%dma_start3A_13, %dma_start3A_14] : memref<200x32xf32, #tpu.memory_space<vmem>> -> memref<72x32xf32, #tpu.memory_space<vmem>>
    %dma_start3A_16 = arith.constant 128 : i32
    %dma_start3A_17 = tpu.memref_slice %arg5[%dma_start3A_12, %dma_start3A_16] : memref<128x200xi32, #tpu.memory_space<vmem>> -> memref<1x72xi32, #tpu.memory_space<vmem>>
    %dma_start3A_18 = tpu.memref_squeeze %dma_start3A_17 : memref<1x72xi32, #tpu.memory_space<vmem>> -> memref<72xi32, #tpu.memory_space<vmem>>
    %dma_start3A_19 = arith.constant 0 : i32
    %dma_start3A_20 = arith.constant 0 : i32
    %dma_start3A_21 = tpu.memref_slice %arg3[%dma_start3A_19, %dma_start3A_20] : memref<1015808x32xf32, #tpu.memory_space<hbm>> -> memref<1015808x32xf32, #tpu.memory_space<hbm>>
    tpu.enqueue_indirect_dma source(%dma_start3A_21 : memref<1015808x32xf32, #tpu.memory_space<hbm>>) target(%dma_start3A_15 : memref<72x32xf32, #tpu.memory_space<vmem>>) offsets(%dma_start3A_18 : memref<72xi32, #tpu.memory_space<vmem>>) semaphore(%arg9 : memref<!tpu.dma_semaphore, #tpu.memory_space<semaphore_mem>>)
    %scan3A = arith.constant 0 : i32
    %scan3A_22 = arith.constant 64 : i32
    %scan3A_23 = arith.addi %scan3A, %scan3A_22 : i32
    %scan3A_24 = arith.constant 1 : i32
    scf.for %scan3A_49 = %scan3A to %scan3A_23 step %scan3A_24  : i32 {
      %mul3A_50 = arith.constant 2 : i32
      %mul3A_51 = arith.muli %scan3A_49, %mul3A_50 : i32
      %add3A_52 = arith.constant 0 : i32
      %add3A_53 = arith.addi %add3A_52, %mul3A_51 : i32
      %add3A_54 = arith.constant 1 : i32
      %add3A_55 = arith.addi %add3A_53, %add3A_54 : i32
      %dma_start3A_56 = arith.constant 0 : i32
      %dma_start3A_57 = arith.constant 0 : i32
      %dma_start3A_58 = tpu.memref_slice %arg7[%dma_start3A_56, %dma_start3A_57] : memref<200x32xf32, #tpu.memory_space<vmem>> -> memref<128x32xf32, #tpu.memory_space<vmem>>
      %dma_start3A_59 = arith.constant 0 : i32
      %dma_start3A_60 = tpu.memref_slice %arg5[%add3A_55, %dma_start3A_59] : memref<128x200xi32, #tpu.memory_space<vmem>> -> memref<1x128xi32, #tpu.memory_space<vmem>>
      %dma_start3A_61 = tpu.memref_squeeze %dma_start3A_60 : memref<1x128xi32, #tpu.memory_space<vmem>> -> memref<128xi32, #tpu.memory_space<vmem>>
      %dma_start3A_62 = arith.constant 0 : i32
      %dma_start3A_63 = arith.constant 0 : i32
      %dma_start3A_64 = tpu.memref_slice %arg3[%dma_start3A_62, %dma_start3A_63] : memref<1015808x32xf32, #tpu.memory_space<hbm>> -> memref<1015808x32xf32, #tpu.memory_space<hbm>>
      tpu.enqueue_indirect_dma source(%dma_start3A_64 : memref<1015808x32xf32, #tpu.memory_space<hbm>>) target(%dma_start3A_58 : memref<128x32xf32, #tpu.memory_space<vmem>>) offsets(%dma_start3A_61 : memref<128xi32, #tpu.memory_space<vmem>>) semaphore(%arg10 : memref<!tpu.dma_semaphore, #tpu.memory_space<semaphore_mem>>)
      %dma_start3A_65 = arith.constant 128 : i32
      %dma_start3A_66 = arith.constant 0 : i32
      %dma_start3A_67 = tpu.memref_slice %arg7[%dma_start3A_65, %dma_start3A_66] : memref<200x32xf32, #tpu.memory_space<vmem>> -> memref<72x32xf32, #tpu.memory_space<vmem>>
      %dma_start3A_68 = arith.constant 128 : i32
      %dma_start3A_69 = tpu.memref_slice %arg5[%add3A_55, %dma_start3A_68] : memref<128x200xi32, #tpu.memory_space<vmem>> -> memref<1x72xi32, #tpu.memory_space<vmem>>
      %dma_start3A_70 = tpu.memref_squeeze %dma_start3A_69 : memref<1x72xi32, #tpu.memory_space<vmem>> -> memref<72xi32, #tpu.memory_space<vmem>>
      %dma_start3A_71 = arith.constant 0 : i32
      %dma_start3A_72 = arith.constant 0 : i32
      %dma_start3A_73 = tpu.memref_slice %arg3[%dma_start3A_71, %dma_start3A_72] : memref<1015808x32xf32, #tpu.memory_space<hbm>> -> memref<1015808x32xf32, #tpu.memory_space<hbm>>
      tpu.enqueue_indirect_dma source(%dma_start3A_73 : memref<1015808x32xf32, #tpu.memory_space<hbm>>) target(%dma_start3A_67 : memref<72x32xf32, #tpu.memory_space<vmem>>) offsets(%dma_start3A_70 : memref<72xi32, #tpu.memory_space<vmem>>) semaphore(%arg10 : memref<!tpu.dma_semaphore, #tpu.memory_space<semaphore_mem>>)
      %dma_wait3A_74 = arith.constant 0 : i32
      %dma_wait3A_75 = arith.constant 0 : i32
      %dma_wait3A_76 = tpu.memref_slice %arg6[%dma_wait3A_74, %dma_wait3A_75] : memref<200x32xf32, #tpu.memory_space<vmem>> -> memref<128x32xf32, #tpu.memory_space<vmem>>
      %dma_wait3A_77 = arith.constant 0 : i32
      %dma_wait3A_78 = arith.constant 0 : i32
      %dma_wait3A_79 = tpu.memref_slice %arg3[%dma_wait3A_77, %dma_wait3A_78] : memref<1015808x32xf32, #tpu.memory_space<hbm>> -> memref<128x32xf32, #tpu.memory_space<hbm>>
      %dma_wait3A_80 = arith.constant 0 : i32
      %dma_wait3A_81 = arith.constant 0 : i32
      %dma_wait3A_82 = tpu.memref_slice %arg6[%dma_wait3A_80, %dma_wait3A_81] : memref<200x32xf32, #tpu.memory_space<vmem>> -> memref<128x32xf32, #tpu.memory_space<vmem>>
      %dma_wait3A_83 = arith.constant 0 : i32
      %dma_wait3A_84 = arith.constant 0 : i32
      %dma_wait3A_85 = tpu.memref_slice %arg3[%dma_wait3A_83, %dma_wait3A_84] : memref<1015808x32xf32, #tpu.memory_space<hbm>> -> memref<128x32xf32, #tpu.memory_space<hbm>>
      tpu.wait_dma2 semaphore(%arg9 : memref<!tpu.dma_semaphore, #tpu.memory_space<semaphore_mem>>) src(%dma_wait3A_85 : memref<128x32xf32, #tpu.memory_space<hbm>>) dst(%dma_wait3A_82 : memref<128x32xf32, #tpu.memory_space<vmem>>)
      %dma_wait3A_86 = arith.constant 128 : i32
      %dma_wait3A_87 = arith.constant 0 : i32
      %dma_wait3A_88 = tpu.memref_slice %arg6[%dma_wait3A_86, %dma_wait3A_87] : memref<200x32xf32, #tpu.memory_space<vmem>> -> memref<72x32xf32, #tpu.memory_space<vmem>>
      %dma_wait3A_89 = arith.constant 0 : i32
      %dma_wait3A_90 = arith.constant 0 : i32
      %dma_wait3A_91 = tpu.memref_slice %arg3[%dma_wait3A_89, %dma_wait3A_90] : memref<1015808x32xf32, #tpu.memory_space<hbm>> -> memref<72x32xf32, #tpu.memory_space<hbm>>
      %dma_wait3A_92 = arith.constant 128 : i32
      %dma_wait3A_93 = arith.constant 0 : i32
      %dma_wait3A_94 = tpu.memref_slice %arg6[%dma_wait3A_92, %dma_wait3A_93] : memref<200x32xf32, #tpu.memory_space<vmem>> -> memref<72x32xf32, #tpu.memory_space<vmem>>
      %dma_wait3A_95 = arith.constant 0 : i32
      %dma_wait3A_96 = arith.constant 0 : i32
      %dma_wait3A_97 = tpu.memref_slice %arg3[%dma_wait3A_95, %dma_wait3A_96] : memref<1015808x32xf32, #tpu.memory_space<hbm>> -> memref<72x32xf32, #tpu.memory_space<hbm>>
      tpu.wait_dma2 semaphore(%arg9 : memref<!tpu.dma_semaphore, #tpu.memory_space<semaphore_mem>>) src(%dma_wait3A_97 : memref<72x32xf32, #tpu.memory_space<hbm>>) dst(%dma_wait3A_94 : memref<72x32xf32, #tpu.memory_space<vmem>>)
      %broadcast_in_dim3A = arith.constant 0.000000e+00 : f32
      %broadcast_in_dim3A_98 = vector.broadcast %broadcast_in_dim3A : f32 to vector<16xf32>
      %scan3A_99 = arith.constant 0 : i32
      %scan3A_100 = arith.constant 200 : i32
      %scan3A_101 = arith.addi %scan3A_99, %scan3A_100 : i32
      %scan3A_102 = arith.constant 4 : i32
      %scan3A_103:4 = scf.for %scan3A_183 = %scan3A_99 to %scan3A_101 step %scan3A_102 iter_args(%scan3A_184 = %broadcast_in_dim3A_98, %scan3A_185 = %broadcast_in_dim3A_98, %scan3A_186 = %broadcast_in_dim3A_98, %scan3A_187 = %broadcast_in_dim3A_98) -> (vector<16xf32>, vector<16xf32>, vector<16xf32>, vector<16xf32>)  : i32 {
        %get3A = arith.index_cast %scan3A_183 : i32 to index
        %get3A_188 = arith.constant 0 : index
        %get3A_189 = tpu.vector_load %arg6[%get3A, %get3A_188] {strides = array<i32>} : memref<200x32xf32, #tpu.memory_space<vmem>>, vector<16xf32>,
        %bitcast3A = vector.bitcast %get3A_189 : vector<16xf32> to vector<32xbf16>
        %get3A_190 = arith.index_cast %scan3A_183 : i32 to index
        %get3A_191 = arith.constant 16 : index
        %get3A_192 = tpu.vector_load %arg6[%get3A_190, %get3A_191] {strides = array<i32>} : memref<200x32xf32, #tpu.memory_space<vmem>>, vector<16xf32>,
        %bitcast3A_193 = vector.bitcast %get3A_192 : vector<16xf32> to vector<32xbf16>
        %unpack3A = tpu.unpack_subelements %bitcast3A, 0 {pack_format = #tpu.pack_format<interleaved>} : vector<32xbf16> -> vector<16xf32>
        %unpack3A_194 = tpu.unpack_subelements %bitcast3A, 1 {pack_format = #tpu.pack_format<interleaved>} : vector<32xbf16> -> vector<16xf32>
        %unpack3A_195 = tpu.unpack_subelements %bitcast3A_193, 0 {pack_format = #tpu.pack_format<interleaved>} : vector<32xbf16> -> vector<16xf32>
        %unpack3A_196 = tpu.unpack_subelements %bitcast3A_193, 1 {pack_format = #tpu.pack_format<interleaved>} : vector<32xbf16> -> vector<16xf32>
        %add3A_197 = arith.addf %scan3A_184, %unpack3A : vector<16xf32>
        %add3A_198 = arith.addf %scan3A_185, %unpack3A_195 : vector<16xf32>
        %add3A_199 = arith.addf %scan3A_186, %unpack3A_194 : vector<16xf32>
        %add3A_200 = arith.addf %scan3A_187, %unpack3A_196 : vector<16xf32>
        %scan3A_201 = arith.constant 1 : i32
        %scan3A_202 = arith.addi %scan3A_183, %scan3A_201 : i32
        %get3A_203 = arith.index_cast %scan3A_202 : i32 to index
        %get3A_204 = arith.constant 0 : index
        %get3A_205 = tpu.vector_load %arg6[%get3A_203, %get3A_204] {strides = array<i32>} : memref<200x32xf32, #tpu.memory_space<vmem>>, vector<16xf32>,
        %bitcast3A_206 = vector.bitcast %get3A_205 : vector<16xf32> to vector<32xbf16>
        %get3A_207 = arith.index_cast %scan3A_202 : i32 to index
        %get3A_208 = arith.constant 16 : index
        %get3A_209 = tpu.vector_load %arg6[%get3A_207, %get3A_208] {strides = array<i32>} : memref<200x32xf32, #tpu.memory_space<vmem>>, vector<16xf32>,
        %bitcast3A_210 = vector.bitcast %get3A_209 : vector<16xf32> to vector<32xbf16>
        %unpack3A_211 = tpu.unpack_subelements %bitcast3A_206, 0 {pack_format = #tpu.pack_format<interleaved>} : vector<32xbf16> -> vector<16xf32>
        %unpack3A_212 = tpu.unpack_subelements %bitcast3A_206, 1 {pack_format = #tpu.pack_format<interleaved>} : vector<32xbf16> -> vector<16xf32>
        %unpack3A_213 = tpu.unpack_subelements %bitcast3A_210, 0 {pack_format = #tpu.pack_format<interleaved>} : vector<32xbf16> -> vector<16xf32>
        %unpack3A_214 = tpu.unpack_subelements %bitcast3A_210, 1 {pack_format = #tpu.pack_format<interleaved>} : vector<32xbf16> -> vector<16xf32>
        %add3A_215 = arith.addf %add3A_197, %unpack3A_211 : vector<16xf32>
        %add3A_216 = arith.addf %add3A_198, %unpack3A_213 : vector<16xf32>
        %add3A_217 = arith.addf %add3A_199, %unpack3A_212 : vector<16xf32>
        %add3A_218 = arith.addf %add3A_200, %unpack3A_214 : vector<16xf32>
        %scan3A_219 = arith.constant 2 : i32
        %scan3A_220 = arith.addi %scan3A_183, %scan3A_219 : i32
        %get3A_221 = arith.index_cast %scan3A_220 : i32 to index
        %get3A_222 = arith.constant 0 : index
        %get3A_223 = tpu.vector_load %arg6[%get3A_221, %get3A_222] {strides = array<i32>} : memref<200x32xf32, #tpu.memory_space<vmem>>, vector<16xf32>,
        %bitcast3A_224 = vector.bitcast %get3A_223 : vector<16xf32> to vector<32xbf16>
        %get3A_225 = arith.index_cast %scan3A_220 : i32 to index
        %get3A_226 = arith.constant 16 : index
        %get3A_227 = tpu.vector_load %arg6[%get3A_225, %get3A_226] {strides = array<i32>} : memref<200x32xf32, #tpu.memory_space<vmem>>, vector<16xf32>,
        %bitcast3A_228 = vector.bitcast %get3A_227 : vector<16xf32> to vector<32xbf16>
        %unpack3A_229 = tpu.unpack_subelements %bitcast3A_224, 0 {pack_format = #tpu.pack_format<interleaved>} : vector<32xbf16> -> vector<16xf32>
        %unpack3A_230 = tpu.unpack_subelements %bitcast3A_224, 1 {pack_format = #tpu.pack_format<interleaved>} : vector<32xbf16> -> vector<16xf32>
        %unpack3A_231 = tpu.unpack_subelements %bitcast3A_228, 0 {pack_format = #tpu.pack_format<interleaved>} : vector<32xbf16> -> vector<16xf32>
        %unpack3A_232 = tpu.unpack_subelements %bitcast3A_228, 1 {pack_format = #tpu.pack_format<interleaved>} : vector<32xbf16> -> vector<16xf32>
        %add3A_233 = arith.addf %add3A_215, %unpack3A_229 : vector<16xf32>
        %add3A_234 = arith.addf %add3A_216, %unpack3A_231 : vector<16xf32>
        %add3A_235 = arith.addf %add3A_217, %unpack3A_230 : vector<16xf32>
        %add3A_236 = arith.addf %add3A_218, %unpack3A_232 : vector<16xf32>
        %scan3A_237 = arith.constant 3 : i32
        %scan3A_238 = arith.addi %scan3A_183, %scan3A_237 : i32
        %get3A_239 = arith.index_cast %scan3A_238 : i32 to index
        %get3A_240 = arith.constant 0 : index
        %get3A_241 = tpu.vector_load %arg6[%get3A_239, %get3A_240] {strides = array<i32>} : memref<200x32xf32, #tpu.memory_space<vmem>>, vector<16xf32>,
        %bitcast3A_242 = vector.bitcast %get3A_241 : vector<16xf32> to vector<32xbf16>
        %get3A_243 = arith.index_cast %scan3A_238 : i32 to index
        %get3A_244 = arith.constant 16 : index
        %get3A_245 = tpu.vector_load %arg6[%get3A_243, %get3A_244] {strides = array<i32>} : memref<200x32xf32, #tpu.memory_space<vmem>>, vector<16xf32>,
        %bitcast3A_246 = vector.bitcast %get3A_245 : vector<16xf32> to vector<32xbf16>
        %unpack3A_247 = tpu.unpack_subelements %bitcast3A_242, 0 {pack_format = #tpu.pack_format<interleaved>} : vector<32xbf16> -> vector<16xf32>
        %unpack3A_248 = tpu.unpack_subelements %bitcast3A_242, 1 {pack_format = #tpu.pack_format<interleaved>} : vector<32xbf16> -> vector<16xf32>
        %unpack3A_249 = tpu.unpack_subelements %bitcast3A_246, 0 {pack_format = #tpu.pack_format<interleaved>} : vector<32xbf16> -> vector<16xf32>
        %unpack3A_250 = tpu.unpack_subelements %bitcast3A_246, 1 {pack_format = #tpu.pack_format<interleaved>} : vector<32xbf16> -> vector<16xf32>
        %add3A_251 = arith.addf %add3A_233, %unpack3A_247 : vector<16xf32>
        %add3A_252 = arith.addf %add3A_234, %unpack3A_249 : vector<16xf32>
        %add3A_253 = arith.addf %add3A_235, %unpack3A_248 : vector<16xf32>
        %add3A_254 = arith.addf %add3A_236, %unpack3A_250 : vector<16xf32>
        scf.yield %add3A_251, %add3A_252, %add3A_253, %add3A_254 : vector<16xf32>, vector<16xf32>, vector<16xf32>, vector<16xf32>
      }
      %scan3A_104 = arith.constant 200 : i32
      %swap3A = arith.index_cast %add3A_53 : i32 to index
      %swap3A_105 = arith.constant 0 : index
      %swap3A_106 = tpu.vector_load %arg8[%swap3A, %swap3A_105] {strides = array<i32>} : memref<128x64xf32, #tpu.memory_space<vmem>>, vector<16xf32>,
      tpu.vector_store %arg8[%swap3A, %swap3A_105], %scan3A_103#0 {strides = array<i32>} : memref<128x64xf32, #tpu.memory_space<vmem>>, vector<16xf32>,
      %swap3A_107 = arith.index_cast %add3A_53 : i32 to index
      %swap3A_108 = arith.constant 16 : index
      %swap3A_109 = tpu.vector_load %arg8[%swap3A_107, %swap3A_108] {strides = array<i32>} : memref<128x64xf32, #tpu.memory_space<vmem>>, vector<16xf32>,
      tpu.vector_store %arg8[%swap3A_107, %swap3A_108], %scan3A_103#1 {strides = array<i32>} : memref<128x64xf32, #tpu.memory_space<vmem>>, vector<16xf32>,
      %swap3A_110 = arith.index_cast %add3A_53 : i32 to index
      %swap3A_111 = arith.constant 32 : index
      %swap3A_112 = tpu.vector_load %arg8[%swap3A_110, %swap3A_111] {strides = array<i32>} : memref<128x64xf32, #tpu.memory_space<vmem>>, vector<16xf32>,
      tpu.vector_store %arg8[%swap3A_110, %swap3A_111], %scan3A_103#2 {strides = array<i32>} : memref<128x64xf32, #tpu.memory_space<vmem>>, vector<16xf32>,
      %swap3A_113 = arith.index_cast %add3A_53 : i32 to index
      %swap3A_114 = arith.constant 48 : index
      %swap3A_115 = tpu.vector_load %arg8[%swap3A_113, %swap3A_114] {strides = array<i32>} : memref<128x64xf32, #tpu.memory_space<vmem>>, vector<16xf32>,
      tpu.vector_store %arg8[%swap3A_113, %swap3A_114], %scan3A_103#3 {strides = array<i32>} : memref<128x64xf32, #tpu.memory_space<vmem>>, vector<16xf32>,
      %add3A_116 = arith.constant 2 : i32
      %add3A_117 = arith.addi %add3A_53, %add3A_116 : i32
      %min3A = arith.constant 127 : i32
      %min3A_118 = arith.minsi %add3A_117, %min3A : i32
      %dma_start3A_119 = arith.constant 0 : i32
      %dma_start3A_120 = arith.constant 0 : i32
      %dma_start3A_121 = tpu.memref_slice %arg6[%dma_start3A_119, %dma_start3A_120] : memref<200x32xf32, #tpu.memory_space<vmem>> -> memref<128x32xf32, #tpu.memory_space<vmem>>
      %dma_start3A_122 = arith.constant 0 : i32
      %dma_start3A_123 = tpu.memref_slice %arg5[%min3A_118, %dma_start3A_122] : memref<128x200xi32, #tpu.memory_space<vmem>> -> memref<1x128xi32, #tpu.memory_space<vmem>>
      %dma_start3A_124 = tpu.memref_squeeze %dma_start3A_123 : memref<1x128xi32, #tpu.memory_space<vmem>> -> memref<128xi32, #tpu.memory_space<vmem>>
      %dma_start3A_125 = arith.constant 0 : i32
      %dma_start3A_126 = arith.constant 0 : i32
      %dma_start3A_127 = tpu.memref_slice %arg3[%dma_start3A_125, %dma_start3A_126] : memref<1015808x32xf32, #tpu.memory_space<hbm>> -> memref<1015808x32xf32, #tpu.memory_space<hbm>>
      tpu.enqueue_indirect_dma source(%dma_start3A_127 : memref<1015808x32xf32, #tpu.memory_space<hbm>>) target(%dma_start3A_121 : memref<128x32xf32, #tpu.memory_space<vmem>>) offsets(%dma_start3A_124 : memref<128xi32, #tpu.memory_space<vmem>>) semaphore(%arg9 : memref<!tpu.dma_semaphore, #tpu.memory_space<semaphore_mem>>)
      %dma_start3A_128 = arith.constant 128 : i32
      %dma_start3A_129 = arith.constant 0 : i32
      %dma_start3A_130 = tpu.memref_slice %arg6[%dma_start3A_128, %dma_start3A_129] : memref<200x32xf32, #tpu.memory_space<vmem>> -> memref<72x32xf32, #tpu.memory_space<vmem>>
      %dma_start3A_131 = arith.constant 128 : i32
      %dma_start3A_132 = tpu.memref_slice %arg5[%min3A_118, %dma_start3A_131] : memref<128x200xi32, #tpu.memory_space<vmem>> -> memref<1x72xi32, #tpu.memory_space<vmem>>
      %dma_start3A_133 = tpu.memref_squeeze %dma_start3A_132 : memref<1x72xi32, #tpu.memory_space<vmem>> -> memref<72xi32, #tpu.memory_space<vmem>>
      %dma_start3A_134 = arith.constant 0 : i32
      %dma_start3A_135 = arith.constant 0 : i32
      %dma_start3A_136 = tpu.memref_slice %arg3[%dma_start3A_134, %dma_start3A_135] : memref<1015808x32xf32, #tpu.memory_space<hbm>> -> memref<1015808x32xf32, #tpu.memory_space<hbm>>
      tpu.enqueue_indirect_dma source(%dma_start3A_136 : memref<1015808x32xf32, #tpu.memory_space<hbm>>) target(%dma_start3A_130 : memref<72x32xf32, #tpu.memory_space<vmem>>) offsets(%dma_start3A_133 : memref<72xi32, #tpu.memory_space<vmem>>) semaphore(%arg9 : memref<!tpu.dma_semaphore, #tpu.memory_space<semaphore_mem>>)
      %dma_wait3A_137 = arith.constant 0 : i32
      %dma_wait3A_138 = arith.constant 0 : i32
      %dma_wait3A_139 = tpu.memref_slice %arg7[%dma_wait3A_137, %dma_wait3A_138] : memref<200x32xf32, #tpu.memory_space<vmem>> -> memref<128x32xf32, #tpu.memory_space<vmem>>
      %dma_wait3A_140 = arith.constant 0 : i32
      %dma_wait3A_141 = arith.constant 0 : i32
      %dma_wait3A_142 = tpu.memref_slice %arg3[%dma_wait3A_140, %dma_wait3A_141] : memref<1015808x32xf32, #tpu.memory_space<hbm>> -> memref<128x32xf32, #tpu.memory_space<hbm>>
      %dma_wait3A_143 = arith.constant 0 : i32
      %dma_wait3A_144 = arith.constant 0 : i32
      %dma_wait3A_145 = tpu.memref_slice %arg7[%dma_wait3A_143, %dma_wait3A_144] : memref<200x32xf32, #tpu.memory_space<vmem>> -> memref<128x32xf32, #tpu.memory_space<vmem>>
      %dma_wait3A_146 = arith.constant 0 : i32
      %dma_wait3A_147 = arith.constant 0 : i32
      %dma_wait3A_148 = tpu.memref_slice %arg3[%dma_wait3A_146, %dma_wait3A_147] : memref<1015808x32xf32, #tpu.memory_space<hbm>> -> memref<128x32xf32, #tpu.memory_space<hbm>>
      tpu.wait_dma2 semaphore(%arg10 : memref<!tpu.dma_semaphore, #tpu.memory_space<semaphore_mem>>) src(%dma_wait3A_148 : memref<128x32xf32, #tpu.memory_space<hbm>>) dst(%dma_wait3A_145 : memref<128x32xf32, #tpu.memory_space<vmem>>)
      %dma_wait3A_149 = arith.constant 128 : i32
      %dma_wait3A_150 = arith.constant 0 : i32
      %dma_wait3A_151 = tpu.memref_slice %arg7[%dma_wait3A_149, %dma_wait3A_150] : memref<200x32xf32, #tpu.memory_space<vmem>> -> memref<72x32xf32, #tpu.memory_space<vmem>>
      %dma_wait3A_152 = arith.constant 0 : i32
      %dma_wait3A_153 = arith.constant 0 : i32
      %dma_wait3A_154 = tpu.memref_slice %arg3[%dma_wait3A_152, %dma_wait3A_153] : memref<1015808x32xf32, #tpu.memory_space<hbm>> -> memref<72x32xf32, #tpu.memory_space<hbm>>
      %dma_wait3A_155 = arith.constant 128 : i32
      %dma_wait3A_156 = arith.constant 0 : i32
      %dma_wait3A_157 = tpu.memref_slice %arg7[%dma_wait3A_155, %dma_wait3A_156] : memref<200x32xf32, #tpu.memory_space<vmem>> -> memref<72x32xf32, #tpu.memory_space<vmem>>
      %dma_wait3A_158 = arith.constant 0 : i32
      %dma_wait3A_159 = arith.constant 0 : i32
      %dma_wait3A_160 = tpu.memref_slice %arg3[%dma_wait3A_158, %dma_wait3A_159] : memref<1015808x32xf32, #tpu.memory_space<hbm>> -> memref<72x32xf32, #tpu.memory_space<hbm>>
      tpu.wait_dma2 semaphore(%arg10 : memref<!tpu.dma_semaphore, #tpu.memory_space<semaphore_mem>>) src(%dma_wait3A_160 : memref<72x32xf32, #tpu.memory_space<hbm>>) dst(%dma_wait3A_157 : memref<72x32xf32, #tpu.memory_space<vmem>>)
      %add3A_161 = arith.constant 1 : i32
      %add3A_162 = arith.addi %add3A_53, %add3A_161 : i32
      %broadcast_in_dim3A_163 = arith.constant 0.000000e+00 : f32
      %broadcast_in_dim3A_164 = vector.broadcast %broadcast_in_dim3A_163 : f32 to vector<16xf32>
      %scan3A_165 = arith.constant 0 : i32
      %scan3A_166 = arith.constant 200 : i32
      %scan3A_167 = arith.addi %scan3A_165, %scan3A_166 : i32
      %scan3A_168 = arith.constant 4 : i32
      %scan3A_169:4 = scf.for %scan3A_183 = %scan3A_165 to %scan3A_167 step %scan3A_168 iter_args(%scan3A_184 = %broadcast_in_dim3A_164, %scan3A_185 = %broadcast_in_dim3A_164, %scan3A_186 = %broadcast_in_dim3A_164, %scan3A_187 = %broadcast_in_dim3A_164) -> (vector<16xf32>, vector<16xf32>, vector<16xf32>, vector<16xf32>)  : i32 {
        %get3A = arith.index_cast %scan3A_183 : i32 to index
        %get3A_188 = arith.constant 0 : index
        %get3A_189 = tpu.vector_load %arg7[%get3A, %get3A_188] {strides = array<i32>} : memref<200x32xf32, #tpu.memory_space<vmem>>, vector<16xf32>,
        %bitcast3A = vector.bitcast %get3A_189 : vector<16xf32> to vector<32xbf16>
        %get3A_190 = arith.index_cast %scan3A_183 : i32 to index
        %get3A_191 = arith.constant 16 : index
        %get3A_192 = tpu.vector_load %arg7[%get3A_190, %get3A_191] {strides = array<i32>} : memref<200x32xf32, #tpu.memory_space<vmem>>, vector<16xf32>,
        %bitcast3A_193 = vector.bitcast %get3A_192 : vector<16xf32> to vector<32xbf16>
        %unpack3A = tpu.unpack_subelements %bitcast3A, 0 {pack_format = #tpu.pack_format<interleaved>} : vector<32xbf16> -> vector<16xf32>
        %unpack3A_194 = tpu.unpack_subelements %bitcast3A, 1 {pack_format = #tpu.pack_format<interleaved>} : vector<32xbf16> -> vector<16xf32>
        %unpack3A_195 = tpu.unpack_subelements %bitcast3A_193, 0 {pack_format = #tpu.pack_format<interleaved>} : vector<32xbf16> -> vector<16xf32>
        %unpack3A_196 = tpu.unpack_subelements %bitcast3A_193, 1 {pack_format = #tpu.pack_format<interleaved>} : vector<32xbf16> -> vector<16xf32>
        %add3A_197 = arith.addf %scan3A_184, %unpack3A : vector<16xf32>
        %add3A_198 = arith.addf %scan3A_185, %unpack3A_195 : vector<16xf32>
        %add3A_199 = arith.addf %scan3A_186, %unpack3A_194 : vector<16xf32>
        %add3A_200 = arith.addf %scan3A_187, %unpack3A_196 : vector<16xf32>
        %scan3A_201 = arith.constant 1 : i32
        %scan3A_202 = arith.addi %scan3A_183, %scan3A_201 : i32
        %get3A_203 = arith.index_cast %scan3A_202 : i32 to index
        %get3A_204 = arith.constant 0 : index
        %get3A_205 = tpu.vector_load %arg7[%get3A_203, %get3A_204] {strides = array<i32>} : memref<200x32xf32, #tpu.memory_space<vmem>>, vector<16xf32>,
        %bitcast3A_206 = vector.bitcast %get3A_205 : vector<16xf32> to vector<32xbf16>
        %get3A_207 = arith.index_cast %scan3A_202 : i32 to index
        %get3A_208 = arith.constant 16 : index
        %get3A_209 = tpu.vector_load %arg7[%get3A_207, %get3A_208] {strides = array<i32>} : memref<200x32xf32, #tpu.memory_space<vmem>>, vector<16xf32>,
        %bitcast3A_210 = vector.bitcast %get3A_209 : vector<16xf32> to vector<32xbf16>
        %unpack3A_211 = tpu.unpack_subelements %bitcast3A_206, 0 {pack_format = #tpu.pack_format<interleaved>} : vector<32xbf16> -> vector<16xf32>
        %unpack3A_212 = tpu.unpack_subelements %bitcast3A_206, 1 {pack_format = #tpu.pack_format<interleaved>} : vector<32xbf16> -> vector<16xf32>
        %unpack3A_213 = tpu.unpack_subelements %bitcast3A_210, 0 {pack_format = #tpu.pack_format<interleaved>} : vector<32xbf16> -> vector<16xf32>
        %unpack3A_214 = tpu.unpack_subelements %bitcast3A_210, 1 {pack_format = #tpu.pack_format<interleaved>} : vector<32xbf16> -> vector<16xf32>
        %add3A_215 = arith.addf %add3A_197, %unpack3A_211 : vector<16xf32>
        %add3A_216 = arith.addf %add3A_198, %unpack3A_213 : vector<16xf32>
        %add3A_217 = arith.addf %add3A_199, %unpack3A_212 : vector<16xf32>
        %add3A_218 = arith.addf %add3A_200, %unpack3A_214 : vector<16xf32>
        %scan3A_219 = arith.constant 2 : i32
        %scan3A_220 = arith.addi %scan3A_183, %scan3A_219 : i32
        %get3A_221 = arith.index_cast %scan3A_220 : i32 to index
        %get3A_222 = arith.constant 0 : index
        %get3A_223 = tpu.vector_load %arg7[%get3A_221, %get3A_222] {strides = array<i32>} : memref<200x32xf32, #tpu.memory_space<vmem>>, vector<16xf32>,
        %bitcast3A_224 = vector.bitcast %get3A_223 : vector<16xf32> to vector<32xbf16>
        %get3A_225 = arith.index_cast %scan3A_220 : i32 to index
        %get3A_226 = arith.constant 16 : index
        %get3A_227 = tpu.vector_load %arg7[%get3A_225, %get3A_226] {strides = array<i32>} : memref<200x32xf32, #tpu.memory_space<vmem>>, vector<16xf32>,
        %bitcast3A_228 = vector.bitcast %get3A_227 : vector<16xf32> to vector<32xbf16>
        %unpack3A_229 = tpu.unpack_subelements %bitcast3A_224, 0 {pack_format = #tpu.pack_format<interleaved>} : vector<32xbf16> -> vector<16xf32>
        %unpack3A_230 = tpu.unpack_subelements %bitcast3A_224, 1 {pack_format = #tpu.pack_format<interleaved>} : vector<32xbf16> -> vector<16xf32>
        %unpack3A_231 = tpu.unpack_subelements %bitcast3A_228, 0 {pack_format = #tpu.pack_format<interleaved>} : vector<32xbf16> -> vector<16xf32>
        %unpack3A_232 = tpu.unpack_subelements %bitcast3A_228, 1 {pack_format = #tpu.pack_format<interleaved>} : vector<32xbf16> -> vector<16xf32>
        %add3A_233 = arith.addf %add3A_215, %unpack3A_229 : vector<16xf32>
        %add3A_234 = arith.addf %add3A_216, %unpack3A_231 : vector<16xf32>
        %add3A_235 = arith.addf %add3A_217, %unpack3A_230 : vector<16xf32>
        %add3A_236 = arith.addf %add3A_218, %unpack3A_232 : vector<16xf32>
        %scan3A_237 = arith.constant 3 : i32
        %scan3A_238 = arith.addi %scan3A_183, %scan3A_237 : i32
        %get3A_239 = arith.index_cast %scan3A_238 : i32 to index
        %get3A_240 = arith.constant 0 : index
        %get3A_241 = tpu.vector_load %arg7[%get3A_239, %get3A_240] {strides = array<i32>} : memref<200x32xf32, #tpu.memory_space<vmem>>, vector<16xf32>,
        %bitcast3A_242 = vector.bitcast %get3A_241 : vector<16xf32> to vector<32xbf16>
        %get3A_243 = arith.index_cast %scan3A_238 : i32 to index
        %get3A_244 = arith.constant 16 : index
        %get3A_245 = tpu.vector_load %arg7[%get3A_243, %get3A_244] {strides = array<i32>} : memref<200x32xf32, #tpu.memory_space<vmem>>, vector<16xf32>,
        %bitcast3A_246 = vector.bitcast %get3A_245 : vector<16xf32> to vector<32xbf16>
        %unpack3A_247 = tpu.unpack_subelements %bitcast3A_242, 0 {pack_format = #tpu.pack_format<interleaved>} : vector<32xbf16> -> vector<16xf32>
        %unpack3A_248 = tpu.unpack_subelements %bitcast3A_242, 1 {pack_format = #tpu.pack_format<interleaved>} : vector<32xbf16> -> vector<16xf32>
        %unpack3A_249 = tpu.unpack_subelements %bitcast3A_246, 0 {pack_format = #tpu.pack_format<interleaved>} : vector<32xbf16> -> vector<16xf32>
        %unpack3A_250 = tpu.unpack_subelements %bitcast3A_246, 1 {pack_format = #tpu.pack_format<interleaved>} : vector<32xbf16> -> vector<16xf32>
        %add3A_251 = arith.addf %add3A_233, %unpack3A_247 : vector<16xf32>
        %add3A_252 = arith.addf %add3A_234, %unpack3A_249 : vector<16xf32>
        %add3A_253 = arith.addf %add3A_235, %unpack3A_248 : vector<16xf32>
        %add3A_254 = arith.addf %add3A_236, %unpack3A_250 : vector<16xf32>
        scf.yield %add3A_251, %add3A_252, %add3A_253, %add3A_254 : vector<16xf32>, vector<16xf32>, vector<16xf32>, vector<16xf32>
      }
      %scan3A_170 = arith.constant 200 : i32
      %swap3A_171 = arith.index_cast %add3A_162 : i32 to index
      %swap3A_172 = arith.constant 0 : index
      %swap3A_173 = tpu.vector_load %arg8[%swap3A_171, %swap3A_172] {strides = array<i32>} : memref<128x64xf32, #tpu.memory_space<vmem>>, vector<16xf32>,
      tpu.vector_store %arg8[%swap3A_171, %swap3A_172], %scan3A_169#0 {strides = array<i32>} : memref<128x64xf32, #tpu.memory_space<vmem>>, vector<16xf32>,
      %swap3A_174 = arith.index_cast %add3A_162 : i32 to index
      %swap3A_175 = arith.constant 16 : index
      %swap3A_176 = tpu.vector_load %arg8[%swap3A_174, %swap3A_175] {strides = array<i32>} : memref<128x64xf32, #tpu.memory_space<vmem>>, vector<16xf32>,
      tpu.vector_store %arg8[%swap3A_174, %swap3A_175], %scan3A_169#1 {strides = array<i32>} : memref<128x64xf32, #tpu.memory_space<vmem>>, vector<16xf32>,
      %swap3A_177 = arith.index_cast %add3A_162 : i32 to index
      %swap3A_178 = arith.constant 32 : index
      %swap3A_179 = tpu.vector_load %arg8[%swap3A_177, %swap3A_178] {strides = array<i32>} : memref<128x64xf32, #tpu.memory_space<vmem>>, vector<16xf32>,
      tpu.vector_store %arg8[%swap3A_177, %swap3A_178], %scan3A_169#2 {strides = array<i32>} : memref<128x64xf32, #tpu.memory_space<vmem>>, vector<16xf32>,
      %swap3A_180 = arith.index_cast %add3A_162 : i32 to index
      %swap3A_181 = arith.constant 48 : index
      %swap3A_182 = tpu.vector_load %arg8[%swap3A_180, %swap3A_181] {strides = array<i32>} : memref<128x64xf32, #tpu.memory_space<vmem>>, vector<16xf32>,
      tpu.vector_store %arg8[%swap3A_180, %swap3A_181], %scan3A_169#3 {strides = array<i32>} : memref<128x64xf32, #tpu.memory_space<vmem>>, vector<16xf32>,
    }
    %scan3A_25 = arith.constant 64 : i32
    %dma_wait3A = arith.constant 0 : i32
    %dma_wait3A_26 = arith.constant 0 : i32
    %dma_wait3A_27 = tpu.memref_slice %arg6[%dma_wait3A, %dma_wait3A_26] : memref<200x32xf32, #tpu.memory_space<vmem>> -> memref<128x32xf32, #tpu.memory_space<vmem>>
    %dma_wait3A_28 = arith.constant 0 : i32
    %dma_wait3A_29 = arith.constant 0 : i32
    %dma_wait3A_30 = tpu.memref_slice %arg3[%dma_wait3A_28, %dma_wait3A_29] : memref<1015808x32xf32, #tpu.memory_space<hbm>> -> memref<128x32xf32, #tpu.memory_space<hbm>>
    %dma_wait3A_31 = arith.constant 0 : i32
    %dma_wait3A_32 = arith.constant 0 : i32
    %dma_wait3A_33 = tpu.memref_slice %arg6[%dma_wait3A_31, %dma_wait3A_32] : memref<200x32xf32, #tpu.memory_space<vmem>> -> memref<128x32xf32, #tpu.memory_space<vmem>>
    %dma_wait3A_34 = arith.constant 0 : i32
    %dma_wait3A_35 = arith.constant 0 : i32
    %dma_wait3A_36 = tpu.memref_slice %arg3[%dma_wait3A_34, %dma_wait3A_35] : memref<1015808x32xf32, #tpu.memory_space<hbm>> -> memref<128x32xf32, #tpu.memory_space<hbm>>
    tpu.wait_dma2 semaphore(%arg9 : memref<!tpu.dma_semaphore, #tpu.memory_space<semaphore_mem>>) src(%dma_wait3A_36 : memref<128x32xf32, #tpu.memory_space<hbm>>) dst(%dma_wait3A_33 : memref<128x32xf32, #tpu.memory_space<vmem>>)
    %dma_wait3A_37 = arith.constant 128 : i32
    %dma_wait3A_38 = arith.constant 0 : i32
    %dma_wait3A_39 = tpu.memref_slice %arg6[%dma_wait3A_37, %dma_wait3A_38] : memref<200x32xf32, #tpu.memory_space<vmem>> -> memref<72x32xf32, #tpu.memory_space<vmem>>
    %dma_wait3A_40 = arith.constant 0 : i32
    %dma_wait3A_41 = arith.constant 0 : i32
    %dma_wait3A_42 = tpu.memref_slice %arg3[%dma_wait3A_40, %dma_wait3A_41] : memref<1015808x32xf32, #tpu.memory_space<hbm>> -> memref<72x32xf32, #tpu.memory_space<hbm>>
    %dma_wait3A_43 = arith.constant 128 : i32
    %dma_wait3A_44 = arith.constant 0 : i32
    %dma_wait3A_45 = tpu.memref_slice %arg6[%dma_wait3A_43, %dma_wait3A_44] : memref<200x32xf32, #tpu.memory_space<vmem>> -> memref<72x32xf32, #tpu.memory_space<vmem>>
    %dma_wait3A_46 = arith.constant 0 : i32
    %dma_wait3A_47 = arith.constant 0 : i32
    %dma_wait3A_48 = tpu.memref_slice %arg3[%dma_wait3A_46, %dma_wait3A_47] : memref<1015808x32xf32, #tpu.memory_space<hbm>> -> memref<72x32xf32, #tpu.memory_space<hbm>>
    tpu.wait_dma2 semaphore(%arg9 : memref<!tpu.dma_semaphore, #tpu.memory_space<semaphore_mem>>) src(%dma_wait3A_48 : memref<72x32xf32, #tpu.memory_space<hbm>>) dst(%dma_wait3A_45 : memref<72x32xf32, #tpu.memory_space<vmem>>)
    "tpu.region"() ({
      %run_scoped3A = tpu.sem_alloc : memref<!tpu.dma_semaphore, #tpu.memory_space<semaphore_mem>>
      %dma_start3A_49 = arith.constant 0 : i32
      %dma_start3A_50 = tpu.memref_slice %arg4[%mul3A_2, %dma_start3A_49] : memref<4096x64xf32, #tpu.memory_space<hbm>> -> memref<128x64xf32, #tpu.memory_space<hbm>>
      %dma_start3A_51 = arith.constant 0 : i32
      %dma_start3A_52 = tpu.memref_slice %arg4[%mul3A_2, %dma_start3A_51] : memref<4096x64xf32, #tpu.memory_space<hbm>> -> memref<128x64xf32, #tpu.memory_space<hbm>>
      tpu.enqueue_dma source(%arg8 : memref<128x64xf32, #tpu.memory_space<vmem>>) target(%dma_start3A_52 : memref<128x64xf32, #tpu.memory_space<hbm>>) target_semaphore(%run_scoped3A : memref<!tpu.dma_semaphore, #tpu.memory_space<semaphore_mem>>)
      %dma_wait3A_53 = arith.constant 0 : i32
      %dma_wait3A_54 = tpu.memref_slice %arg4[%mul3A_2, %dma_wait3A_53] : memref<4096x64xf32, #tpu.memory_space<hbm>> -> memref<128x64xf32, #tpu.memory_space<hbm>>
      %dma_wait3A_55 = arith.constant 0 : i32
      %dma_wait3A_56 = tpu.memref_slice %arg4[%mul3A_2, %dma_wait3A_55] : memref<4096x64xf32, #tpu.memory_space<hbm>> -> memref<128x64xf32, #tpu.memory_space<hbm>>
      tpu.wait_dma2 semaphore(%run_scoped3A : memref<!tpu.dma_semaphore, #tpu.memory_space<semaphore_mem>>) src(%arg8 : memref<128x64xf32, #tpu.memory_space<vmem>>) dst(%dma_wait3A_56 : memref<128x64xf32, #tpu.memory_space<hbm>>)
      tpu.yield
    }) : () -> ()
    return
  }
}

#map = affine_map<(d0, d1) -> (0, 0)>
module attributes {stable_mosaic.version = 14 : i64} {
  func.func @kern(%arg0: i32, %arg1: i32, %arg2: memref<4096x200xi32, #tpu.memory_space<hbm>>, %arg3: memref<1015808x32xf32, #tpu.memory_space<hbm>>, %arg4: memref<4096x64xf32, #tpu.memory_space<hbm>>, %arg5: memref<128x200xi32, #tpu.memory_space<vmem>>, %arg6: memref<200x32xf32, #tpu.memory_space<vmem>>, %arg7: memref<200x32xf32, #tpu.memory_space<vmem>>, %arg8: memref<128x64xf32, #tpu.memory_space<vmem>>, %arg9: memref<!tpu.dma_semaphore, #tpu.memory_space<semaphore_mem>>, %arg10: memref<!tpu.dma_semaphore, #tpu.memory_space<semaphore_mem>>) attributes {dimension_semantics = [#tpu.dimension_semantics<core_parallel>, #tpu.dimension_semantics<subcore_parallel>], iteration_bounds = array<i64: 2, 16>, scalar_prefetch = 0 : i64, scratch_operands = 6 : i64, tpu.core_type = #tpu.core_type<sc_vector_subcore>, window_params = [{transform_indices = #map}, {transform_indices = #map}, {transform_indices = #map}]} {
    %mul3A = arith.constant 16 : i32
    %mul3A_0 = arith.muli %arg0, %mul3A : i32
    %add3A = arith.addi %mul3A_0, %arg1 : i32
    %mul3A_1 = arith.constant 128 : i32
    %mul3A_2 = arith.muli %add3A, %mul3A_1 : i32
    "tpu.region"() ({
      %run_scoped3A = tpu.sem_alloc : memref<!tpu.dma_semaphore, #tpu.memory_space<semaphore_mem>>
      %dma_start3A_49 = arith.constant 0 : i32
      %dma_start3A_50 = tpu.memref_slice %arg2[%mul3A_2, %dma_start3A_49] : memref<4096x200xi32, #tpu.memory_space<hbm>> -> memref<128x200xi32, #tpu.memory_space<hbm>>
      %dma_start3A_51 = arith.constant 0 : i32
      %dma_start3A_52 = tpu.memref_slice %arg2[%mul3A_2, %dma_start3A_51] : memref<4096x200xi32, #tpu.memory_space<hbm>> -> memref<128x200xi32, #tpu.memory_space<hbm>>
      tpu.enqueue_dma source(%dma_start3A_52 : memref<128x200xi32, #tpu.memory_space<hbm>>) target(%arg5 : memref<128x200xi32, #tpu.memory_space<vmem>>) target_semaphore(%run_scoped3A : memref<!tpu.dma_semaphore, #tpu.memory_space<semaphore_mem>>)
      %dma_wait3A_53 = arith.constant 0 : i32
      %dma_wait3A_54 = tpu.memref_slice %arg2[%mul3A_2, %dma_wait3A_53] : memref<4096x200xi32, #tpu.memory_space<hbm>> -> memref<128x200xi32, #tpu.memory_space<hbm>>
      %dma_wait3A_55 = arith.constant 0 : i32
      %dma_wait3A_56 = tpu.memref_slice %arg2[%mul3A_2, %dma_wait3A_55] : memref<4096x200xi32, #tpu.memory_space<hbm>> -> memref<128x200xi32, #tpu.memory_space<hbm>>
      tpu.wait_dma2 semaphore(%run_scoped3A : memref<!tpu.dma_semaphore, #tpu.memory_space<semaphore_mem>>) src(%dma_wait3A_56 : memref<128x200xi32, #tpu.memory_space<hbm>>) dst(%arg5 : memref<128x200xi32, #tpu.memory_space<vmem>>)
      tpu.yield
    }) : () -> ()
    %dma_start3A = arith.constant 0 : i32
    %dma_start3A_3 = arith.constant 0 : i32
    %dma_start3A_4 = arith.constant 0 : i32
    %dma_start3A_5 = tpu.memref_slice %arg6[%dma_start3A_3, %dma_start3A_4] : memref<200x32xf32, #tpu.memory_space<vmem>> -> memref<128x32xf32, #tpu.memory_space<vmem>>
    %dma_start3A_6 = arith.constant 0 : i32
    %dma_start3A_7 = tpu.memref_slice %arg5[%dma_start3A, %dma_start3A_6] : memref<128x200xi32, #tpu.memory_space<vmem>> -> memref<1x128xi32, #tpu.memory_space<vmem>>
    %dma_start3A_8 = tpu.memref_squeeze %dma_start3A_7 : memref<1x128xi32, #tpu.memory_space<vmem>> -> memref<128xi32, #tpu.memory_space<vmem>>
    %dma_start3A_9 = arith.constant 0 : i32
    %dma_start3A_10 = arith.constant 0 : i32
    %dma_start3A_11 = tpu.memref_slice %arg3[%dma_start3A_9, %dma_start3A_10] : memref<1015808x32xf32, #tpu.memory_space<hbm>> -> memref<1015808x32xf32, #tpu.memory_space<hbm>>
    tpu.enqueue_indirect_dma source(%dma_start3A_11 : memref<1015808x32xf32, #tpu.memory_space<hbm>>) target(%dma_start3A_5 : memref<128x32xf32, #tpu.memory_space<vmem>>) offsets(%dma_start3A_8 : memref<128xi32, #tpu.memory_space<vmem>>) semaphore(%arg9 : memref<!tpu.dma_semaphore, #tpu.memory_space<semaphore_mem>>)
    %dma_start3A_12 = arith.constant 0 : i32
    %dma_start3A_13 = arith.constant 128 : i32
    %dma_start3A_14 = arith.constant 0 : i32
    %dma_start3A_15 = tpu.memref_slice %arg6[%dma_start3A_13, %dma_start3A_14] : memref<200x32xf32, #tpu.memory_space<vmem>> -> memref<72x32xf32, #tpu.memory_space<vmem>>
    %dma_start3A_16 = arith.constant 128 : i32
    %dma_start3A_17 = tpu.memref_slice %arg5[%dma_start3A_12, %dma_start3A_16] : memref<128x200xi32, #tpu.memory_space<vmem>> -> memref<1x72xi32, #tpu.memory_space<vmem>>
    %dma_start3A_18 = tpu.memref_squeeze %dma_start3A_17 : memref<1x72xi32, #tpu.memory_space<vmem>> -> memref<72xi32, #tpu.memory_space<vmem>>
    %dma_start3A_19 = arith.constant 0 : i32
    %dma_start3A_20 = arith.constant 0 : i32
    %dma_start3A_21 = tpu.memref_slice %arg3[%dma_start3A_19, %dma_start3A_20] : memref<1015808x32xf32, #tpu.memory_space<hbm>> -> memref<1015808x32xf32, #tpu.memory_space<hbm>>
    tpu.enqueue_indirect_dma source(%dma_start3A_21 : memref<1015808x32xf32, #tpu.memory_space<hbm>>) target(%dma_start3A_15 : memref<72x32xf32, #tpu.memory_space<vmem>>) offsets(%dma_start3A_18 : memref<72xi32, #tpu.memory_space<vmem>>) semaphore(%arg9 : memref<!tpu.dma_semaphore, #tpu.memory_space<semaphore_mem>>)
    %scan3A = arith.constant 0 : i32
    %scan3A_22 = arith.constant 64 : i32
    %scan3A_23 = arith.addi %scan3A, %scan3A_22 : i32
    %scan3A_24 = arith.constant 1 : i32
    scf.for %scan3A_49 = %scan3A to %scan3A_23 step %scan3A_24  : i32 {
      %mul3A_50 = arith.constant 2 : i32
      %mul3A_51 = arith.muli %scan3A_49, %mul3A_50 : i32
      %add3A_52 = arith.constant 0 : i32
      %add3A_53 = arith.addi %add3A_52, %mul3A_51 : i32
      %add3A_54 = arith.constant 1 : i32
      %add3A_55 = arith.addi %add3A_53, %add3A_54 : i32
      %dma_start3A_56 = arith.constant 0 : i32
      %dma_start3A_57 = arith.constant 0 : i32
      %dma_start3A_58 = tpu.memref_slice %arg7[%dma_start3A_56, %dma_start3A_57] : memref<200x32xf32, #tpu.memory_space<vmem>> -> memref<128x32xf32, #tpu.memory_space<vmem>>
      %dma_start3A_59 = arith.constant 0 : i32
      %dma_start3A_60 = tpu.memref_slice %arg5[%add3A_55, %dma_start3A_59] : memref<128x200xi32, #tpu.memory_space<vmem>> -> memref<1x128xi32, #tpu.memory_space<vmem>>
      %dma_start3A_61 = tpu.memref_squeeze %dma_start3A_60 : memref<1x128xi32, #tpu.memory_space<vmem>> -> memref<128xi32, #tpu.memory_space<vmem>>
      %dma_start3A_62 = arith.constant 0 : i32
      %dma_start3A_63 = arith.constant 0 : i32
      %dma_start3A_64 = tpu.memref_slice %arg3[%dma_start3A_62, %dma_start3A_63] : memref<1015808x32xf32, #tpu.memory_space<hbm>> -> memref<1015808x32xf32, #tpu.memory_space<hbm>>
      tpu.enqueue_indirect_dma source(%dma_start3A_64 : memref<1015808x32xf32, #tpu.memory_space<hbm>>) target(%dma_start3A_58 : memref<128x32xf32, #tpu.memory_space<vmem>>) offsets(%dma_start3A_61 : memref<128xi32, #tpu.memory_space<vmem>>) semaphore(%arg10 : memref<!tpu.dma_semaphore, #tpu.memory_space<semaphore_mem>>)
      %dma_start3A_65 = arith.constant 128 : i32
      %dma_start3A_66 = arith.constant 0 : i32
      %dma_start3A_67 = tpu.memref_slice %arg7[%dma_start3A_65, %dma_start3A_66] : memref<200x32xf32, #tpu.memory_space<vmem>> -> memref<72x32xf32, #tpu.memory_space<vmem>>
      %dma_start3A_68 = arith.constant 128 : i32
      %dma_start3A_69 = tpu.memref_slice %arg5[%add3A_55, %dma_start3A_68] : memref<128x200xi32, #tpu.memory_space<vmem>> -> memref<1x72xi32, #tpu.memory_space<vmem>>
      %dma_start3A_70 = tpu.memref_squeeze %dma_start3A_69 : memref<1x72xi32, #tpu.memory_space<vmem>> -> memref<72xi32, #tpu.memory_space<vmem>>
      %dma_start3A_71 = arith.constant 0 : i32
      %dma_start3A_72 = arith.constant 0 : i32
      %dma_start3A_73 = tpu.memref_slice %arg3[%dma_start3A_71, %dma_start3A_72] : memref<1015808x32xf32, #tpu.memory_space<hbm>> -> memref<1015808x32xf32, #tpu.memory_space<hbm>>
      tpu.enqueue_indirect_dma source(%dma_start3A_73 : memref<1015808x32xf32, #tpu.memory_space<hbm>>) target(%dma_start3A_67 : memref<72x32xf32, #tpu.memory_space<vmem>>) offsets(%dma_start3A_70 : memref<72xi32, #tpu.memory_space<vmem>>) semaphore(%arg10 : memref<!tpu.dma_semaphore, #tpu.memory_space<semaphore_mem>>)
      %dma_wait3A_74 = arith.constant 0 : i32
      %dma_wait3A_75 = arith.constant 0 : i32
      %dma_wait3A_76 = tpu.memref_slice %arg6[%dma_wait3A_74, %dma_wait3A_75] : memref<200x32xf32, #tpu.memory_space<vmem>> -> memref<128x32xf32, #tpu.memory_space<vmem>>
      %dma_wait3A_77 = arith.constant 0 : i32
      %dma_wait3A_78 = arith.constant 0 : i32
      %dma_wait3A_79 = tpu.memref_slice %arg3[%dma_wait3A_77, %dma_wait3A_78] : memref<1015808x32xf32, #tpu.memory_space<hbm>> -> memref<128x32xf32, #tpu.memory_space<hbm>>
      %dma_wait3A_80 = arith.constant 0 : i32
      %dma_wait3A_81 = arith.constant 0 : i32
      %dma_wait3A_82 = tpu.memref_slice %arg6[%dma_wait3A_80, %dma_wait3A_81] : memref<200x32xf32, #tpu.memory_space<vmem>> -> memref<128x32xf32, #tpu.memory_space<vmem>>
      %dma_wait3A_83 = arith.constant 0 : i32
      %dma_wait3A_84 = arith.constant 0 : i32
      %dma_wait3A_85 = tpu.memref_slice %arg3[%dma_wait3A_83, %dma_wait3A_84] : memref<1015808x32xf32, #tpu.memory_space<hbm>> -> memref<128x32xf32, #tpu.memory_space<hbm>>
      tpu.wait_dma2 semaphore(%arg9 : memref<!tpu.dma_semaphore, #tpu.memory_space<semaphore_mem>>) src(%dma_wait3A_85 : memref<128x32xf32, #tpu.memory_space<hbm>>) dst(%dma_wait3A_82 : memref<128x32xf32, #tpu.memory_space<vmem>>)
      %dma_wait3A_86 = arith.constant 128 : i32
      %dma_wait3A_87 = arith.constant 0 : i32
      %dma_wait3A_88 = tpu.memref_slice %arg6[%dma_wait3A_86, %dma_wait3A_87] : memref<200x32xf32, #tpu.memory_space<vmem>> -> memref<72x32xf32, #tpu.memory_space<vmem>>
      %dma_wait3A_89 = arith.constant 0 : i32
      %dma_wait3A_90 = arith.constant 0 : i32
      %dma_wait3A_91 = tpu.memref_slice %arg3[%dma_wait3A_89, %dma_wait3A_90] : memref<1015808x32xf32, #tpu.memory_space<hbm>> -> memref<72x32xf32, #tpu.memory_space<hbm>>
      %dma_wait3A_92 = arith.constant 128 : i32
      %dma_wait3A_93 = arith.constant 0 : i32
      %dma_wait3A_94 = tpu.memref_slice %arg6[%dma_wait3A_92, %dma_wait3A_93] : memref<200x32xf32, #tpu.memory_space<vmem>> -> memref<72x32xf32, #tpu.memory_space<vmem>>
      %dma_wait3A_95 = arith.constant 0 : i32
      %dma_wait3A_96 = arith.constant 0 : i32
      %dma_wait3A_97 = tpu.memref_slice %arg3[%dma_wait3A_95, %dma_wait3A_96] : memref<1015808x32xf32, #tpu.memory_space<hbm>> -> memref<72x32xf32, #tpu.memory_space<hbm>>
      tpu.wait_dma2 semaphore(%arg9 : memref<!tpu.dma_semaphore, #tpu.memory_space<semaphore_mem>>) src(%dma_wait3A_97 : memref<72x32xf32, #tpu.memory_space<hbm>>) dst(%dma_wait3A_94 : memref<72x32xf32, #tpu.memory_space<vmem>>)
      %broadcast_in_dim3A = arith.constant 0.000000e+00 : f32
      %broadcast_in_dim3A_98 = vector.broadcast %broadcast_in_dim3A : f32 to vector<16xf32>
      %scan3A_99 = arith.constant 0 : i32
      %scan3A_100 = arith.constant 200 : i32
      %scan3A_101 = arith.addi %scan3A_99, %scan3A_100 : i32
      %scan3A_102 = arith.constant 4 : i32
      %scan3A_103:4 = scf.for %scan3A_183 = %scan3A_99 to %scan3A_101 step %scan3A_102 iter_args(%scan3A_184 = %broadcast_in_dim3A_98, %scan3A_185 = %broadcast_in_dim3A_98, %scan3A_186 = %broadcast_in_dim3A_98, %scan3A_187 = %broadcast_in_dim3A_98) -> (vector<16xf32>, vector<16xf32>, vector<16xf32>, vector<16xf32>)  : i32 {
        %get3A = arith.index_cast %scan3A_183 : i32 to index
        %get3A_188 = arith.constant 0 : index
        %get3A_189 = tpu.vector_load %arg6[%get3A, %get3A_188] {strides = array<i32>} : memref<200x32xf32, #tpu.memory_space<vmem>>, vector<16xf32>,
        %bitcast3A = vector.bitcast %get3A_189 : vector<16xf32> to vector<32xbf16>
        %get3A_190 = arith.index_cast %scan3A_183 : i32 to index
        %get3A_191 = arith.constant 16 : index
        %get3A_192 = tpu.vector_load %arg6[%get3A_190, %get3A_191] {strides = array<i32>} : memref<200x32xf32, #tpu.memory_space<vmem>>, vector<16xf32>,
        %bitcast3A_193 = vector.bitcast %get3A_192 : vector<16xf32> to vector<32xbf16>
        %unpack3A = tpu.unpack_subelements %bitcast3A, 0 {pack_format = #tpu.pack_format<interleaved>} : vector<32xbf16> -> vector<16xf32>
        %unpack3A_194 = tpu.unpack_subelements %bitcast3A, 1 {pack_format = #tpu.pack_format<interleaved>} : vector<32xbf16> -> vector<16xf32>
        %unpack3A_195 = tpu.unpack_subelements %bitcast3A_193, 0 {pack_format = #tpu.pack_format<interleaved>} : vector<32xbf16> -> vector<16xf32>
        %unpack3A_196 = tpu.unpack_subelements %bitcast3A_193, 1 {pack_format = #tpu.pack_format<interleaved>} : vector<32xbf16> -> vector<16xf32>
        %add3A_197 = arith.addf %scan3A_184, %unpack3A : vector<16xf32>
        %add3A_198 = arith.addf %scan3A_185, %unpack3A_195 : vector<16xf32>
        %add3A_199 = arith.addf %scan3A_186, %unpack3A_194 : vector<16xf32>
        %add3A_200 = arith.addf %scan3A_187, %unpack3A_196 : vector<16xf32>
        %scan3A_201 = arith.constant 1 : i32
        %scan3A_202 = arith.addi %scan3A_183, %scan3A_201 : i32
        %get3A_203 = arith.index_cast %scan3A_202 : i32 to index
        %get3A_204 = arith.constant 0 : index
        %get3A_205 = tpu.vector_load %arg6[%get3A_203, %get3A_204] {strides = array<i32>} : memref<200x32xf32, #tpu.memory_space<vmem>>, vector<16xf32>,
        %bitcast3A_206 = vector.bitcast %get3A_205 : vector<16xf32> to vector<32xbf16>
        %get3A_207 = arith.index_cast %scan3A_202 : i32 to index
        %get3A_208 = arith.constant 16 : index
        %get3A_209 = tpu.vector_load %arg6[%get3A_207, %get3A_208] {strides = array<i32>} : memref<200x32xf32, #tpu.memory_space<vmem>>, vector<16xf32>,
        %bitcast3A_210 = vector.bitcast %get3A_209 : vector<16xf32> to vector<32xbf16>
        %unpack3A_211 = tpu.unpack_subelements %bitcast3A_206, 0 {pack_format = #tpu.pack_format<interleaved>} : vector<32xbf16> -> vector<16xf32>
        %unpack3A_212 = tpu.unpack_subelements %bitcast3A_206, 1 {pack_format = #tpu.pack_format<interleaved>} : vector<32xbf16> -> vector<16xf32>
        %unpack3A_213 = tpu.unpack_subelements %bitcast3A_210, 0 {pack_format = #tpu.pack_format<interleaved>} : vector<32xbf16> -> vector<16xf32>
        %unpack3A_214 = tpu.unpack_subelements %bitcast3A_210, 1 {pack_format = #tpu.pack_format<interleaved>} : vector<32xbf16> -> vector<16xf32>
        %add3A_215 = arith.addf %add3A_197, %unpack3A_211 : vector<16xf32>
        %add3A_216 = arith.addf %add3A_198, %unpack3A_213 : vector<16xf32>
        %add3A_217 = arith.addf %add3A_199, %unpack3A_212 : vector<16xf32>
        %add3A_218 = arith.addf %add3A_200, %unpack3A_214 : vector<16xf32>
        %scan3A_219 = arith.constant 2 : i32
        %scan3A_220 = arith.addi %scan3A_183, %scan3A_219 : i32
        %get3A_221 = arith.index_cast %scan3A_220 : i32 to index
        %get3A_222 = arith.constant 0 : index
        %get3A_223 = tpu.vector_load %arg6[%get3A_221, %get3A_222] {strides = array<i32>} : memref<200x32xf32, #tpu.memory_space<vmem>>, vector<16xf32>,
        %bitcast3A_224 = vector.bitcast %get3A_223 : vector<16xf32> to vector<32xbf16>
        %get3A_225 = arith.index_cast %scan3A_220 : i32 to index
        %get3A_226 = arith.constant 16 : index
        %get3A_227 = tpu.vector_load %arg6[%get3A_225, %get3A_226] {strides = array<i32>} : memref<200x32xf32, #tpu.memory_space<vmem>>, vector<16xf32>,
        %bitcast3A_228 = vector.bitcast %get3A_227 : vector<16xf32> to vector<32xbf16>
        %unpack3A_229 = tpu.unpack_subelements %bitcast3A_224, 0 {pack_format = #tpu.pack_format<interleaved>} : vector<32xbf16> -> vector<16xf32>
        %unpack3A_230 = tpu.unpack_subelements %bitcast3A_224, 1 {pack_format = #tpu.pack_format<interleaved>} : vector<32xbf16> -> vector<16xf32>
        %unpack3A_231 = tpu.unpack_subelements %bitcast3A_228, 0 {pack_format = #tpu.pack_format<interleaved>} : vector<32xbf16> -> vector<16xf32>
        %unpack3A_232 = tpu.unpack_subelements %bitcast3A_228, 1 {pack_format = #tpu.pack_format<interleaved>} : vector<32xbf16> -> vector<16xf32>
        %add3A_233 = arith.addf %add3A_215, %unpack3A_229 : vector<16xf32>
        %add3A_234 = arith.addf %add3A_216, %unpack3A_231 : vector<16xf32>
        %add3A_235 = arith.addf %add3A_217, %unpack3A_230 : vector<16xf32>
        %add3A_236 = arith.addf %add3A_218, %unpack3A_232 : vector<16xf32>
        %scan3A_237 = arith.constant 3 : i32
        %scan3A_238 = arith.addi %scan3A_183, %scan3A_237 : i32
        %get3A_239 = arith.index_cast %scan3A_238 : i32 to index
        %get3A_240 = arith.constant 0 : index
        %get3A_241 = tpu.vector_load %arg6[%get3A_239, %get3A_240] {strides = array<i32>} : memref<200x32xf32, #tpu.memory_space<vmem>>, vector<16xf32>,
        %bitcast3A_242 = vector.bitcast %get3A_241 : vector<16xf32> to vector<32xbf16>
        %get3A_243 = arith.index_cast %scan3A_238 : i32 to index
        %get3A_244 = arith.constant 16 : index
        %get3A_245 = tpu.vector_load %arg6[%get3A_243, %get3A_244] {strides = array<i32>} : memref<200x32xf32, #tpu.memory_space<vmem>>, vector<16xf32>,
        %bitcast3A_246 = vector.bitcast %get3A_245 : vector<16xf32> to vector<32xbf16>
        %unpack3A_247 = tpu.unpack_subelements %bitcast3A_242, 0 {pack_format = #tpu.pack_format<interleaved>} : vector<32xbf16> -> vector<16xf32>
        %unpack3A_248 = tpu.unpack_subelements %bitcast3A_242, 1 {pack_format = #tpu.pack_format<interleaved>} : vector<32xbf16> -> vector<16xf32>
        %unpack3A_249 = tpu.unpack_subelements %bitcast3A_246, 0 {pack_format = #tpu.pack_format<interleaved>} : vector<32xbf16> -> vector<16xf32>
        %unpack3A_250 = tpu.unpack_subelements %bitcast3A_246, 1 {pack_format = #tpu.pack_format<interleaved>} : vector<32xbf16> -> vector<16xf32>
        %add3A_251 = arith.addf %add3A_233, %unpack3A_247 : vector<16xf32>
        %add3A_252 = arith.addf %add3A_234, %unpack3A_249 : vector<16xf32>
        %add3A_253 = arith.addf %add3A_235, %unpack3A_248 : vector<16xf32>
        %add3A_254 = arith.addf %add3A_236, %unpack3A_250 : vector<16xf32>
        scf.yield %add3A_251, %add3A_252, %add3A_253, %add3A_254 : vector<16xf32>, vector<16xf32>, vector<16xf32>, vector<16xf32>
      }
      %scan3A_104 = arith.constant 200 : i32
      %swap3A = arith.index_cast %add3A_53 : i32 to index
      %swap3A_105 = arith.constant 0 : index
      %swap3A_106 = tpu.vector_load %arg8[%swap3A, %swap3A_105] {strides = array<i32>} : memref<128x64xf32, #tpu.memory_space<vmem>>, vector<16xf32>,
      tpu.vector_store %arg8[%swap3A, %swap3A_105], %scan3A_103#0 {strides = array<i32>} : memref<128x64xf32, #tpu.memory_space<vmem>>, vector<16xf32>,
      %swap3A_107 = arith.index_cast %add3A_53 : i32 to index
      %swap3A_108 = arith.constant 16 : index
      %swap3A_109 = tpu.vector_load %arg8[%swap3A_107, %swap3A_108] {strides = array<i32>} : memref<128x64xf32, #tpu.memory_space<vmem>>, vector<16xf32>,
      tpu.vector_store %arg8[%swap3A_107, %swap3A_108], %scan3A_103#1 {strides = array<i32>} : memref<128x64xf32, #tpu.memory_space<vmem>>, vector<16xf32>,
      %swap3A_110 = arith.index_cast %add3A_53 : i32 to index
      %swap3A_111 = arith.constant 32 : index
      %swap3A_112 = tpu.vector_load %arg8[%swap3A_110, %swap3A_111] {strides = array<i32>} : memref<128x64xf32, #tpu.memory_space<vmem>>, vector<16xf32>,
      tpu.vector_store %arg8[%swap3A_110, %swap3A_111], %scan3A_103#2 {strides = array<i32>} : memref<128x64xf32, #tpu.memory_space<vmem>>, vector<16xf32>,
      %swap3A_113 = arith.index_cast %add3A_53 : i32 to index
      %swap3A_114 = arith.constant 48 : index
      %swap3A_115 = tpu.vector_load %arg8[%swap3A_113, %swap3A_114] {strides = array<i32>} : memref<128x64xf32, #tpu.memory_space<vmem>>, vector<16xf32>,
      tpu.vector_store %arg8[%swap3A_113, %swap3A_114], %scan3A_103#3 {strides = array<i32>} : memref<128x64xf32, #tpu.memory_space<vmem>>, vector<16xf32>,
      %add3A_116 = arith.constant 2 : i32
      %add3A_117 = arith.addi %add3A_53, %add3A_116 : i32
      %min3A = arith.constant 127 : i32
      %min3A_118 = arith.minsi %add3A_117, %min3A : i32
      %dma_start3A_119 = arith.constant 0 : i32
      %dma_start3A_120 = arith.constant 0 : i32
      %dma_start3A_121 = tpu.memref_slice %arg6[%dma_start3A_119, %dma_start3A_120] : memref<200x32xf32, #tpu.memory_space<vmem>> -> memref<128x32xf32, #tpu.memory_space<vmem>>
      %dma_start3A_122 = arith.constant 0 : i32
      %dma_start3A_123 = tpu.memref_slice %arg5[%min3A_118, %dma_start3A_122] : memref<128x200xi32, #tpu.memory_space<vmem>> -> memref<1x128xi32, #tpu.memory_space<vmem>>
      %dma_start3A_124 = tpu.memref_squeeze %dma_start3A_123 : memref<1x128xi32, #tpu.memory_space<vmem>> -> memref<128xi32, #tpu.memory_space<vmem>>
      %dma_start3A_125 = arith.constant 0 : i32
      %dma_start3A_126 = arith.constant 0 : i32
      %dma_start3A_127 = tpu.memref_slice %arg3[%dma_start3A_125, %dma_start3A_126] : memref<1015808x32xf32, #tpu.memory_space<hbm>> -> memref<1015808x32xf32, #tpu.memory_space<hbm>>
      tpu.enqueue_indirect_dma source(%dma_start3A_127 : memref<1015808x32xf32, #tpu.memory_space<hbm>>) target(%dma_start3A_121 : memref<128x32xf32, #tpu.memory_space<vmem>>) offsets(%dma_start3A_124 : memref<128xi32, #tpu.memory_space<vmem>>) semaphore(%arg9 : memref<!tpu.dma_semaphore, #tpu.memory_space<semaphore_mem>>)
      %dma_start3A_128 = arith.constant 128 : i32
      %dma_start3A_129 = arith.constant 0 : i32
      %dma_start3A_130 = tpu.memref_slice %arg6[%dma_start3A_128, %dma_start3A_129] : memref<200x32xf32, #tpu.memory_space<vmem>> -> memref<72x32xf32, #tpu.memory_space<vmem>>
      %dma_start3A_131 = arith.constant 128 : i32
      %dma_start3A_132 = tpu.memref_slice %arg5[%min3A_118, %dma_start3A_131] : memref<128x200xi32, #tpu.memory_space<vmem>> -> memref<1x72xi32, #tpu.memory_space<vmem>>
      %dma_start3A_133 = tpu.memref_squeeze %dma_start3A_132 : memref<1x72xi32, #tpu.memory_space<vmem>> -> memref<72xi32, #tpu.memory_space<vmem>>
      %dma_start3A_134 = arith.constant 0 : i32
      %dma_start3A_135 = arith.constant 0 : i32
      %dma_start3A_136 = tpu.memref_slice %arg3[%dma_start3A_134, %dma_start3A_135] : memref<1015808x32xf32, #tpu.memory_space<hbm>> -> memref<1015808x32xf32, #tpu.memory_space<hbm>>
      tpu.enqueue_indirect_dma source(%dma_start3A_136 : memref<1015808x32xf32, #tpu.memory_space<hbm>>) target(%dma_start3A_130 : memref<72x32xf32, #tpu.memory_space<vmem>>) offsets(%dma_start3A_133 : memref<72xi32, #tpu.memory_space<vmem>>) semaphore(%arg9 : memref<!tpu.dma_semaphore, #tpu.memory_space<semaphore_mem>>)
      %dma_wait3A_137 = arith.constant 0 : i32
      %dma_wait3A_138 = arith.constant 0 : i32
      %dma_wait3A_139 = tpu.memref_slice %arg7[%dma_wait3A_137, %dma_wait3A_138] : memref<200x32xf32, #tpu.memory_space<vmem>> -> memref<128x32xf32, #tpu.memory_space<vmem>>
      %dma_wait3A_140 = arith.constant 0 : i32
      %dma_wait3A_141 = arith.constant 0 : i32
      %dma_wait3A_142 = tpu.memref_slice %arg3[%dma_wait3A_140, %dma_wait3A_141] : memref<1015808x32xf32, #tpu.memory_space<hbm>> -> memref<128x32xf32, #tpu.memory_space<hbm>>
      %dma_wait3A_143 = arith.constant 0 : i32
      %dma_wait3A_144 = arith.constant 0 : i32
      %dma_wait3A_145 = tpu.memref_slice %arg7[%dma_wait3A_143, %dma_wait3A_144] : memref<200x32xf32, #tpu.memory_space<vmem>> -> memref<128x32xf32, #tpu.memory_space<vmem>>
      %dma_wait3A_146 = arith.constant 0 : i32
      %dma_wait3A_147 = arith.constant 0 : i32
      %dma_wait3A_148 = tpu.memref_slice %arg3[%dma_wait3A_146, %dma_wait3A_147] : memref<1015808x32xf32, #tpu.memory_space<hbm>> -> memref<128x32xf32, #tpu.memory_space<hbm>>
      tpu.wait_dma2 semaphore(%arg10 : memref<!tpu.dma_semaphore, #tpu.memory_space<semaphore_mem>>) src(%dma_wait3A_148 : memref<128x32xf32, #tpu.memory_space<hbm>>) dst(%dma_wait3A_145 : memref<128x32xf32, #tpu.memory_space<vmem>>)
      %dma_wait3A_149 = arith.constant 128 : i32
      %dma_wait3A_150 = arith.constant 0 : i32
      %dma_wait3A_151 = tpu.memref_slice %arg7[%dma_wait3A_149, %dma_wait3A_150] : memref<200x32xf32, #tpu.memory_space<vmem>> -> memref<72x32xf32, #tpu.memory_space<vmem>>
      %dma_wait3A_152 = arith.constant 0 : i32
      %dma_wait3A_153 = arith.constant 0 : i32
      %dma_wait3A_154 = tpu.memref_slice %arg3[%dma_wait3A_152, %dma_wait3A_153] : memref<1015808x32xf32, #tpu.memory_space<hbm>> -> memref<72x32xf32, #tpu.memory_space<hbm>>
      %dma_wait3A_155 = arith.constant 128 : i32
      %dma_wait3A_156 = arith.constant 0 : i32
      %dma_wait3A_157 = tpu.memref_slice %arg7[%dma_wait3A_155, %dma_wait3A_156] : memref<200x32xf32, #tpu.memory_space<vmem>> -> memref<72x32xf32, #tpu.memory_space<vmem>>
      %dma_wait3A_158 = arith.constant 0 : i32
      %dma_wait3A_159 = arith.constant 0 : i32
      %dma_wait3A_160 = tpu.memref_slice %arg3[%dma_wait3A_158, %dma_wait3A_159] : memref<1015808x32xf32, #tpu.memory_space<hbm>> -> memref<72x32xf32, #tpu.memory_space<hbm>>
      tpu.wait_dma2 semaphore(%arg10 : memref<!tpu.dma_semaphore, #tpu.memory_space<semaphore_mem>>) src(%dma_wait3A_160 : memref<72x32xf32, #tpu.memory_space<hbm>>) dst(%dma_wait3A_157 : memref<72x32xf32, #tpu.memory_space<vmem>>)
      %add3A_161 = arith.constant 1 : i32
      %add3A_162 = arith.addi %add3A_53, %add3A_161 : i32
      %broadcast_in_dim3A_163 = arith.constant 0.000000e+00 : f32
      %broadcast_in_dim3A_164 = vector.broadcast %broadcast_in_dim3A_163 : f32 to vector<16xf32>
      %scan3A_165 = arith.constant 0 : i32
      %scan3A_166 = arith.constant 200 : i32
      %scan3A_167 = arith.addi %scan3A_165, %scan3A_166 : i32
      %scan3A_168 = arith.constant 4 : i32
      %scan3A_169:4 = scf.for %scan3A_183 = %scan3A_165 to %scan3A_167 step %scan3A_168 iter_args(%scan3A_184 = %broadcast_in_dim3A_164, %scan3A_185 = %broadcast_in_dim3A_164, %scan3A_186 = %broadcast_in_dim3A_164, %scan3A_187 = %broadcast_in_dim3A_164) -> (vector<16xf32>, vector<16xf32>, vector<16xf32>, vector<16xf32>)  : i32 {
        %get3A = arith.index_cast %scan3A_183 : i32 to index
        %get3A_188 = arith.constant 0 : index
        %get3A_189 = tpu.vector_load %arg7[%get3A, %get3A_188] {strides = array<i32>} : memref<200x32xf32, #tpu.memory_space<vmem>>, vector<16xf32>,
        %bitcast3A = vector.bitcast %get3A_189 : vector<16xf32> to vector<32xbf16>
        %get3A_190 = arith.index_cast %scan3A_183 : i32 to index
        %get3A_191 = arith.constant 16 : index
        %get3A_192 = tpu.vector_load %arg7[%get3A_190, %get3A_191] {strides = array<i32>} : memref<200x32xf32, #tpu.memory_space<vmem>>, vector<16xf32>,
        %bitcast3A_193 = vector.bitcast %get3A_192 : vector<16xf32> to vector<32xbf16>
        %unpack3A = tpu.unpack_subelements %bitcast3A, 0 {pack_format = #tpu.pack_format<interleaved>} : vector<32xbf16> -> vector<16xf32>
        %unpack3A_194 = tpu.unpack_subelements %bitcast3A, 1 {pack_format = #tpu.pack_format<interleaved>} : vector<32xbf16> -> vector<16xf32>
        %unpack3A_195 = tpu.unpack_subelements %bitcast3A_193, 0 {pack_format = #tpu.pack_format<interleaved>} : vector<32xbf16> -> vector<16xf32>
        %unpack3A_196 = tpu.unpack_subelements %bitcast3A_193, 1 {pack_format = #tpu.pack_format<interleaved>} : vector<32xbf16> -> vector<16xf32>
        %add3A_197 = arith.addf %scan3A_184, %unpack3A : vector<16xf32>
        %add3A_198 = arith.addf %scan3A_185, %unpack3A_195 : vector<16xf32>
        %add3A_199 = arith.addf %scan3A_186, %unpack3A_194 : vector<16xf32>
        %add3A_200 = arith.addf %scan3A_187, %unpack3A_196 : vector<16xf32>
        %scan3A_201 = arith.constant 1 : i32
        %scan3A_202 = arith.addi %scan3A_183, %scan3A_201 : i32
        %get3A_203 = arith.index_cast %scan3A_202 : i32 to index
        %get3A_204 = arith.constant 0 : index
        %get3A_205 = tpu.vector_load %arg7[%get3A_203, %get3A_204] {strides = array<i32>} : memref<200x32xf32, #tpu.memory_space<vmem>>, vector<16xf32>,
        %bitcast3A_206 = vector.bitcast %get3A_205 : vector<16xf32> to vector<32xbf16>
        %get3A_207 = arith.index_cast %scan3A_202 : i32 to index
        %get3A_208 = arith.constant 16 : index
        %get3A_209 = tpu.vector_load %arg7[%get3A_207, %get3A_208] {strides = array<i32>} : memref<200x32xf32, #tpu.memory_space<vmem>>, vector<16xf32>,
        %bitcast3A_210 = vector.bitcast %get3A_209 : vector<16xf32> to vector<32xbf16>
        %unpack3A_211 = tpu.unpack_subelements %bitcast3A_206, 0 {pack_format = #tpu.pack_format<interleaved>} : vector<32xbf16> -> vector<16xf32>
        %unpack3A_212 = tpu.unpack_subelements %bitcast3A_206, 1 {pack_format = #tpu.pack_format<interleaved>} : vector<32xbf16> -> vector<16xf32>
        %unpack3A_213 = tpu.unpack_subelements %bitcast3A_210, 0 {pack_format = #tpu.pack_format<interleaved>} : vector<32xbf16> -> vector<16xf32>
        %unpack3A_214 = tpu.unpack_subelements %bitcast3A_210, 1 {pack_format = #tpu.pack_format<interleaved>} : vector<32xbf16> -> vector<16xf32>
        %add3A_215 = arith.addf %add3A_197, %unpack3A_211 : vector<16xf32>
        %add3A_216 = arith.addf %add3A_198, %unpack3A_213 : vector<16xf32>
        %add3A_217 = arith.addf %add3A_199, %unpack3A_212 : vector<16xf32>
        %add3A_218 = arith.addf %add3A_200, %unpack3A_214 : vector<16xf32>
        %scan3A_219 = arith.constant 2 : i32
        %scan3A_220 = arith.addi %scan3A_183, %scan3A_219 : i32
        %get3A_221 = arith.index_cast %scan3A_220 : i32 to index
        %get3A_222 = arith.constant 0 : index
        %get3A_223 = tpu.vector_load %arg7[%get3A_221, %get3A_222] {strides = array<i32>} : memref<200x32xf32, #tpu.memory_space<vmem>>, vector<16xf32>,
        %bitcast3A_224 = vector.bitcast %get3A_223 : vector<16xf32> to vector<32xbf16>
        %get3A_225 = arith.index_cast %scan3A_220 : i32 to index
        %get3A_226 = arith.constant 16 : index
        %get3A_227 = tpu.vector_load %arg7[%get3A_225, %get3A_226] {strides = array<i32>} : memref<200x32xf32, #tpu.memory_space<vmem>>, vector<16xf32>,
        %bitcast3A_228 = vector.bitcast %get3A_227 : vector<16xf32> to vector<32xbf16>
        %unpack3A_229 = tpu.unpack_subelements %bitcast3A_224, 0 {pack_format = #tpu.pack_format<interleaved>} : vector<32xbf16> -> vector<16xf32>
        %unpack3A_230 = tpu.unpack_subelements %bitcast3A_224, 1 {pack_format = #tpu.pack_format<interleaved>} : vector<32xbf16> -> vector<16xf32>
        %unpack3A_231 = tpu.unpack_subelements %bitcast3A_228, 0 {pack_format = #tpu.pack_format<interleaved>} : vector<32xbf16> -> vector<16xf32>
        %unpack3A_232 = tpu.unpack_subelements %bitcast3A_228, 1 {pack_format = #tpu.pack_format<interleaved>} : vector<32xbf16> -> vector<16xf32>
        %add3A_233 = arith.addf %add3A_215, %unpack3A_229 : vector<16xf32>
        %add3A_234 = arith.addf %add3A_216, %unpack3A_231 : vector<16xf32>
        %add3A_235 = arith.addf %add3A_217, %unpack3A_230 : vector<16xf32>
        %add3A_236 = arith.addf %add3A_218, %unpack3A_232 : vector<16xf32>
        %scan3A_237 = arith.constant 3 : i32
        %scan3A_238 = arith.addi %scan3A_183, %scan3A_237 : i32
        %get3A_239 = arith.index_cast %scan3A_238 : i32 to index
        %get3A_240 = arith.constant 0 : index
        %get3A_241 = tpu.vector_load %arg7[%get3A_239, %get3A_240] {strides = array<i32>} : memref<200x32xf32, #tpu.memory_space<vmem>>, vector<16xf32>,
        %bitcast3A_242 = vector.bitcast %get3A_241 : vector<16xf32> to vector<32xbf16>
        %get3A_243 = arith.index_cast %scan3A_238 : i32 to index
        %get3A_244 = arith.constant 16 : index
        %get3A_245 = tpu.vector_load %arg7[%get3A_243, %get3A_244] {strides = array<i32>} : memref<200x32xf32, #tpu.memory_space<vmem>>, vector<16xf32>,
        %bitcast3A_246 = vector.bitcast %get3A_245 : vector<16xf32> to vector<32xbf16>
        %unpack3A_247 = tpu.unpack_subelements %bitcast3A_242, 0 {pack_format = #tpu.pack_format<interleaved>} : vector<32xbf16> -> vector<16xf32>
        %unpack3A_248 = tpu.unpack_subelements %bitcast3A_242, 1 {pack_format = #tpu.pack_format<interleaved>} : vector<32xbf16> -> vector<16xf32>
        %unpack3A_249 = tpu.unpack_subelements %bitcast3A_246, 0 {pack_format = #tpu.pack_format<interleaved>} : vector<32xbf16> -> vector<16xf32>
        %unpack3A_250 = tpu.unpack_subelements %bitcast3A_246, 1 {pack_format = #tpu.pack_format<interleaved>} : vector<32xbf16> -> vector<16xf32>
        %add3A_251 = arith.addf %add3A_233, %unpack3A_247 : vector<16xf32>
        %add3A_252 = arith.addf %add3A_234, %unpack3A_249 : vector<16xf32>
        %add3A_253 = arith.addf %add3A_235, %unpack3A_248 : vector<16xf32>
        %add3A_254 = arith.addf %add3A_236, %unpack3A_250 : vector<16xf32>
        scf.yield %add3A_251, %add3A_252, %add3A_253, %add3A_254 : vector<16xf32>, vector<16xf32>, vector<16xf32>, vector<16xf32>
      }
      %scan3A_170 = arith.constant 200 : i32
      %swap3A_171 = arith.index_cast %add3A_162 : i32 to index
      %swap3A_172 = arith.constant 0 : index
      %swap3A_173 = tpu.vector_load %arg8[%swap3A_171, %swap3A_172] {strides = array<i32>} : memref<128x64xf32, #tpu.memory_space<vmem>>, vector<16xf32>,
      tpu.vector_store %arg8[%swap3A_171, %swap3A_172], %scan3A_169#0 {strides = array<i32>} : memref<128x64xf32, #tpu.memory_space<vmem>>, vector<16xf32>,
      %swap3A_174 = arith.index_cast %add3A_162 : i32 to index
      %swap3A_175 = arith.constant 16 : index
      %swap3A_176 = tpu.vector_load %arg8[%swap3A_174, %swap3A_175] {strides = array<i32>} : memref<128x64xf32, #tpu.memory_space<vmem>>, vector<16xf32>,
      tpu.vector_store %arg8[%swap3A_174, %swap3A_175], %scan3A_169#1 {strides = array<i32>} : memref<128x64xf32, #tpu.memory_space<vmem>>, vector<16xf32>,
      %swap3A_177 = arith.index_cast %add3A_162 : i32 to index
      %swap3A_178 = arith.constant 32 : index
      %swap3A_179 = tpu.vector_load %arg8[%swap3A_177, %swap3A_178] {strides = array<i32>} : memref<128x64xf32, #tpu.memory_space<vmem>>, vector<16xf32>,
      tpu.vector_store %arg8[%swap3A_177, %swap3A_178], %scan3A_169#2 {strides = array<i32>} : memref<128x64xf32, #tpu.memory_space<vmem>>, vector<16xf32>,
      %swap3A_180 = arith.index_cast %add3A_162 : i32 to index
      %swap3A_181 = arith.constant 48 : index
      %swap3A_182 = tpu.vector_load %arg8[%swap3A_180, %swap3A_181] {strides = array<i32>} : memref<128x64xf32, #tpu.memory_space<vmem>>, vector<16xf32>,
      tpu.vector_store %arg8[%swap3A_180, %swap3A_181], %scan3A_169#3 {strides = array<i32>} : memref<128x64xf32, #tpu.memory_space<vmem>>, vector<16xf32>,
    }
    %scan3A_25 = arith.constant 64 : i32
    %dma_wait3A = arith.constant 0 : i32
    %dma_wait3A_26 = arith.constant 0 : i32
    %dma_wait3A_27 = tpu.memref_slice %arg6[%dma_wait3A, %dma_wait3A_26] : memref<200x32xf32, #tpu.memory_space<vmem>> -> memref<128x32xf32, #tpu.memory_space<vmem>>
    %dma_wait3A_28 = arith.constant 0 : i32
    %dma_wait3A_29 = arith.constant 0 : i32
    %dma_wait3A_30 = tpu.memref_slice %arg3[%dma_wait3A_28, %dma_wait3A_29] : memref<1015808x32xf32, #tpu.memory_space<hbm>> -> memref<128x32xf32, #tpu.memory_space<hbm>>
    %dma_wait3A_31 = arith.constant 0 : i32
    %dma_wait3A_32 = arith.constant 0 : i32
    %dma_wait3A_33 = tpu.memref_slice %arg6[%dma_wait3A_31, %dma_wait3A_32] : memref<200x32xf32, #tpu.memory_space<vmem>> -> memref<128x32xf32, #tpu.memory_space<vmem>>
    %dma_wait3A_34 = arith.constant 0 : i32
    %dma_wait3A_35 = arith.constant 0 : i32
    %dma_wait3A_36 = tpu.memref_slice %arg3[%dma_wait3A_34, %dma_wait3A_35] : memref<1015808x32xf32, #tpu.memory_space<hbm>> -> memref<128x32xf32, #tpu.memory_space<hbm>>
    tpu.wait_dma2 semaphore(%arg9 : memref<!tpu.dma_semaphore, #tpu.memory_space<semaphore_mem>>) src(%dma_wait3A_36 : memref<128x32xf32, #tpu.memory_space<hbm>>) dst(%dma_wait3A_33 : memref<128x32xf32, #tpu.memory_space<vmem>>)
    %dma_wait3A_37 = arith.constant 128 : i32
    %dma_wait3A_38 = arith.constant 0 : i32
    %dma_wait3A_39 = tpu.memref_slice %arg6[%dma_wait3A_37, %dma_wait3A_38] : memref<200x32xf32, #tpu.memory_space<vmem>> -> memref<72x32xf32, #tpu.memory_space<vmem>>
    %dma_wait3A_40 = arith.constant 0 : i32
    %dma_wait3A_41 = arith.constant 0 : i32
    %dma_wait3A_42 = tpu.memref_slice %arg3[%dma_wait3A_40, %dma_wait3A_41] : memref<1015808x32xf32, #tpu.memory_space<hbm>> -> memref<72x32xf32, #tpu.memory_space<hbm>>
    %dma_wait3A_43 = arith.constant 128 : i32
    %dma_wait3A_44 = arith.constant 0 : i32
    %dma_wait3A_45 = tpu.memref_slice %arg6[%dma_wait3A_43, %dma_wait3A_44] : memref<200x32xf32, #tpu.memory_space<vmem>> -> memref<72x32xf32, #tpu.memory_space<vmem>>
    %dma_wait3A_46 = arith.constant 0 : i32
    %dma_wait3A_47 = arith.constant 0 : i32
    %dma_wait3A_48 = tpu.memref_slice %arg3[%dma_wait3A_46, %dma_wait3A_47] : memref<1015808x32xf32, #tpu.memory_space<hbm>> -> memref<72x32xf32, #tpu.memory_space<hbm>>
    tpu.wait_dma2 semaphore(%arg9 : memref<!tpu.dma_semaphore, #tpu.memory_space<semaphore_mem>>) src(%dma_wait3A_48 : memref<72x32xf32, #tpu.memory_space<hbm>>) dst(%dma_wait3A_45 : memref<72x32xf32, #tpu.memory_space<vmem>>)
    "tpu.region"() ({
      %run_scoped3A = tpu.sem_alloc : memref<!tpu.dma_semaphore, #tpu.memory_space<semaphore_mem>>
      %dma_start3A_49 = arith.constant 0 : i32
      %dma_start3A_50 = tpu.memref_slice %arg4[%mul3A_2, %dma_start3A_49] : memref<4096x64xf32, #tpu.memory_space<hbm>> -> memref<128x64xf32, #tpu.memory_space<hbm>>
      %dma_start3A_51 = arith.constant 0 : i32
      %dma_start3A_52 = tpu.memref_slice %arg4[%mul3A_2, %dma_start3A_51] : memref<4096x64xf32, #tpu.memory_space<hbm>> -> memref<128x64xf32, #tpu.memory_space<hbm>>
      tpu.enqueue_dma source(%arg8 : memref<128x64xf32, #tpu.memory_space<vmem>>) target(%dma_start3A_52 : memref<128x64xf32, #tpu.memory_space<hbm>>) target_semaphore(%run_scoped3A : memref<!tpu.dma_semaphore, #tpu.memory_space<semaphore_mem>>)
      %dma_wait3A_53 = arith.constant 0 : i32
      %dma_wait3A_54 = tpu.memref_slice %arg4[%mul3A_2, %dma_wait3A_53] : memref<4096x64xf32, #tpu.memory_space<hbm>> -> memref<128x64xf32, #tpu.memory_space<hbm>>
      %dma_wait3A_55 = arith.constant 0 : i32
      %dma_wait3A_56 = tpu.memref_slice %arg4[%mul3A_2, %dma_wait3A_55] : memref<4096x64xf32, #tpu.memory_space<hbm>> -> memref<128x64xf32, #tpu.memory_space<hbm>>
      tpu.wait_dma2 semaphore(%run_scoped3A : memref<!tpu.dma_semaphore, #tpu.memory_space<semaphore_mem>>) src(%arg8 : memref<128x64xf32, #tpu.memory_space<vmem>>) dst(%dma_wait3A_56 : memref<128x64xf32, #tpu.memory_space<hbm>>)
      tpu.yield
    }) : () -> ()
    return
  }
}

module attributes {stable_mosaic.version = 14 : i64} {
  func.func @_detile_kernel(%arg0: i32, %arg1: memref<64x4096xf32, #tpu.memory_space<vmem>>, %arg2: memref<64x4096xf32, #tpu.memory_space<vmem>>, %arg3: memref<64x4096xf32, #tpu.memory_space<vmem>>, %arg4: memref<64x4096xf32, #tpu.memory_space<vmem>>, %arg5: memref<4096x128xf32, #tpu.memory_space<vmem>>) attributes {dimension_semantics = [#tpu.dimension_semantics<arbitrary>], iteration_bounds = array<i64: 62>, scalar_prefetch = 0 : i64, scratch_operands = 0 : i64, tpu.core_type = #tpu.core_type<tc>, window_params = [{transform_indices = @transform_0, window_bounds = array<i64: 64, 4096>}, {transform_indices = @transform_1, window_bounds = array<i64: 64, 4096>}, {transform_indices = @transform_2, window_bounds = array<i64: 64, 4096>}, {transform_indices = @transform_3, window_bounds = array<i64: 64, 4096>}, {transform_indices = @transform_4, window_bounds = array<i64: 4096, 128>}]} {
    %get3A = arith.constant 0 : index
    %get3A_0 = arith.constant 0 : index
    %get3A_1 = vector.load %arg1[%get3A, %get3A_0] : memref<64x4096xf32, #tpu.memory_space<vmem>>, vector<64x4096xf32>
    %slice3A = vector.extract_strided_slice %get3A_1 {offsets = [0, 0], sizes = [32, 4096], strides = [1, 1]} : vector<64x4096xf32> to vector<32x4096xf32>
    %convert_element_type3A = arith.truncf %slice3A : vector<32x4096xf32> to vector<32x4096xbf16>
    %slice3A_2 = vector.extract_strided_slice %get3A_1 {offsets = [32, 0], sizes = [32, 4096], strides = [1, 1]} : vector<64x4096xf32> to vector<32x4096xf32>
    %convert_element_type3A_3 = arith.truncf %slice3A_2 : vector<32x4096xf32> to vector<32x4096xbf16>
    %bitcast_convert_type3A = tpu.bitcast %convert_element_type3A : vector<32x4096xbf16> -> vector<32x4096xi16>
    %convert_element_type3A_4 = arith.extui %bitcast_convert_type3A : vector<32x4096xi16> to vector<32x4096xi32>
    %bitcast_convert_type3A_5 = tpu.bitcast %convert_element_type3A_3 : vector<32x4096xbf16> -> vector<32x4096xi16>
    %convert_element_type3A_6 = arith.extui %bitcast_convert_type3A_5 : vector<32x4096xi16> to vector<32x4096xi32>
    %shift_left3A = arith.constant 16 : i32
    %shift_left3A_7 = vector.broadcast %shift_left3A : i32 to vector<32x4096xi32>
    %shift_left3A_8 = arith.shli %convert_element_type3A_6, %shift_left3A_7 : vector<32x4096xi32>
    %or3A = arith.ori %shift_left3A_8, %convert_element_type3A_4 : vector<32x4096xi32>
    %transpose3A = tpu.transpose %or3A, [1, 0] : vector<32x4096xi32> -> vector<4096x32xi32>
    %bitcast_convert_type3A_9 = tpu.bitcast %transpose3A : vector<4096x32xi32> -> vector<4096x32xf32>
    %get3A_10 = arith.constant 0 : index
    %get3A_11 = arith.constant 0 : index
    %get3A_12 = vector.load %arg2[%get3A_10, %get3A_11] : memref<64x4096xf32, #tpu.memory_space<vmem>>, vector<64x4096xf32>
    %slice3A_13 = vector.extract_strided_slice %get3A_12 {offsets = [0, 0], sizes = [32, 4096], strides = [1, 1]} : vector<64x4096xf32> to vector<32x4096xf32>
    %convert_element_type3A_14 = arith.truncf %slice3A_13 : vector<32x4096xf32> to vector<32x4096xbf16>
    %slice3A_15 = vector.extract_strided_slice %get3A_12 {offsets = [32, 0], sizes = [32, 4096], strides = [1, 1]} : vector<64x4096xf32> to vector<32x4096xf32>
    %convert_element_type3A_16 = arith.truncf %slice3A_15 : vector<32x4096xf32> to vector<32x4096xbf16>
    %bitcast_convert_type3A_17 = tpu.bitcast %convert_element_type3A_14 : vector<32x4096xbf16> -> vector<32x4096xi16>
    %convert_element_type3A_18 = arith.extui %bitcast_convert_type3A_17 : vector<32x4096xi16> to vector<32x4096xi32>
    %bitcast_convert_type3A_19 = tpu.bitcast %convert_element_type3A_16 : vector<32x4096xbf16> -> vector<32x4096xi16>
    %convert_element_type3A_20 = arith.extui %bitcast_convert_type3A_19 : vector<32x4096xi16> to vector<32x4096xi32>
    %shift_left3A_21 = arith.constant 16 : i32
    %shift_left3A_22 = vector.broadcast %shift_left3A_21 : i32 to vector<32x4096xi32>
    %shift_left3A_23 = arith.shli %convert_element_type3A_20, %shift_left3A_22 : vector<32x4096xi32>
    %or3A_24 = arith.ori %shift_left3A_23, %convert_element_type3A_18 : vector<32x4096xi32>
    %transpose3A_25 = tpu.transpose %or3A_24, [1, 0] : vector<32x4096xi32> -> vector<4096x32xi32>
    %bitcast_convert_type3A_26 = tpu.bitcast %transpose3A_25 : vector<4096x32xi32> -> vector<4096x32xf32>
    %get3A_27 = arith.constant 0 : index
    %get3A_28 = arith.constant 0 : index
    %get3A_29 = vector.load %arg3[%get3A_27, %get3A_28] : memref<64x4096xf32, #tpu.memory_space<vmem>>, vector<64x4096xf32>
    %slice3A_30 = vector.extract_strided_slice %get3A_29 {offsets = [0, 0], sizes = [32, 4096], strides = [1, 1]} : vector<64x4096xf32> to vector<32x4096xf32>
    %convert_element_type3A_31 = arith.truncf %slice3A_30 : vector<32x4096xf32> to vector<32x4096xbf16>
    %slice3A_32 = vector.extract_strided_slice %get3A_29 {offsets = [32, 0], sizes = [32, 4096], strides = [1, 1]} : vector<64x4096xf32> to vector<32x4096xf32>
    %convert_element_type3A_33 = arith.truncf %slice3A_32 : vector<32x4096xf32> to vector<32x4096xbf16>
    %bitcast_convert_type3A_34 = tpu.bitcast %convert_element_type3A_31 : vector<32x4096xbf16> -> vector<32x4096xi16>
    %convert_element_type3A_35 = arith.extui %bitcast_convert_type3A_34 : vector<32x4096xi16> to vector<32x4096xi32>
    %bitcast_convert_type3A_36 = tpu.bitcast %convert_element_type3A_33 : vector<32x4096xbf16> -> vector<32x4096xi16>
    %convert_element_type3A_37 = arith.extui %bitcast_convert_type3A_36 : vector<32x4096xi16> to vector<32x4096xi32>
    %shift_left3A_38 = arith.constant 16 : i32
    %shift_left3A_39 = vector.broadcast %shift_left3A_38 : i32 to vector<32x4096xi32>
    %shift_left3A_40 = arith.shli %convert_element_type3A_37, %shift_left3A_39 : vector<32x4096xi32>
    %or3A_41 = arith.ori %shift_left3A_40, %convert_element_type3A_35 : vector<32x4096xi32>
    %transpose3A_42 = tpu.transpose %or3A_41, [1, 0] : vector<32x4096xi32> -> vector<4096x32xi32>
    %bitcast_convert_type3A_43 = tpu.bitcast %transpose3A_42 : vector<4096x32xi32> -> vector<4096x32xf32>
    %get3A_44 = arith.constant 0 : index
    %get3A_45 = arith.constant 0 : index
    %get3A_46 = vector.load %arg4[%get3A_44, %get3A_45] : memref<64x4096xf32, #tpu.memory_space<vmem>>, vector<64x4096xf32>
    %slice3A_47 = vector.extract_strided_slice %get3A_46 {offsets = [0, 0], sizes = [32, 4096], strides = [1, 1]} : vector<64x4096xf32> to vector<32x4096xf32>
    %convert_element_type3A_48 = arith.truncf %slice3A_47 : vector<32x4096xf32> to vector<32x4096xbf16>
    %slice3A_49 = vector.extract_strided_slice %get3A_46 {offsets = [32, 0], sizes = [32, 4096], strides = [1, 1]} : vector<64x4096xf32> to vector<32x4096xf32>
    %convert_element_type3A_50 = arith.truncf %slice3A_49 : vector<32x4096xf32> to vector<32x4096xbf16>
    %bitcast_convert_type3A_51 = tpu.bitcast %convert_element_type3A_48 : vector<32x4096xbf16> -> vector<32x4096xi16>
    %convert_element_type3A_52 = arith.extui %bitcast_convert_type3A_51 : vector<32x4096xi16> to vector<32x4096xi32>
    %bitcast_convert_type3A_53 = tpu.bitcast %convert_element_type3A_50 : vector<32x4096xbf16> -> vector<32x4096xi16>
    %convert_element_type3A_54 = arith.extui %bitcast_convert_type3A_53 : vector<32x4096xi16> to vector<32x4096xi32>
    %shift_left3A_55 = arith.constant 16 : i32
    %shift_left3A_56 = vector.broadcast %shift_left3A_55 : i32 to vector<32x4096xi32>
    %shift_left3A_57 = arith.shli %convert_element_type3A_54, %shift_left3A_56 : vector<32x4096xi32>
    %or3A_58 = arith.ori %shift_left3A_57, %convert_element_type3A_52 : vector<32x4096xi32>
    %transpose3A_59 = tpu.transpose %or3A_58, [1, 0] : vector<32x4096xi32> -> vector<4096x32xi32>
    %bitcast_convert_type3A_60 = tpu.bitcast %transpose3A_59 : vector<4096x32xi32> -> vector<4096x32xf32>
    %concatenate3A = tpu.concatenate %bitcast_convert_type3A_9, %bitcast_convert_type3A_26, %bitcast_convert_type3A_43, %bitcast_convert_type3A_60 in 1 : vector<4096x32xf32>, vector<4096x32xf32>, vector<4096x32xf32>, vector<4096x32xf32> -> vector<4096x128xf32>
    %swap3A = arith.constant 0 : index
    %swap3A_61 = arith.constant 0 : index
    %swap3A_62 = vector.load %arg5[%swap3A, %swap3A_61] : memref<4096x128xf32, #tpu.memory_space<vmem>>, vector<4096x128xf32>
    tpu.vector_store %arg5[%swap3A, %swap3A_61], %concatenate3A {strides = array<i32>} : memref<4096x128xf32, #tpu.memory_space<vmem>>, vector<4096x128xf32>,
    return
  }
  func.func @transform_0(%arg0: i32) -> (i32, i32) {
    %mul3A = arith.constant 4 : i32
    %mul3A_0 = arith.muli %mul3A, %arg0 : i32
    %add3A = arith.constant 0 : i32
    %add3A_1 = arith.addi %mul3A_0, %add3A : i32
    %min3A = arith.constant 244 : i32
    %min3A_2 = arith.minsi %add3A_1, %min3A : i32
    %c0_i32 = arith.constant 0 : i32
    %c0_i32_3 = arith.constant 0 : i32
    return %c0_i32, %min3A_2 : i32, i32
  }
  func.func @transform_1(%arg0: i32) -> (i32, i32) {
    %mul3A = arith.constant 4 : i32
    %mul3A_0 = arith.muli %mul3A, %arg0 : i32
    %add3A = arith.constant 1 : i32
    %add3A_1 = arith.addi %mul3A_0, %add3A : i32
    %min3A = arith.constant 244 : i32
    %min3A_2 = arith.minsi %add3A_1, %min3A : i32
    %c0_i32 = arith.constant 0 : i32
    %c0_i32_3 = arith.constant 0 : i32
    return %c0_i32, %min3A_2 : i32, i32
  }
  func.func @transform_2(%arg0: i32) -> (i32, i32) {
    %mul3A = arith.constant 4 : i32
    %mul3A_0 = arith.muli %mul3A, %arg0 : i32
    %add3A = arith.constant 2 : i32
    %add3A_1 = arith.addi %mul3A_0, %add3A : i32
    %min3A = arith.constant 244 : i32
    %min3A_2 = arith.minsi %add3A_1, %min3A : i32
    %c0_i32 = arith.constant 0 : i32
    %c0_i32_3 = arith.constant 0 : i32
    return %c0_i32, %min3A_2 : i32, i32
  }
  func.func @transform_3(%arg0: i32) -> (i32, i32) {
    %mul3A = arith.constant 4 : i32
    %mul3A_0 = arith.muli %mul3A, %arg0 : i32
    %add3A = arith.constant 3 : i32
    %add3A_1 = arith.addi %mul3A_0, %add3A : i32
    %min3A = arith.constant 244 : i32
    %min3A_2 = arith.minsi %add3A_1, %min3A : i32
    %c0_i32 = arith.constant 0 : i32
    %c0_i32_3 = arith.constant 0 : i32
    return %c0_i32, %min3A_2 : i32, i32
  }
  func.func @transform_4(%arg0: i32) -> (i32, i32) {
    %c0_i32 = arith.constant 0 : i32
    %c0_i32_0 = arith.constant 0 : i32
    return %arg0, %c0_i32 : i32, i32
  }
}

module attributes {stable_mosaic.version = 14 : i64} {
  func.func @_mlp_kernel(%arg0: i32, %arg1: memref<512x192xf32, #tpu.memory_space<vmem>>, %arg2: memref<192x256xf32, #tpu.memory_space<vmem>>, %arg3: memref<1x256xf32, #tpu.memory_space<vmem>>, %arg4: memref<256x10xf32, #tpu.memory_space<vmem>>, %arg5: memref<1x10xf32, #tpu.memory_space<vmem>>, %arg6: memref<512x10xf32, #tpu.memory_space<vmem>>) attributes {dimension_semantics = [#tpu.dimension_semantics<arbitrary>], iteration_bounds = array<i64: 8>, scalar_prefetch = 0 : i64, scratch_operands = 0 : i64, tpu.core_type = #tpu.core_type<tc>, window_params = [{transform_indices = @transform_0, window_bounds = array<i64: 512, 192>}, {pipeline_mode = #tpu.pipeline_mode<synchronous>, transform_indices = @transform_1, window_bounds = array<i64: 192, 256>}, {pipeline_mode = #tpu.pipeline_mode<synchronous>, transform_indices = @transform_2, window_bounds = array<i64: 1, 256>}, {pipeline_mode = #tpu.pipeline_mode<synchronous>, transform_indices = @transform_3, window_bounds = array<i64: 256, 10>}, {pipeline_mode = #tpu.pipeline_mode<synchronous>, transform_indices = @transform_4, window_bounds = array<i64: 1, 10>}, {transform_indices = @transform_5, window_bounds = array<i64: 512, 10>}]} {
    %get3A = arith.constant 0 : index
    %get3A_0 = arith.constant 0 : index
    %get3A_1 = vector.load %arg1[%get3A, %get3A_0] : memref<512x192xf32, #tpu.memory_space<vmem>>, vector<512x192xf32>
    %mul3A = arith.constant 5.000000e-03 : f32
    %mul3A_2 = vector.broadcast %mul3A : f32 to vector<512x192xf32>
    %mul3A_3 = arith.mulf %get3A_1, %mul3A_2 : vector<512x192xf32>
    %get3A_4 = arith.constant 0 : index
    %get3A_5 = arith.constant 0 : index
    %get3A_6 = vector.load %arg2[%get3A_4, %get3A_5] : memref<192x256xf32, #tpu.memory_space<vmem>>, vector<192x256xf32>
    %dot_general3A = arith.constant dense<0.000000e+00> : vector<512x256xf32>
    %dot_general3A_7 = tpu.matmul %mul3A_3, %get3A_6, %dot_general3A {dimension_numbers = #tpu.dot_dimension_numbers<[1], [0], [0], [1], [0, 0, 1, 1], [], []>, transpose_lhs_hint = false} : vector<512x192xf32>, vector<192x256xf32>, vector<512x256xf32> -> vector<512x256xf32>
    %get3A_8 = arith.constant 0 : index
    %get3A_9 = arith.constant 0 : index
    %get3A_10 = vector.load %arg3[%get3A_8, %get3A_9] : memref<1x256xf32, #tpu.memory_space<vmem>>, vector<1x256xf32>
    %add3A = vector.broadcast %get3A_10 : vector<1x256xf32> to vector<512x256xf32>
    %add3A_11 = arith.addf %dot_general3A_7, %add3A : vector<512x256xf32>
    %max3A = arith.constant 0.000000e+00 : f32
    %max3A_12 = vector.broadcast %max3A : f32 to vector<512x256xf32>
    %max3A_13 = arith.maximumf %add3A_11, %max3A_12 : vector<512x256xf32>
    %get3A_14 = arith.constant 0 : index
    %get3A_15 = arith.constant 0 : index
    %get3A_16 = vector.load %arg4[%get3A_14, %get3A_15] : memref<256x10xf32, #tpu.memory_space<vmem>>, vector<256x10xf32>
    %dot_general3A_17 = arith.constant dense<0.000000e+00> : vector<512x10xf32>
    %dot_general3A_18 = tpu.matmul %max3A_13, %get3A_16, %dot_general3A_17 {dimension_numbers = #tpu.dot_dimension_numbers<[1], [0], [0], [1], [0, 0, 1, 1], [], []>, transpose_lhs_hint = false} : vector<512x256xf32>, vector<256x10xf32>, vector<512x10xf32> -> vector<512x10xf32>
    %get3A_19 = arith.constant 0 : index
    %get3A_20 = arith.constant 0 : index
    %get3A_21 = vector.load %arg5[%get3A_19, %get3A_20] : memref<1x10xf32, #tpu.memory_space<vmem>>, vector<1x10xf32>
    %add3A_22 = vector.broadcast %get3A_21 : vector<1x10xf32> to vector<512x10xf32>
    %add3A_23 = arith.addf %dot_general3A_18, %add3A_22 : vector<512x10xf32>
    %swap3A = arith.constant 0 : index
    %swap3A_24 = arith.constant 0 : index
    %swap3A_25 = vector.load %arg6[%swap3A, %swap3A_24] : memref<512x10xf32, #tpu.memory_space<vmem>>, vector<512x10xf32>
    tpu.vector_store %arg6[%swap3A, %swap3A_24], %add3A_23 {strides = array<i32>} : memref<512x10xf32, #tpu.memory_space<vmem>>, vector<512x10xf32>,
    return
  }
  func.func @transform_0(%arg0: i32) -> (i32, i32) {
    %c0_i32 = arith.constant 0 : i32
    %c0_i32_0 = arith.constant 0 : i32
    return %arg0, %c0_i32 : i32, i32
  }
  func.func @transform_1(%arg0: i32) -> (i32, i32) {
    %c0_i32 = arith.constant 0 : i32
    %c0_i32_0 = arith.constant 0 : i32
    %c0_i32_1 = arith.constant 0 : i32
    return %c0_i32, %c0_i32_0 : i32, i32
  }
  func.func @transform_2(%arg0: i32) -> (i32, i32) {
    %c0_i32 = arith.constant 0 : i32
    %c0_i32_0 = arith.constant 0 : i32
    %c0_i32_1 = arith.constant 0 : i32
    return %c0_i32, %c0_i32_0 : i32, i32
  }
  func.func @transform_3(%arg0: i32) -> (i32, i32) {
    %c0_i32 = arith.constant 0 : i32
    %c0_i32_0 = arith.constant 0 : i32
    %c0_i32_1 = arith.constant 0 : i32
    return %c0_i32, %c0_i32_0 : i32, i32
  }
  func.func @transform_4(%arg0: i32) -> (i32, i32) {
    %c0_i32 = arith.constant 0 : i32
    %c0_i32_0 = arith.constant 0 : i32
    %c0_i32_1 = arith.constant 0 : i32
    return %c0_i32, %c0_i32_0 : i32, i32
  }
  func.func @transform_5(%arg0: i32) -> (i32, i32) {
    %c0_i32 = arith.constant 0 : i32
    %c0_i32_0 = arith.constant 0 : i32
    return %arg0, %c0_i32 : i32, i32
  }
}

</mosaic_0001>

<sc_bundles>
// kernel: kernel.12.cloned.1.call-start
scs
__scs_entry_jumppad:
0x0: {  	(pc) =	sbr.rel $0x88, $3  }
0x1: {  	(tag) =	ssettag $0x0;
	lr =	simm.s32 $0x1  }
0x2: {  	[smem:$0x3F97] =	sst lr;
	_ =	strace $0xD0000000  }
0x3: {  	_ = 	snop  }
0x4: {  	_ = 	snop  }
0x5: {  	_ = 	snop  }
0x6: {  	_ = 	snop  }
0x7: {  	_ = 	snop  }
__scs_overlays_trampoline_lowered:
0x8: {  	[smem:$0x3FA6] =	sst s0  }
0x9: {  	[smem:$0x3FA7] =	sst s1  }
0xa: {  	[smem:$0x3FA8] =	sst s2  }
0xb: {  	[smem:$0x3FA9] =	sst s3  }
0xc: {  	[smem:$0x3FAA] =	sst s4  }
0xd: {  	[smem:$0x3FAB] =	sst s5  }
0xe: {  	[smem:$0x3FAC] =	sst s6  }
0xf: {  	[smem:$0x3FAD] =	sst s7  }
0x10: {  	[smem:$0x3FAE] =	sst s8  }
0x11: {  	[smem:$0x3FAF] =	sst s9;
	s0 =	simm.s32 @!p0 $0x0  }
0x12: {  	s1 =	sld [smem:$0x3F95];
	s0 =	simm.s32 @p0 $0x1  }
0x13: {  	[smem:$0x3FB0] =	sst s0;
	s0 =	simm.s32 @!p1 $0x0  }
0x14: {  	s2 =	sld [smem:$0x3F94];
	s0 =	simm.s32 @p1 $0x1  }
0x15: {  	[smem:$0x3FB1] =	sst s0;
	s0 =	simm.s32 @!p2 $0x0  }
0x16: {  	s3 =	sld [smem:$0x3FDB];
	s0 =	simm.s32 @p2 $0x1  }
0x17: {  	s4 =	simm.s32 $0x1BF5;
	[smem:$0x3FB3] =	sst s0  }
0x18: {  	s0 =	sld [smem:$0x3F96];
	_ =	swait.ge [sflag:s4], $0x0  }
0x19: {  	s7 =	sld [smem:$0x3F97]  }
0x1a: {  	s8 =	sadd.s32 $0xFFFFE003, lr  }
0x1b: {  	s9 =	sadd.s32 $0xFFFFFEF7, lr;
	s5 =	simm.s32 $0xFFFFFFFF;
	p2 =	slt.u32 s8, $0xFFFFF086  }
0x1c: {  	p1 =	slt.u32 s9, $0xF7A;
	s5 =	simm.s32 @!p2 $0x0  }
0x1d: {  	s5 =	simm.s32 @p1 $0x1;
	p0 =	seq.s32 s7, s2  }
0x1e: {  	s7 =	smul.u32 @!p0 $0xF7A, s2;
	p2 =	seq.s32 @!p0 s5, $0x0  }
0x1f: {  	s9 =	smul.u32 $0xF7A, s1;
	s8 =	simm.s32 @!p0 $0x1BF5;
	p2 =	por !p2, p0  }
0x20: {  	[sflag:s8] =	ssyncset.s32 @!p0 $0xFFFFF086;
	s6 =	sadd.s32 @!p0 s3, s7;
	s7 =	simm.s32 @!p0 $0x108  }
0x21: {  	s3 =	sadd.s32 s3, s9;
	s6 =	sadd.s32 @!p0 $0x88, s6;
	s7 =	simm.s32 @p2 $0x1082  }
0x22: {  	[simem:s7], [sflag:s8] =	dma.local @!p0 [hbm:s6], $0xF7A  }
0x23: {  	s9 =	sor.u32 $0xD0000000, s2;
	s6 =	simm.s32 $0x108;
	_ =	swait.ge @!p0 [sflag:s8], $0x0  }
0x24: {  	s3 =	sadd.s32 $0x88, s3;
	s6 =	simm.s32 @!p1 $0x1082;
	[sflag:s4] =	ssyncset.s32 $0xFFFFF086  }
0x25: {  	[simem:s6], [sflag:s4] =	dma.local [hbm:s3], $0xF7A  }
0x26: {  	[smem:$0x3F97] =	sst s1;
	(tag) =	ssettag s2;
	_ =	strace s9  }
0x27: {  	s1 =	sld [smem:$0x3FA7]  }
0x28: {  	s2 =	sld [smem:$0x3FA8]  }
0x29: {  	s4 =	sld [smem:$0x3FAA]  }
0x2a: {  	p0 =	seq.s32 s5, $0x0;
	s5 =	sld [smem:$0x3FAB]  }
0x2b: {  	s6 =	sld [smem:$0x3FAC]  }
0x2c: {  	s7 =	sld [smem:$0x3FAD]  }
0x2d: {  	s3 =	simm.s32 $0x108;
	s8 =	sld [smem:$0x3FAE]  }
0x2e: {  	s3 =	simm.s32 @!p0 $0x1082;
	s9 =	sld [smem:$0x3FAF]  }
0x2f: {  	lr =	sadd.s32 s0, s3;
	s0 =	sld [smem:$0x3FA6]  }
0x30: {  	s3 =	sld [smem:$0x3FA9]  }
0x31: {  	[smem:$0x3FB2] =	sst s10  }
0x32: {  	s10 =	sld [smem:$0x3FB0];
	_ =	sdelay $0x3  }
0x33: {  	p0 =	seq.s32 s10, $0x1;
	s10 =	sld [smem:$0x3FB2];
	_ =	sdelay $0x3  }
0x34: {  	[smem:$0x3FB2] =	sst s10  }
0x35: {  	s10 =	sld [smem:$0x3FB1];
	_ =	sdelay $0x3  }
0x36: {  	p1 =	seq.s32 s10, $0x1;
	s10 =	sld [smem:$0x3FB2];
	_ =	sdelay $0x3  }
0x37: {  	[smem:$0x3FB2] =	sst s10  }
0x38: {  	s10 =	sld [smem:$0x3FB3]  }
0x39: {  	_ = 	snop;
	(pc) =	sbr.ind lr, $3  }
0x3a: {  	_ = 	snop  }
0x3b: {  	_ = 	snop  }
0x3c: {  	p2 =	seq.s32 s10, $0x1;
	s10 =	sld [smem:$0x3FB2]  }
0x3d: {  	_ =	shalt  }
0x3e: {  	_ =	shalt  }
0x3f: {  	_ =	shalt  }
0x40: {  	_ =	shalt  }
0x41: {  	_ =	shalt  }
0x42: {  	_ =	shalt  }
0x43: {  	_ =	shalt  }
0x44: {  	_ =	shalt  }
0x45: {  	_ =	shalt  }
0x46: {  	_ =	shalt  }
0x47: {  	_ =	shalt  }
0x48: {  	_ =	shalt  }
0x49: {  	_ =	shalt  }
0x4a: {  	_ =	shalt  }
0x4b: {  	_ =	shalt  }
0x4c: {  	_ =	shalt  }
0x4d: {  	_ =	shalt  }
0x4e: {  	_ =	shalt  }
0x4f: {  	_ =	shalt  }
0x50: {  	_ =	shalt  }
0x51: {  	_ =	shalt  }
0x52: {  	_ =	shalt  }
0x53: {  	_ =	shalt  }
0x54: {  	_ =	shalt  }
0x55: {  	_ =	shalt  }
0x56: {  	_ =	shalt  }
0x57: {  	_ =	shalt  }
0x58: {  	_ =	shalt  }
0x59: {  	_ =	shalt  }
0x5a: {  	_ =	shalt  }
0x5b: {  	_ =	shalt  }
0x5c: {  	_ =	shalt  }
0x5d: {  	_ =	shalt  }
0x5e: {  	_ =	shalt  }
0x5f: {  	_ =	shalt  }
0x60: {  	_ =	shalt  }
0x61: {  	_ =	shalt  }
0x62: {  	_ =	shalt  }
0x63: {  	_ =	shalt  }
0x64: {  	_ =	shalt  }
0x65: {  	_ =	shalt  }
0x66: {  	_ =	shalt  }
0x67: {  	_ =	shalt  }
0x68: {  	_ =	shalt  }
0x69: {  	_ =	shalt  }
0x6a: {  	_ =	shalt  }
0x6b: {  	_ =	shalt  }
0x6c: {  	_ =	shalt  }
0x6d: {  	_ =	shalt  }
0x6e: {  	_ =	shalt  }
0x6f: {  	_ =	shalt  }
0x70: {  	_ =	shalt  }
0x71: {  	_ =	shalt  }
0x72: {  	_ =	shalt  }
0x73: {  	_ =	shalt  }
0x74: {  	_ =	shalt  }
0x75: {  	_ =	shalt  }
0x76: {  	_ =	shalt  }
0x77: {  	_ =	shalt  }
0x78: {  	_ =	shalt  }
0x79: {  	_ =	shalt  }
0x7a: {  	_ =	shalt  }
0x7b: {  	_ =	shalt  }
0x7c: {  	_ =	shalt  }
0x7d: {  	_ =	shalt  }
0x7e: {  	_ =	shalt  }
0x7f: {  	_ =	shalt  }
0x80: {  	_ =	shalt  }
0x81: {  	_ =	shalt  }
0x82: {  	_ =	shalt  }
0x83: {  	_ =	shalt  }
0x84: {  	_ =	shalt  }
0x85: {  	_ =	shalt  }
0x86: {  	_ =	shalt  }
0x87: {  	_ =	shalt  }
.Lfunc_end0:
.L_simem_size_0:
called_computation.1_lowered:
.L_overlay_start_0:
0x88: {  	s2 =	sld [smem:$0x3FD9]  }
0x89: {  	s3 =	sld [smem:$0x3FFE];
	_ =	sdelay $0x1  }
0x8a: {  	s1 =	srdreg.scid  }
0x8b: {  	s0 =	sand.u32 $0x1, s1  }
0x8c: {  	s17 =	sshll.u32 s0, $0xA;
	s2 =	sadd.s32 s3, s2  }
0x8d: {  	s2 =	sadd.s32 s2, s17  }
0x8e: {  	[smem:$0x3FBE] =	sst s2  }
0x8f: {  	_ = 	snop  }
0x90: {  	(tm) =	ssettm $0x1  }
0x91: {  	s18 =	sld [smem:$0x3FFB];
	_ =	sdelay $0x3  }
0x92: {  	_ =	strace s18  }
0x93: {  	s2 =	sld [smem:$0x3FFC];
	_ =	sdelay $0x3  }
0x94: {  	_ =	strace s2  }
0x95: {  	s2 =	sld [smem:$0x3FFD];
	_ =	sdelay $0x3  }
0x96: {  	_ =	strace s2  }
0x97: {  	_ =	strace $0x8FFFFFFF  }
0x98: {  	s19 =	sld [smem:$0x3FDB];
	_ =	sdelay $0x1  }
0x99: {  	s20 =	simm.s32 $_scs_section_size  }
0x9a: {  	s4 =	simm.s32 $_size__tile_overlayer_lowered;
	s5 =	simm.s32 $_tile_overlayer_lowered  }
0x9b: {  	s6 =	simm.s32 $0x1BFF;
	s21 =	sshll.u32 s5, $0x1;
	s3 =	sadd.s32 s20, s19  }
0x9c: {  	s22 =	simm.s32 $0x0;
	s4 =	sshll.u32 s4, $0x1;
	s5 =	sadd.s32 s21, s3  }
0x9d: {  	[timem:s22], [sflag:s6] =	dma.local [hbm:s5], s4  }
0x9e: {  	_ =	swait.ge [sflag:s6], s4  }
0x9f: {  	s4 =	ssub.s32 $0x0, s4;
	[sflag:s6] =	ssyncset.done $0x0  }
0xa0: {  	[sflag:s6] =	ssyncadd.s32 s4;
	_ =	sdelay $0x1  }
0xa1: {  	s23 =	simm.s32 $0x1B8B  }
0xa2: {  	_ =	swait.ge [sflag:s23], $0x1  }
0xa3: {  	[sflag:s23] =	ssyncset.done $0x0  }
0xa4: {  	[sflag:s23] =	ssyncadd.s32 $0xFFFFFFFF  }
0xa5: {  	s4 =	sld [smem:$0x0]  }
0xa6: {  	s5 =	sand.u32 $0xFFFFFFFE, s1  }
0xa7: {  	p0 =	sne.s32 s1, s5  }
0xa8: {  	s5 =	sshll.u32 @p0 s5, $0xE  }
0xa9: {  	s5 =	sadd.s32 @p0 $0x11B8D, s5;
	s6 =	sshll.u32 @p0 s4, $0x11  }
0xaa: {  	s5 =	sor.u32 @p0 s6, s5  }
0xab: {  	[sflag:s5] =	ssyncadd.remote.s32 @p0 $0x1;
	_ =	sdelay $0x1  }
0xac: {  	s5 =	simm.s32 @p0 $0x1B8D  }
0xad: {  	_ =	swait.eq @p0 [sflag:s5], $0x1  }
0xae: {  	[sflag:s5] =	ssyncadd.s32 @p0 $0xFFFFFFFF  }
0xaf: {  	s6 =	sshll.u32 @!p0 s1, $0xE  }
0xb0: {  	s6 =	sor.u32 @!p0 $0x4000, s6;
	s5 =	simm.s32 @!p0 $0x1B8D  }
0xb1: {  	s4 =	sshll.u32 @!p0 s4, $0x11;
	s6 =	sadd.s32 @!p0 $0x11B8D, s6;
	_ =	swait.eq @!p0 [sflag:s5], $0x1  }
0xb2: {  	s4 =	sor.u32 @!p0 s4, s6;
	[sflag:s5] =	ssyncadd.s32 @!p0 $0xFFFFFFFF  }
0xb3: {  	s25 =	simm.s32 $0x1B8E;
	s24 =	sld [smem:$0x3FFE];
	[sflag:s4] =	ssyncadd.remote.s32 @!p0 $0x1  }
0xb4: {  	s26 =	simm.s32 $execute0_lowered;
	[smem:$0x3FD2] =	sst s25  }
0xb5: {  	s5 =	sshll.u32 s26, $0x1;
	_ =	strace $0x80000049;
	[dreg:$0x1] =	wrdreg $0xFFFFFFFF  }
0xb6: {  	s28 =	simm.s32 $_size_execute0_lowered;
	s3 =	sadd.s32 s3, s5;
	[dreg:$0x0] =	wrdreg $0x0  }
0xb7: {  	s5 =	sshll.u32 s28, $0x1;
	[dreg:$0x2] =	wrdreg s3  }
0xb8: {  	[dreg:$0x3] =	wrdreg s5  }
0xb9: {  	[dreg:$0x4] =	wrdreg $0xC0  }
0xba: {  	_ =	task [dreg:s22], $0x5FFFF  }
0xbb: {  	[dreg:$0x1] =	wrdreg $0xFFFFFFFF  }
0xbc: {  	[dreg:$0x0] =	wrdreg $0x60  }
0xbd: {  	[dreg:$0x2] =	wrdreg s24  }
0xbe: {  	[dreg:$0x3] =	wrdreg $0xA  }
0xbf: {  	_ =	task.clear_ibuf [dreg:s22], $0x4FFFF;
	_ =	strace $0x90000049  }
0xc0: {  	s29 =	simm.s32 $0xA;
	_ =	strace $0x8000004B  }
0xc1: {  	_ =	swait.ge [sflag:s29], $0x1  }
0xc2: {  	[sflag:s29] =	ssyncadd.s32 $0xFFFFFFFF  }
0xc3: {  	_ =	strace $0x9000004B  }
0xc4: {  	_ =	sfence  }
0xc5: {  	s30 =	sld [smem:$0x0];
	_ =	sdelay $0x2  }
0xc6: {  	s31 =	sshll.u32 s1, $0xD;
	s1 =	sshrl.u32 s1, $0x2  }
0xc7: {  	s4 =	sand.u32 $0x4000, s31;
	s1 =	sadd.s32 s1, s30  }
0xc8: {  	s0 =	sor.u32 s4, s0;
	s1 =	sshll.u32 s1, $0x11  }
0xc9: {  	s0 =	sor.u32 s1, s0  }
0xca: {  	s0 =	sadd.s32 $0x8F2B, s0  }
0xcb: {  	[sflag:s0] =	ssyncadd.remote.s32 $0x1  }
0xcc: {  	_ =	sfence.sel $0xFFFF  }
0xcd: {  	[dreg:$0x0] =	wrdreg $0xFFFFFFFF;
	(pc) =	sbr.abs _section_cstart, $3  }
0xce: {  	[dreg:$0x1] =	wrdreg $0xFFFFFFFF  }
0xcf: {  	_ =	task.clear_ibuf [dreg:s22], $0x2FFFF;
	_ =	strace $0x9FFFFFFF  }
0xd0: {  	(tm) =	ssettm $0x7FFFFFFF  }
0xd1: {  	_ =	shalt  }
tec
execute0_lowered:
.L_overlay_start_1:
0x0: {  	(tag) =	ssettag $0x1  }
0x1: {  	s1 =	srdreg.scid  }
0x2: {  	s0 =	stileid.u32;
	s4 =	rddreg [dreg:$0x0]  }
0x3: {  	s2 =	simm.s32 $0x0;
	s8 =	simm.s32 $0x80;
	s9 =	simm.s32 $0x6400  }
0x4: {  	s10 =	simm.s32 $0x48;
	s11 =	simm.s32 $0x7400;
	s12 =	simm.s32 $0x7D00  }
0x5: {  	s13 =	simm.s32 $0x8D00;
	s14 =	simm.s32 $0x1;
	s15 =	simm.s32 $0x2  }
0x6: {  	s16 =	simm.s32 $0x9600;
	s17 =	simm.s32 $0x0;
	s3 =	sand.u32 $0x1, s1  }
0x7: {  	s6 =	sshll.u32 s0, $0x7;
	[smem:$0x7FF] =	sst s2;
	s5 =	sshll.u32 s3, $0xB  }
0x8: {  	s1 =	rddreg [dreg:$0x1];
	_ =	strace $0x8000004A;
	s5 =	sor.u32 s6, s5  }
0x9: {  	s7 =	ssub.s32 $0x2, s3;
	s6 =	smul.u32 $0x19, s5;
	s5 =	sshll.u32 s5, $0x3  }
0xa: {  	s3 =	sadd.s32 $0x41B800, s4;
	s31 =	sshrl.u32 s7, $0x1;
	s5 =	sadd.s32 s5, s4  }
0xb: {  	s7 =	ssub.s32 s7, s31;
	s6 =	sadd.s32 s6, s4;
	s5 =	sadd.s32 $0x7FB800, s5  }
0xc: {  	s4 =	sadd.s32 $0x402800, s6;
	s6 =	smax.u32 s7, $0x1;
	s7 =	simm.s32 $0x3  }
.LBB2_1:
0xd: {  	[tilespmem:s2], [sflag:$0x3] =	stream.linear.gather [hbm4b:s4+s2], $0x6400, $0x38;
	[tilespmem:$0xB600] =	vst v63  }
0xe: {  	_ =	swait.ge [sflag:s7], $0x6400  }
0xf: {  	[sflag:s7] =	ssyncset.done $0x0  }
0x10: {  	[sflag:s7] =	ssyncadd.s32 $0xFFFF9C00  }
0x11: {  	[tilespmem:s9], [sflag:$0x1] =	stream.indirect.gather [hbm4b:s3+s8], $0x20, s2, s8, $0xb8;
	[tilespmem:$0xB600] =	vst v63  }
0x12: {  	s18 =	simm.s32 $0x0  }
0x13: {  	[tilespmem:s11], [sflag:$0x1] =	stream.indirect.gather [hbm4b:s3+s10], $0x20, s8, s10, $0xb8;
	[tilespmem:$0xB600] =	vst v63  }
.LBB2_2:
0x14: {  	s19 =	sshllo.u32 s18, $0x1  }
0x15: {  	s20 =	smul.u32 $0x320, s19;
	_ =	sdelay $0x1  }
0x16: {  	s20 =	sshra.s32 s20, $0x2  }
0x17: {  	[tilespmem:s12], [sflag:$0x2] =	stream.indirect.gather [hbm4b:s3+s8], $0x20, s20, s8, $0xb8;
	[tilespmem:$0xB600] =	vst v63  }
0x18: {  	s20 =	sadd.s32 $0x80, s20  }
0x19: {  	[tilespmem:s13], [sflag:$0x2] =	stream.indirect.gather [hbm4b:s3+s10], $0x20, s20, s10, $0xb8;
	[tilespmem:$0xB600] =	vst v63  }
0x1a: {  	_ =	swait.ge [sflag:s14], $0x1000  }
0x1b: {  	[sflag:s14] =	ssyncset.done $0x0  }
0x1c: {  	[sflag:s14] =	ssyncadd.s32 $0xFFFFF000  }
0x1d: {  	_ =	swait.ge [sflag:s14], $0x900  }
0x1e: {  	[sflag:s14] =	ssyncset.done $0x0  }
0x1f: {  	s22 =	simm.s32 $0x6440;
	[sflag:s14] =	ssyncadd.s32 $0xFFFFF700  }
0x20: {  	v1 =	vld [tilespmem:s22+$0x20]  }
0x21: {  	v3 =	vld [tilespmem:s22+$0x0]  }
0x22: {  	v4 =	vld [tilespmem:s22+$0xFFFFFFE0]  }
0x23: {  	v10 =	vld [tilespmem:s22+$0xFFFFFFC0]  }
0x24: {  	v12 =	vld [tilespmem:s22+$0xFFFFFFD0];
	_ =	sdelay $0x1  }
0x25: {  	v8 =	vimm.f32 $0.0e+00;
	v6 =	vld [tilespmem:s22+$0xFFFFFFF0];
	v2 =	vunpack.i.u.bf16.f32 v3  }
0x26: {  	v0 =	vunpack.i.u.bf16.f32 v1;
	v1 =	vunpack.i.l.bf16.f32 v1;
	v7 =	vunpack.i.u.bf16.f32 v4  }
0x27: {  	v9 =	vunpack.i.l.bf16.f32 v4;
	v5 =	vunpack.i.l.bf16.f32 v3;
	v11 =	vunpack.i.u.bf16.f32 v10;
	v4 =	vld [tilespmem:s22+$0x10]  }
0x28: {  	v3 =	vunpack.i.l.bf16.f32 v10;
	v10 =	vunpack.i.l.bf16.f32 v12;
	v13 =	vunpack.i.u.bf16.f32 v12  }
0x29: {  	s21 =	simm.s32 $0x0;
	s20 =	sshll.u32 s18, $0x1;
	v14 =	vadd.f32 v3, v8;
	v12 =	vadd.f32 v10, v8;
	v3 =	vld [tilespmem:s22+$0x30];
	s22 =	simm.s32 $0x64C0;
	v10 =	vimm.f32 $0.0e+00  }
.LBB2_3:
0x2a: {  	v15 =	vld [tilespmem:s22+$0x20];
	v8 =	vadd.f32 v11, v8;
	v10 =	vadd.f32 v13, v10;
	v11 =	vunpack.i.l.bf16.f32 v6  }
0x2b: {  	v6 =	vunpack.i.u.bf16.f32 v6;
	v13 =	vld [tilespmem:s22+$0x0];
	v9 =	vadd.f32 v9, v14;
	v11 =	vadd.f32 v11, v12  }
0x2c: {  	v12 =	vld [tilespmem:s22+$0xFFFFFFE0];
	v7 =	vadd.f32 v7, v8;
	v6 =	vadd.f32 v6, v10;
	v8 =	vunpack.i.l.bf16.f32 v4  }
0x2d: {  	v4 =	vunpack.i.u.bf16.f32 v4;
	v14 =	vld [tilespmem:s22+$0xFFFFFFC0];
	v5 =	vadd.f32 v5, v9;
	v8 =	vadd.f32 v8, v11  }
0x2e: {  	s21 =	sadd.s32 $0x4, s21;
	v16 =	vld [tilespmem:s22+$0xFFFFFFD0];
	v2 =	vadd.f32 v2, v7;
	v4 =	vadd.f32 v4, v6;
	v6 =	vunpack.i.l.bf16.f32 v3  }
0x2f: {  	p0 =	slt.u32 s21, $0xC4;
	v3 =	vunpack.i.u.bf16.f32 v3;
	v17 =	vadd.f32 v1, v5;
	v18 =	vadd.f32 v6, v8  }
.Ltmp0:
0x30: {  	v6 =	vld [tilespmem:s22+$0xFFFFFFF0];
	v8 =	vadd.f32 v0, v2;
	v10 =	vadd.f32 v3, v4;
	(pc) =	sbr.rel @p0 .LBB2_3-.Ltmp0, $4  }
0x31: {  	v1 =	vunpack.i.l.bf16.f32 v15;
	v2 =	vunpack.i.u.bf16.f32 v13;
	v0 =	vunpack.i.u.bf16.f32 v15  }
0x32: {  	v5 =	vunpack.i.l.bf16.f32 v13;
	v7 =	vunpack.i.u.bf16.f32 v12;
	v9 =	vunpack.i.l.bf16.f32 v12;
	v4 =	vld [tilespmem:s22+$0x10]  }
0x33: {  	v11 =	vunpack.i.u.bf16.f32 v14;
	v3 =	vunpack.i.l.bf16.f32 v14;
	v12 =	vunpack.i.l.bf16.f32 v16  }
0x34: {  	v13 =	vunpack.i.u.bf16.f32 v16;
	v14 =	vadd.f32 v3, v17;
	v12 =	vadd.f32 v12, v18;
	v3 =	vld [tilespmem:s22+$0x30];
	s22 =	sadd.s32 $0x80, s22  }
0x35: {  	_ = 	snop  }
0x36: {  	v8 =	vadd.f32 v11, v8;
	v11 =	vunpack.i.l.bf16.f32 v6;
	v9 =	vadd.f32 v9, v14  }
0x37: {  	v10 =	vadd.f32 v13, v10;
	v6 =	vunpack.i.u.bf16.f32 v6;
	v11 =	vadd.f32 v11, v12  }
0x38: {  	v7 =	vadd.f32 v7, v8;
	v8 =	vunpack.i.l.bf16.f32 v4;
	v5 =	vadd.f32 v5, v9  }
0x39: {  	v6 =	vadd.f32 v6, v10;
	v4 =	vunpack.i.u.bf16.f32 v4;
	v8 =	vadd.f32 v8, v11  }
0x3a: {  	s21 =	sshll.u32 s18, $0x7;
	v2 =	vadd.f32 v2, v7;
	v7 =	vunpack.i.l.bf16.f32 v3;
	v1 =	vadd.f32 v1, v5  }
0x3b: {  	s20 =	smin.u32 s20, $0x7D;
	s21 =	sand.u32 $0x3FFFFF80, s21;
	v4 =	vadd.f32 v4, v6;
	v5 =	vadd.f32 v7, v8  }
0x3c: {  	s20 =	smul.u32 $0x320, s20;
	v3 =	vunpack.i.u.bf16.f32 v3;
	v0 =	vadd.f32 v0, v2;
	[tilespmem:s21+$0x9600] =	vst v1  }
0x3d: {  	v1 =	vadd.f32 v3, v4;
	[tilespmem:s21+$0x9610] =	vst v5  }
0x3e: {  	s20 =	sshrl.u32 s20, $0x2;
	[tilespmem:s21+$0x9620] =	vst v0  }
0x3f: {  	s30 =	sadd.s32 $0x190, s20;
	[tilespmem:s21+$0x9630] =	vst v1  }
0x40: {  	[tilespmem:s9], [sflag:$0x1] =	stream.indirect.gather [hbm4b:s3+s8], $0x20, s30, s8, $0xb8;
	[tilespmem:$0xB600] =	vst v63  }
0x41: {  	s20 =	sadd.s32 $0x210, s20  }
0x42: {  	[tilespmem:s11], [sflag:$0x1] =	stream.indirect.gather [hbm4b:s3+s10], $0x20, s20, s10, $0xb8;
	[tilespmem:$0xB600] =	vst v63  }
0x43: {  	_ =	swait.ge [sflag:s15], $0x1000  }
0x44: {  	[sflag:s15] =	ssyncset.done $0x0  }
0x45: {  	[sflag:s15] =	ssyncadd.s32 $0xFFFFF000  }
0x46: {  	_ =	swait.ge [sflag:s15], $0x900  }
0x47: {  	[sflag:s15] =	ssyncset.done $0x0  }
0x48: {  	s31 =	simm.s32 $0x7D40;
	[sflag:s15] =	ssyncadd.s32 $0xFFFFF700  }
0x49: {  	v1 =	vld [tilespmem:s31+$0x20]  }
0x4a: {  	v3 =	vld [tilespmem:s31+$0x0]  }
0x4b: {  	v4 =	vld [tilespmem:s31+$0xFFFFFFE0]  }
0x4c: {  	v10 =	vld [tilespmem:s31+$0xFFFFFFC0]  }
0x4d: {  	v12 =	vld [tilespmem:s31+$0xFFFFFFD0];
	_ =	sdelay $0x1  }
0x4e: {  	v8 =	vimm.f32 $0.0e+00;
	v6 =	vld [tilespmem:s31+$0xFFFFFFF0];
	v2 =	vunpack.i.u.bf16.f32 v3  }
0x4f: {  	v0 =	vunpack.i.u.bf16.f32 v1;
	v1 =	vunpack.i.l.bf16.f32 v1;
	v7 =	vunpack.i.u.bf16.f32 v4  }
0x50: {  	v9 =	vunpack.i.l.bf16.f32 v4;
	v5 =	vunpack.i.l.bf16.f32 v3;
	v11 =	vunpack.i.u.bf16.f32 v10;
	v4 =	vld [tilespmem:s31+$0x10]  }
0x51: {  	v3 =	vunpack.i.l.bf16.f32 v10;
	v10 =	vunpack.i.l.bf16.f32 v12;
	v14 =	vunpack.i.u.bf16.f32 v12  }
0x52: {  	s21 =	simm.s32 $0x7DC0;
	s20 =	simm.s32 $0x0;
	v13 =	vadd.f32 v3, v8;
	v12 =	vadd.f32 v10, v8;
	v3 =	vld [tilespmem:s31+$0x30];
	v10 =	vimm.f32 $0.0e+00  }
.LBB2_5:
0x53: {  	v15 =	vld [tilespmem:s21+$0x20];
	v8 =	vadd.f32 v11, v8;
	v10 =	vadd.f32 v14, v10;
	v11 =	vunpack.i.l.bf16.f32 v6  }
0x54: {  	v6 =	vunpack.i.u.bf16.f32 v6;
	v14 =	vld [tilespmem:s21+$0x0];
	v9 =	vadd.f32 v9, v13;
	v11 =	vadd.f32 v11, v12  }
0x55: {  	v12 =	vld [tilespmem:s21+$0xFFFFFFE0];
	v7 =	vadd.f32 v7, v8;
	v6 =	vadd.f32 v6, v10;
	v8 =	vunpack.i.l.bf16.f32 v4  }
0x56: {  	v4 =	vunpack.i.u.bf16.f32 v4;
	v13 =	vld [tilespmem:s21+$0xFFFFFFC0];
	v5 =	vadd.f32 v5, v9;
	v8 =	vadd.f32 v8, v11  }
0x57: {  	s20 =	sadd.s32 $0x4, s20;
	v16 =	vld [tilespmem:s21+$0xFFFFFFD0];
	v2 =	vadd.f32 v2, v7;
	v4 =	vadd.f32 v4, v6;
	v6 =	vunpack.i.l.bf16.f32 v3  }
0x58: {  	p0 =	slt.u32 s20, $0xC4;
	v3 =	vunpack.i.u.bf16.f32 v3;
	v17 =	vadd.f32 v1, v5;
	v18 =	vadd.f32 v6, v8  }
.Ltmp1:
0x59: {  	v6 =	vld [tilespmem:s21+$0xFFFFFFF0];
	v8 =	vadd.f32 v0, v2;
	v10 =	vadd.f32 v3, v4;
	(pc) =	sbr.rel @p0 .LBB2_5-.Ltmp1, $4  }
0x5a: {  	v1 =	vunpack.i.l.bf16.f32 v15;
	v2 =	vunpack.i.u.bf16.f32 v14;
	v0 =	vunpack.i.u.bf16.f32 v15  }
0x5b: {  	v5 =	vunpack.i.l.bf16.f32 v14;
	v7 =	vunpack.i.u.bf16.f32 v12;
	v9 =	vunpack.i.l.bf16.f32 v12;
	v4 =	vld [tilespmem:s21+$0x10]  }
0x5c: {  	v11 =	vunpack.i.u.bf16.f32 v13;
	v3 =	vunpack.i.l.bf16.f32 v13;
	v12 =	vunpack.i.l.bf16.f32 v16  }
0x5d: {  	v14 =	vunpack.i.u.bf16.f32 v16;
	v13 =	vadd.f32 v3, v17;
	v12 =	vadd.f32 v12, v18;
	v3 =	vld [tilespmem:s21+$0x30];
	s21 =	sadd.s32 $0x80, s21  }
0x5e: {  	_ = 	snop  }
0x5f: {  	v8 =	vadd.f32 v11, v8;
	v56 =	vunpack.i.l.bf16.f32 v6;
	v9 =	vadd.f32 v9, v13  }
0x60: {  	v10 =	vadd.f32 v14, v10;
	v57 =	vunpack.i.u.bf16.f32 v6;
	v11 =	vadd.f32 v56, v12  }
0x61: {  	v7 =	vadd.f32 v7, v8;
	v58 =	vunpack.i.l.bf16.f32 v4;
	v5 =	vadd.f32 v5, v9  }
0x62: {  	s18 =	sadd.s32 $0x1, s18;
	v6 =	vadd.f32 v57, v10;
	v59 =	vunpack.i.u.bf16.f32 v4;
	v8 =	vadd.f32 v58, v11  }
0x63: {  	s19 =	sshll.u32 s19, $0x6;
	p0 =	sne.s32 s18, $0x40;
	v2 =	vadd.f32 v2, v7;
	v60 =	vunpack.i.l.bf16.f32 v3;
	v1 =	vadd.f32 v1, v5  }
.Ltmp2:
0x64: {  	s19 =	sand.u32 $0x3FFFFFC0, s19;
	v4 =	vadd.f32 v59, v6;
	v61 =	vadd.f32 v60, v8;
	(pc) =	sbr.rel @p0 .LBB2_2-.Ltmp2, $4  }
0x65: {  	v62 =	vunpack.i.u.bf16.f32 v3;
	v0 =	vadd.f32 v0, v2;
	[tilespmem:s19+$0x9600] =	vst v1  }
0x66: {  	v63 =	vadd.f32 v62, v4;
	[tilespmem:s19+$0x9610] =	vst v61  }
0x67: {  	[tilespmem:s19+$0x9620] =	vst v0  }
0x68: {  	[tilespmem:s19+$0x9630] =	vst v63  }
0x69: {  	_ =	swait.ge [sflag:s14], $0x1000  }
0x6a: {  	[sflag:s14] =	ssyncset.done $0x0  }
0x6b: {  	[sflag:s14] =	ssyncadd.s32 $0xFFFFF000  }
0x6c: {  	s17 =	sadd.s32 $0x1, s17;
	_ =	swait.ge [sflag:s14], $0x900  }
0x6d: {  	p0 =	sne.s32 s17, s6;
	[sflag:s14] =	ssyncset.done $0x0  }
.Ltmp3:
0x6e: {  	[sflag:s14] =	ssyncadd.s32 $0xFFFFF700;
	(pc) =	sbr.rel @p0 .LBB2_1-.Ltmp3, $4  }
0x6f: {  	[hbm4b:s5+s2] =	stream.linear.scatter [tilespmem:s16], [sflag:$0x3], $0x2000, $0x38;
	[tilespmem:$0xB600] =	vst v63  }
0x70: {  	_ =	swait.ge [sflag:s7], $0x2000  }
0x71: {  	[sflag:s7] =	ssyncset.done $0x0  }
0x72: {  	[sflag:s7] =	ssyncadd.s32 $0xFFFFE000  }
0x73: {  	_ =	sfence.sel $0x180000  }
0x74: {  	[bflag:$0x0] =	sbarrier.arrive $0xFFFF  }
0x75: {  	p0 =	sne.s32 s0, $0x0;
	_ =	strace $0x9000004A  }
0x76: {  	s0 =	sadd.s32 @!p0 $0x100000, s1;
	[bflag:$0x2] =	sbarrier.arrive $0xFFFF  }
0x77: {  	[sflag:s0] =	ssyncadd.tile.s32 @!p0 $0x1;
	_ =	shalt  }
.Lfunc_end2:
_tile_overlayer_lowered:
.L_overlay_start_2:
0x78: {  	(tag) =	ssettag $0x2  }
0x79: {  	s0 =	rddreg [dreg:$0x0];
	s2 =	stileid.u32  }
0x7a: {  	s1 =	rddreg [dreg:$0x1];
	p0 =	sne.s32 s2, $0x0  }
0x7b: {  	s3 =	rddreg [dreg:$0x2];
	[bflag:$0x3] =	sbarrier.arrive $0xFFFF;
	s2 =	simm.s32 @!p0 $0x1C03  }
0x7c: {  	[timem:s3], [sflag:s2] =	dma.local @!p0 [hbm:s0], s1  }
0x7d: {  	s0 =	simm.s32 @!p0 $0x3  }
0x7e: {  	_ =	swait.ge @!p0 [sflag:s0], s1  }
0x7f: {  	s1 =	ssub.s32 @!p0 $0x0, s1;
	[sflag:s0] =	ssyncset.done @!p0 $0x0  }
0x80: {  	[sflag:s0] =	ssyncadd.s32 @!p0 s1  }
0x81: {  	[bflag:$0x3] =	sbarrier.arrive $0xFFFF  }
0x82: {  	_ =	shalt  }

// kernel: kernel.15.cloned.1.call-start
scs
__scs_entry_jumppad:
0x0: {  	(pc) =	sbr.rel $0x88, $3  }
0x1: {  	(tag) =	ssettag $0x0;
	lr =	simm.s32 $0x1  }
0x2: {  	[smem:$0x3F97] =	sst lr;
	_ =	strace $0xD0000000  }
0x3: {  	_ = 	snop  }
0x4: {  	_ = 	snop  }
0x5: {  	_ = 	snop  }
0x6: {  	_ = 	snop  }
0x7: {  	_ = 	snop  }
__scs_overlays_trampoline_lowered:
0x8: {  	[smem:$0x3FA6] =	sst s0  }
0x9: {  	[smem:$0x3FA7] =	sst s1  }
0xa: {  	[smem:$0x3FA8] =	sst s2  }
0xb: {  	[smem:$0x3FA9] =	sst s3  }
0xc: {  	[smem:$0x3FAA] =	sst s4  }
0xd: {  	[smem:$0x3FAB] =	sst s5  }
0xe: {  	[smem:$0x3FAC] =	sst s6  }
0xf: {  	[smem:$0x3FAD] =	sst s7  }
0x10: {  	[smem:$0x3FAE] =	sst s8  }
0x11: {  	[smem:$0x3FAF] =	sst s9;
	s0 =	simm.s32 @!p0 $0x0  }
0x12: {  	s1 =	sld [smem:$0x3F95];
	s0 =	simm.s32 @p0 $0x1  }
0x13: {  	[smem:$0x3FB0] =	sst s0;
	s0 =	simm.s32 @!p1 $0x0  }
0x14: {  	s2 =	sld [smem:$0x3F94];
	s0 =	simm.s32 @p1 $0x1  }
0x15: {  	[smem:$0x3FB1] =	sst s0;
	s0 =	simm.s32 @!p2 $0x0  }
0x16: {  	s3 =	sld [smem:$0x3FDB];
	s0 =	simm.s32 @p2 $0x1  }
0x17: {  	s4 =	simm.s32 $0x1BF5;
	[smem:$0x3FB3] =	sst s0  }
0x18: {  	s0 =	sld [smem:$0x3F96];
	_ =	swait.ge [sflag:s4], $0x0  }
0x19: {  	s7 =	sld [smem:$0x3F97]  }
0x1a: {  	s8 =	sadd.s32 $0xFFFFE003, lr  }
0x1b: {  	s9 =	sadd.s32 $0xFFFFFEF7, lr;
	s5 =	simm.s32 $0xFFFFFFFF;
	p2 =	slt.u32 s8, $0xFFFFF086  }
0x1c: {  	p1 =	slt.u32 s9, $0xF7A;
	s5 =	simm.s32 @!p2 $0x0  }
0x1d: {  	s5 =	simm.s32 @p1 $0x1;
	p0 =	seq.s32 s7, s2  }
0x1e: {  	s7 =	smul.u32 @!p0 $0xF7A, s2;
	p2 =	seq.s32 @!p0 s5, $0x0  }
0x1f: {  	s9 =	smul.u32 $0xF7A, s1;
	s8 =	simm.s32 @!p0 $0x1BF5;
	p2 =	por !p2, p0  }
0x20: {  	[sflag:s8] =	ssyncset.s32 @!p0 $0xFFFFF086;
	s6 =	sadd.s32 @!p0 s3, s7;
	s7 =	simm.s32 @!p0 $0x108  }
0x21: {  	s3 =	sadd.s32 s3, s9;
	s6 =	sadd.s32 @!p0 $0x88, s6;
	s7 =	simm.s32 @p2 $0x1082  }
0x22: {  	[simem:s7], [sflag:s8] =	dma.local @!p0 [hbm:s6], $0xF7A  }
0x23: {  	s9 =	sor.u32 $0xD0000000, s2;
	s6 =	simm.s32 $0x108;
	_ =	swait.ge @!p0 [sflag:s8], $0x0  }
0x24: {  	s3 =	sadd.s32 $0x88, s3;
	s6 =	simm.s32 @!p1 $0x1082;
	[sflag:s4] =	ssyncset.s32 $0xFFFFF086  }
0x25: {  	[simem:s6], [sflag:s4] =	dma.local [hbm:s3], $0xF7A  }
0x26: {  	[smem:$0x3F97] =	sst s1;
	(tag) =	ssettag s2;
	_ =	strace s9  }
0x27: {  	s1 =	sld [smem:$0x3FA7]  }
0x28: {  	s2 =	sld [smem:$0x3FA8]  }
0x29: {  	s4 =	sld [smem:$0x3FAA]  }
0x2a: {  	p0 =	seq.s32 s5, $0x0;
	s5 =	sld [smem:$0x3FAB]  }
0x2b: {  	s6 =	sld [smem:$0x3FAC]  }
0x2c: {  	s7 =	sld [smem:$0x3FAD]  }
0x2d: {  	s3 =	simm.s32 $0x108;
	s8 =	sld [smem:$0x3FAE]  }
0x2e: {  	s3 =	simm.s32 @!p0 $0x1082;
	s9 =	sld [smem:$0x3FAF]  }
0x2f: {  	lr =	sadd.s32 s0, s3;
	s0 =	sld [smem:$0x3FA6]  }
0x30: {  	s3 =	sld [smem:$0x3FA9]  }
0x31: {  	[smem:$0x3FB2] =	sst s10  }
0x32: {  	s10 =	sld [smem:$0x3FB0];
	_ =	sdelay $0x3  }
0x33: {  	p0 =	seq.s32 s10, $0x1;
	s10 =	sld [smem:$0x3FB2];
	_ =	sdelay $0x3  }
0x34: {  	[smem:$0x3FB2] =	sst s10  }
0x35: {  	s10 =	sld [smem:$0x3FB1];
	_ =	sdelay $0x3  }
0x36: {  	p1 =	seq.s32 s10, $0x1;
	s10 =	sld [smem:$0x3FB2];
	_ =	sdelay $0x3  }
0x37: {  	[smem:$0x3FB2] =	sst s10  }
0x38: {  	s10 =	sld [smem:$0x3FB3]  }
0x39: {  	_ = 	snop;
	(pc) =	sbr.ind lr, $3  }
0x3a: {  	_ = 	snop  }
0x3b: {  	_ = 	snop  }
0x3c: {  	p2 =	seq.s32 s10, $0x1;
	s10 =	sld [smem:$0x3FB2]  }
0x3d: {  	_ =	shalt  }
0x3e: {  	_ =	shalt  }
0x3f: {  	_ =	shalt  }
0x40: {  	_ =	shalt  }
0x41: {  	_ =	shalt  }
0x42: {  	_ =	shalt  }
0x43: {  	_ =	shalt  }
0x44: {  	_ =	shalt  }
0x45: {  	_ =	shalt  }
0x46: {  	_ =	shalt  }
0x47: {  	_ =	shalt  }
0x48: {  	_ =	shalt  }
0x49: {  	_ =	shalt  }
0x4a: {  	_ =	shalt  }
0x4b: {  	_ =	shalt  }
0x4c: {  	_ =	shalt  }
0x4d: {  	_ =	shalt  }
0x4e: {  	_ =	shalt  }
0x4f: {  	_ =	shalt  }
0x50: {  	_ =	shalt  }
0x51: {  	_ =	shalt  }
0x52: {  	_ =	shalt  }
0x53: {  	_ =	shalt  }
0x54: {  	_ =	shalt  }
0x55: {  	_ =	shalt  }
0x56: {  	_ =	shalt  }
0x57: {  	_ =	shalt  }
0x58: {  	_ =	shalt  }
0x59: {  	_ =	shalt  }
0x5a: {  	_ =	shalt  }
0x5b: {  	_ =	shalt  }
0x5c: {  	_ =	shalt  }
0x5d: {  	_ =	shalt  }
0x5e: {  	_ =	shalt  }
0x5f: {  	_ =	shalt  }
0x60: {  	_ =	shalt  }
0x61: {  	_ =	shalt  }
0x62: {  	_ =	shalt  }
0x63: {  	_ =	shalt  }
0x64: {  	_ =	shalt  }
0x65: {  	_ =	shalt  }
0x66: {  	_ =	shalt  }
0x67: {  	_ =	shalt  }
0x68: {  	_ =	shalt  }
0x69: {  	_ =	shalt  }
0x6a: {  	_ =	shalt  }
0x6b: {  	_ =	shalt  }
0x6c: {  	_ =	shalt  }
0x6d: {  	_ =	shalt  }
0x6e: {  	_ =	shalt  }
0x6f: {  	_ =	shalt  }
0x70: {  	_ =	shalt  }
0x71: {  	_ =	shalt  }
0x72: {  	_ =	shalt  }
0x73: {  	_ =	shalt  }
0x74: {  	_ =	shalt  }
0x75: {  	_ =	shalt  }
0x76: {  	_ =	shalt  }
0x77: {  	_ =	shalt  }
0x78: {  	_ =	shalt  }
0x79: {  	_ =	shalt  }
0x7a: {  	_ =	shalt  }
0x7b: {  	_ =	shalt  }
0x7c: {  	_ =	shalt  }
0x7d: {  	_ =	shalt  }
0x7e: {  	_ =	shalt  }
0x7f: {  	_ =	shalt  }
0x80: {  	_ =	shalt  }
0x81: {  	_ =	shalt  }
0x82: {  	_ =	shalt  }
0x83: {  	_ =	shalt  }
0x84: {  	_ =	shalt  }
0x85: {  	_ =	shalt  }
0x86: {  	_ =	shalt  }
0x87: {  	_ =	shalt  }
.Lfunc_end0:
.L_simem_size_0:
called_computation.2_lowered:
.L_overlay_start_0:
0x88: {  	s2 =	sld [smem:$0x3FD9]  }
0x89: {  	s3 =	sld [smem:$0x3FFE];
	_ =	sdelay $0x1  }
0x8a: {  	s1 =	srdreg.scid  }
0x8b: {  	s0 =	sand.u32 $0x1, s1  }
0x8c: {  	s16 =	sshll.u32 s0, $0xA;
	s2 =	sadd.s32 s3, s2  }
0x8d: {  	s2 =	sadd.s32 s2, s16  }
0x8e: {  	[smem:$0x3FBE] =	sst s2  }
0x8f: {  	_ = 	snop  }
0x90: {  	(tm) =	ssettm $0x1  }
0x91: {  	s17 =	sld [smem:$0x3FFB];
	_ =	sdelay $0x3  }
0x92: {  	_ =	strace s17  }
0x93: {  	s2 =	sld [smem:$0x3FFC];
	_ =	sdelay $0x3  }
0x94: {  	_ =	strace s2  }
0x95: {  	s2 =	sld [smem:$0x3FFD];
	_ =	sdelay $0x3  }
0x96: {  	_ =	strace s2  }
0x97: {  	_ =	strace $0x8FFFFFFF  }
0x98: {  	s18 =	sld [smem:$0x3FDB];
	_ =	sdelay $0x1  }
0x99: {  	s19 =	simm.s32 $_scs_section_size  }
0x9a: {  	s4 =	simm.s32 $_size__tile_overlayer_lowered;
	s5 =	simm.s32 $_tile_overlayer_lowered  }
0x9b: {  	s22 =	simm.s32 $0x1BFF;
	s21 =	sshll.u32 s5, $0x1;
	s2 =	sadd.s32 s19, s18  }
0x9c: {  	s6 =	simm.s32 $0x0;
	s20 =	sshll.u32 s4, $0x1;
	s4 =	sadd.s32 s21, s2  }
0x9d: {  	[timem:s6], [sflag:s22] =	dma.local [hbm:s4], s20  }
0x9e: {  	_ =	swait.ge [sflag:s22], s20  }
0x9f: {  	s3 =	ssub.s32 $0x0, s20;
	[sflag:s22] =	ssyncset.done $0x0  }
0xa0: {  	[sflag:s22] =	ssyncadd.s32 s3;
	_ =	sdelay $0x1  }
0xa1: {  	s23 =	simm.s32 $0x1B8B  }
0xa2: {  	_ =	swait.ge [sflag:s23], $0x1  }
0xa3: {  	[sflag:s23] =	ssyncset.done $0x0  }
0xa4: {  	s25 =	simm.s32 $0x1B8E;
	s24 =	sld [smem:$0x3FFE];
	[sflag:s23] =	ssyncadd.s32 $0xFFFFFFFF  }
0xa5: {  	s26 =	simm.s32 $execute0_lowered;
	[smem:$0x3FD2] =	sst s25  }
0xa6: {  	s4 =	sshll.u32 s26, $0x1;
	_ =	strace $0x80000046;
	[dreg:$0x1] =	wrdreg $0xFFFFFFFF  }
0xa7: {  	s28 =	simm.s32 $_size_execute0_lowered;
	s2 =	sadd.s32 s2, s4;
	[dreg:$0x0] =	wrdreg $0x0  }
0xa8: {  	s4 =	sshll.u32 s28, $0x1;
	[dreg:$0x2] =	wrdreg s2  }
0xa9: {  	[dreg:$0x3] =	wrdreg s4  }
0xaa: {  	[dreg:$0x4] =	wrdreg $0xC0  }
0xab: {  	_ =	task [dreg:s6], $0x5FFFF  }
0xac: {  	[dreg:$0x1] =	wrdreg $0xFFFFFFFF  }
0xad: {  	[dreg:$0x0] =	wrdreg $0x60  }
0xae: {  	[dreg:$0x2] =	wrdreg s24  }
0xaf: {  	[dreg:$0x3] =	wrdreg $0xB  }
0xb0: {  	_ =	task.clear_ibuf [dreg:s6], $0x4FFFF;
	_ =	strace $0x90000046  }
0xb1: {  	s29 =	simm.s32 $0xB;
	_ =	strace $0x80000048  }
0xb2: {  	_ =	swait.ge [sflag:s29], $0x1  }
0xb3: {  	[sflag:s29] =	ssyncadd.s32 $0xFFFFFFFF  }
0xb4: {  	_ =	strace $0x90000048  }
0xb5: {  	_ =	sfence  }
0xb6: {  	s30 =	sld [smem:$0x0];
	_ =	sdelay $0x2  }
0xb7: {  	s31 =	sshll.u32 s1, $0xD;
	s1 =	sshrl.u32 s1, $0x2  }
0xb8: {  	s3 =	sand.u32 $0x4000, s31;
	s1 =	sadd.s32 s1, s30  }
0xb9: {  	s0 =	sor.u32 s3, s0;
	s1 =	sshll.u32 s1, $0x11  }
0xba: {  	s0 =	sor.u32 s1, s0  }
0xbb: {  	s0 =	sadd.s32 $0x8F2B, s0  }
0xbc: {  	[sflag:s0] =	ssyncadd.remote.s32 $0x1  }
0xbd: {  	_ =	sfence.sel $0xFFFF  }
0xbe: {  	[dreg:$0x0] =	wrdreg $0xFFFFFFFF;
	(pc) =	sbr.abs _section_cstart, $3  }
0xbf: {  	[dreg:$0x1] =	wrdreg $0xFFFFFFFF  }
0xc0: {  	_ =	task.clear_ibuf [dreg:s6], $0x2FFFF;
	_ =	strace $0x9FFFFFFF  }
0xc1: {  	(tm) =	ssettm $0x7FFFFFFF  }
tec
execute0_lowered:
.L_overlay_start_1:
0x0: {  	(tag) =	ssettag $0x1  }
0x1: {  	s1 =	srdreg.scid  }
0x2: {  	s0 =	stileid.u32;
	s4 =	rddreg [dreg:$0x0]  }
0x3: {  	s2 =	simm.s32 $0x0;
	s8 =	simm.s32 $0x80;
	s9 =	simm.s32 $0x6400  }
0x4: {  	s10 =	simm.s32 $0x48;
	s11 =	simm.s32 $0x7400;
	s12 =	simm.s32 $0x7D00  }
0x5: {  	s13 =	simm.s32 $0x8D00;
	s14 =	simm.s32 $0x1;
	s15 =	simm.s32 $0x2  }
0x6: {  	s16 =	simm.s32 $0x9600;
	s17 =	simm.s32 $0x0;
	s3 =	sand.u32 $0x1, s1  }
0x7: {  	s6 =	sshll.u32 s0, $0x7;
	[smem:$0x7FF] =	sst s2;
	s5 =	sshll.u32 s3, $0xB  }
0x8: {  	s1 =	rddreg [dreg:$0x1];
	_ =	strace $0x80000047;
	s5 =	sor.u32 s6, s5  }
0x9: {  	s7 =	ssub.s32 $0x2, s3;
	s6 =	smul.u32 $0x19, s5;
	s5 =	sshll.u32 s5, $0x3  }
0xa: {  	s3 =	sadd.s32 $0x1A800, s4;
	s31 =	sshrl.u32 s7, $0x1;
	s5 =	sadd.s32 s5, s4  }
0xb: {  	s7 =	ssub.s32 s7, s31;
	s6 =	sadd.s32 s6, s4;
	s5 =	sadd.s32 $0x3FA800, s5  }
0xc: {  	s4 =	sadd.s32 $0x1800, s6;
	s6 =	smax.u32 s7, $0x1;
	s7 =	simm.s32 $0x3  }
.LBB2_1:
0xd: {  	[tilespmem:s2], [sflag:$0x3] =	stream.linear.gather [hbm4b:s4+s2], $0x6400, $0x38;
	[tilespmem:$0xB600] =	vst v63  }
0xe: {  	_ =	swait.ge [sflag:s7], $0x6400  }
0xf: {  	[sflag:s7] =	ssyncset.done $0x0  }
0x10: {  	[sflag:s7] =	ssyncadd.s32 $0xFFFF9C00  }
0x11: {  	[tilespmem:s9], [sflag:$0x1] =	stream.indirect.gather [hbm4b:s3+s8], $0x20, s2, s8, $0xb8;
	[tilespmem:$0xB600] =	vst v63  }
0x12: {  	s18 =	simm.s32 $0x0  }
0x13: {  	[tilespmem:s11], [sflag:$0x1] =	stream.indirect.gather [hbm4b:s3+s10], $0x20, s8, s10, $0xb8;
	[tilespmem:$0xB600] =	vst v63  }
.LBB2_2:
0x14: {  	s19 =	sshllo.u32 s18, $0x1  }
0x15: {  	s20 =	smul.u32 $0x320, s19;
	_ =	sdelay $0x1  }
0x16: {  	s20 =	sshra.s32 s20, $0x2  }
0x17: {  	[tilespmem:s12], [sflag:$0x2] =	stream.indirect.gather [hbm4b:s3+s8], $0x20, s20, s8, $0xb8;
	[tilespmem:$0xB600] =	vst v63  }
0x18: {  	s20 =	sadd.s32 $0x80, s20  }
0x19: {  	[tilespmem:s13], [sflag:$0x2] =	stream.indirect.gather [hbm4b:s3+s10], $0x20, s20, s10, $0xb8;
	[tilespmem:$0xB600] =	vst v63  }
0x1a: {  	_ =	swait.ge [sflag:s14], $0x1000  }
0x1b: {  	[sflag:s14] =	ssyncset.done $0x0  }
0x1c: {  	[sflag:s14] =	ssyncadd.s32 $0xFFFFF000  }
0x1d: {  	_ =	swait.ge [sflag:s14], $0x900  }
0x1e: {  	[sflag:s14] =	ssyncset.done $0x0  }
0x1f: {  	s22 =	simm.s32 $0x6440;
	[sflag:s14] =	ssyncadd.s32 $0xFFFFF700  }
0x20: {  	v1 =	vld [tilespmem:s22+$0x20]  }
0x21: {  	v3 =	vld [tilespmem:s22+$0x0]  }
0x22: {  	v4 =	vld [tilespmem:s22+$0xFFFFFFE0]  }
0x23: {  	v10 =	vld [tilespmem:s22+$0xFFFFFFC0]  }
0x24: {  	v12 =	vld [tilespmem:s22+$0xFFFFFFD0];
	_ =	sdelay $0x1  }
0x25: {  	v8 =	vimm.f32 $0.0e+00;
	v6 =	vld [tilespmem:s22+$0xFFFFFFF0];
	v2 =	vunpack.i.u.bf16.f32 v3  }
0x26: {  	v0 =	vunpack.i.u.bf16.f32 v1;
	v1 =	vunpack.i.l.bf16.f32 v1;
	v7 =	vunpack.i.u.bf16.f32 v4  }
0x27: {  	v9 =	vunpack.i.l.bf16.f32 v4;
	v5 =	vunpack.i.l.bf16.f32 v3;
	v11 =	vunpack.i.u.bf16.f32 v10;
	v4 =	vld [tilespmem:s22+$0x10]  }
0x28: {  	v3 =	vunpack.i.l.bf16.f32 v10;
	v10 =	vunpack.i.l.bf16.f32 v12;
	v13 =	vunpack.i.u.bf16.f32 v12  }
0x29: {  	s21 =	simm.s32 $0x0;
	s20 =	sshll.u32 s18, $0x1;
	v14 =	vadd.f32 v3, v8;
	v12 =	vadd.f32 v10, v8;
	v3 =	vld [tilespmem:s22+$0x30];
	s22 =	simm.s32 $0x64C0;
	v10 =	vimm.f32 $0.0e+00  }
.LBB2_3:
0x2a: {  	v15 =	vld [tilespmem:s22+$0x20];
	v8 =	vadd.f32 v11, v8;
	v10 =	vadd.f32 v13, v10;
	v11 =	vunpack.i.l.bf16.f32 v6  }
0x2b: {  	v6 =	vunpack.i.u.bf16.f32 v6;
	v13 =	vld [tilespmem:s22+$0x0];
	v9 =	vadd.f32 v9, v14;
	v11 =	vadd.f32 v11, v12  }
0x2c: {  	v12 =	vld [tilespmem:s22+$0xFFFFFFE0];
	v7 =	vadd.f32 v7, v8;
	v6 =	vadd.f32 v6, v10;
	v8 =	vunpack.i.l.bf16.f32 v4  }
0x2d: {  	v4 =	vunpack.i.u.bf16.f32 v4;
	v14 =	vld [tilespmem:s22+$0xFFFFFFC0];
	v5 =	vadd.f32 v5, v9;
	v8 =	vadd.f32 v8, v11  }
0x2e: {  	s21 =	sadd.s32 $0x4, s21;
	v16 =	vld [tilespmem:s22+$0xFFFFFFD0];
	v2 =	vadd.f32 v2, v7;
	v4 =	vadd.f32 v4, v6;
	v6 =	vunpack.i.l.bf16.f32 v3  }
0x2f: {  	p0 =	slt.u32 s21, $0xC4;
	v3 =	vunpack.i.u.bf16.f32 v3;
	v17 =	vadd.f32 v1, v5;
	v18 =	vadd.f32 v6, v8  }
.Ltmp0:
0x30: {  	v6 =	vld [tilespmem:s22+$0xFFFFFFF0];
	v8 =	vadd.f32 v0, v2;
	v10 =	vadd.f32 v3, v4;
	(pc) =	sbr.rel @p0 .LBB2_3-.Ltmp0, $4  }
0x31: {  	v1 =	vunpack.i.l.bf16.f32 v15;
	v2 =	vunpack.i.u.bf16.f32 v13;
	v0 =	vunpack.i.u.bf16.f32 v15  }
0x32: {  	v5 =	vunpack.i.l.bf16.f32 v13;
	v7 =	vunpack.i.u.bf16.f32 v12;
	v9 =	vunpack.i.l.bf16.f32 v12;
	v4 =	vld [tilespmem:s22+$0x10]  }
0x33: {  	v11 =	vunpack.i.u.bf16.f32 v14;
	v3 =	vunpack.i.l.bf16.f32 v14;
	v12 =	vunpack.i.l.bf16.f32 v16  }
0x34: {  	v13 =	vunpack.i.u.bf16.f32 v16;
	v14 =	vadd.f32 v3, v17;
	v12 =	vadd.f32 v12, v18;
	v3 =	vld [tilespmem:s22+$0x30];
	s22 =	sadd.s32 $0x80, s22  }
0x35: {  	_ = 	snop  }
0x36: {  	v8 =	vadd.f32 v11, v8;
	v11 =	vunpack.i.l.bf16.f32 v6;
	v9 =	vadd.f32 v9, v14  }
0x37: {  	v10 =	vadd.f32 v13, v10;
	v6 =	vunpack.i.u.bf16.f32 v6;
	v11 =	vadd.f32 v11, v12  }
0x38: {  	v7 =	vadd.f32 v7, v8;
	v8 =	vunpack.i.l.bf16.f32 v4;
	v5 =	vadd.f32 v5, v9  }
0x39: {  	v6 =	vadd.f32 v6, v10;
	v4 =	vunpack.i.u.bf16.f32 v4;
	v8 =	vadd.f32 v8, v11  }
0x3a: {  	s21 =	sshll.u32 s18, $0x7;
	v2 =	vadd.f32 v2, v7;
	v7 =	vunpack.i.l.bf16.f32 v3;
	v1 =	vadd.f32 v1, v5  }
0x3b: {  	s20 =	smin.u32 s20, $0x7D;
	s21 =	sand.u32 $0x3FFFFF80, s21;
	v4 =	vadd.f32 v4, v6;
	v5 =	vadd.f32 v7, v8  }
0x3c: {  	s20 =	smul.u32 $0x320, s20;
	v3 =	vunpack.i.u.bf16.f32 v3;
	v0 =	vadd.f32 v0, v2;
	[tilespmem:s21+$0x9600] =	vst v1  }
0x3d: {  	v1 =	vadd.f32 v3, v4;
	[tilespmem:s21+$0x9610] =	vst v5  }
0x3e: {  	s20 =	sshrl.u32 s20, $0x2;
	[tilespmem:s21+$0x9620] =	vst v0  }
0x3f: {  	s30 =	sadd.s32 $0x190, s20;
	[tilespmem:s21+$0x9630] =	vst v1  }
0x40: {  	[tilespmem:s9], [sflag:$0x1] =	stream.indirect.gather [hbm4b:s3+s8], $0x20, s30, s8, $0xb8;
	[tilespmem:$0xB600] =	vst v63  }
0x41: {  	s20 =	sadd.s32 $0x210, s20  }
0x42: {  	[tilespmem:s11], [sflag:$0x1] =	stream.indirect.gather [hbm4b:s3+s10], $0x20, s20, s10, $0xb8;
	[tilespmem:$0xB600] =	vst v63  }
0x43: {  	_ =	swait.ge [sflag:s15], $0x1000  }
0x44: {  	[sflag:s15] =	ssyncset.done $0x0  }
0x45: {  	[sflag:s15] =	ssyncadd.s32 $0xFFFFF000  }
0x46: {  	_ =	swait.ge [sflag:s15], $0x900  }
0x47: {  	[sflag:s15] =	ssyncset.done $0x0  }
0x48: {  	s31 =	simm.s32 $0x7D40;
	[sflag:s15] =	ssyncadd.s32 $0xFFFFF700  }
0x49: {  	v1 =	vld [tilespmem:s31+$0x20]  }
0x4a: {  	v3 =	vld [tilespmem:s31+$0x0]  }
0x4b: {  	v4 =	vld [tilespmem:s31+$0xFFFFFFE0]  }
0x4c: {  	v10 =	vld [tilespmem:s31+$0xFFFFFFC0]  }
0x4d: {  	v12 =	vld [tilespmem:s31+$0xFFFFFFD0];
	_ =	sdelay $0x1  }
0x4e: {  	v8 =	vimm.f32 $0.0e+00;
	v6 =	vld [tilespmem:s31+$0xFFFFFFF0];
	v2 =	vunpack.i.u.bf16.f32 v3  }
0x4f: {  	v0 =	vunpack.i.u.bf16.f32 v1;
	v1 =	vunpack.i.l.bf16.f32 v1;
	v7 =	vunpack.i.u.bf16.f32 v4  }
0x50: {  	v9 =	vunpack.i.l.bf16.f32 v4;
	v5 =	vunpack.i.l.bf16.f32 v3;
	v11 =	vunpack.i.u.bf16.f32 v10;
	v4 =	vld [tilespmem:s31+$0x10]  }
0x51: {  	v3 =	vunpack.i.l.bf16.f32 v10;
	v10 =	vunpack.i.l.bf16.f32 v12;
	v14 =	vunpack.i.u.bf16.f32 v12  }
0x52: {  	s21 =	simm.s32 $0x7DC0;
	s20 =	simm.s32 $0x0;
	v13 =	vadd.f32 v3, v8;
	v12 =	vadd.f32 v10, v8;
	v3 =	vld [tilespmem:s31+$0x30];
	v10 =	vimm.f32 $0.0e+00  }
.LBB2_5:
0x53: {  	v15 =	vld [tilespmem:s21+$0x20];
	v8 =	vadd.f32 v11, v8;
	v10 =	vadd.f32 v14, v10;
	v11 =	vunpack.i.l.bf16.f32 v6  }
0x54: {  	v6 =	vunpack.i.u.bf16.f32 v6;
	v14 =	vld [tilespmem:s21+$0x0];
	v9 =	vadd.f32 v9, v13;
	v11 =	vadd.f32 v11, v12  }
0x55: {  	v12 =	vld [tilespmem:s21+$0xFFFFFFE0];
	v7 =	vadd.f32 v7, v8;
	v6 =	vadd.f32 v6, v10;
	v8 =	vunpack.i.l.bf16.f32 v4  }
0x56: {  	v4 =	vunpack.i.u.bf16.f32 v4;
	v13 =	vld [tilespmem:s21+$0xFFFFFFC0];
	v5 =	vadd.f32 v5, v9;
	v8 =	vadd.f32 v8, v11  }
0x57: {  	s20 =	sadd.s32 $0x4, s20;
	v16 =	vld [tilespmem:s21+$0xFFFFFFD0];
	v2 =	vadd.f32 v2, v7;
	v4 =	vadd.f32 v4, v6;
	v6 =	vunpack.i.l.bf16.f32 v3  }
0x58: {  	p0 =	slt.u32 s20, $0xC4;
	v3 =	vunpack.i.u.bf16.f32 v3;
	v17 =	vadd.f32 v1, v5;
	v18 =	vadd.f32 v6, v8  }
.Ltmp1:
0x59: {  	v6 =	vld [tilespmem:s21+$0xFFFFFFF0];
	v8 =	vadd.f32 v0, v2;
	v10 =	vadd.f32 v3, v4;
	(pc) =	sbr.rel @p0 .LBB2_5-.Ltmp1, $4  }
0x5a: {  	v1 =	vunpack.i.l.bf16.f32 v15;
	v2 =	vunpack.i.u.bf16.f32 v14;
	v0 =	vunpack.i.u.bf16.f32 v15  }
0x5b: {  	v5 =	vunpack.i.l.bf16.f32 v14;
	v7 =	vunpack.i.u.bf16.f32 v12;
	v9 =	vunpack.i.l.bf16.f32 v12;
	v4 =	vld [tilespmem:s21+$0x10]  }
0x5c: {  	v11 =	vunpack.i.u.bf16.f32 v13;
	v3 =	vunpack.i.l.bf16.f32 v13;
	v12 =	vunpack.i.l.bf16.f32 v16  }
0x5d: {  	v14 =	vunpack.i.u.bf16.f32 v16;
	v13 =	vadd.f32 v3, v17;
	v12 =	vadd.f32 v12, v18;
	v3 =	vld [tilespmem:s21+$0x30];
	s21 =	sadd.s32 $0x80, s21  }
0x5e: {  	_ = 	snop  }
0x5f: {  	v8 =	vadd.f32 v11, v8;
	v56 =	vunpack.i.l.bf16.f32 v6;
	v9 =	vadd.f32 v9, v13  }
0x60: {  	v10 =	vadd.f32 v14, v10;
	v57 =	vunpack.i.u.bf16.f32 v6;
	v11 =	vadd.f32 v56, v12  }
0x61: {  	v7 =	vadd.f32 v7, v8;
	v58 =	vunpack.i.l.bf16.f32 v4;
	v5 =	vadd.f32 v5, v9  }
0x62: {  	s18 =	sadd.s32 $0x1, s18;
	v6 =	vadd.f32 v57, v10;
	v59 =	vunpack.i.u.bf16.f32 v4;
	v8 =	vadd.f32 v58, v11  }
0x63: {  	s19 =	sshll.u32 s19, $0x6;
	p0 =	sne.s32 s18, $0x40;
	v2 =	vadd.f32 v2, v7;
	v60 =	vunpack.i.l.bf16.f32 v3;
	v1 =	vadd.f32 v1, v5  }
.Ltmp2:
0x64: {  	s19 =	sand.u32 $0x3FFFFFC0, s19;
	v4 =	vadd.f32 v59, v6;
	v61 =	vadd.f32 v60, v8;
	(pc) =	sbr.rel @p0 .LBB2_2-.Ltmp2, $4  }
0x65: {  	v62 =	vunpack.i.u.bf16.f32 v3;
	v0 =	vadd.f32 v0, v2;
	[tilespmem:s19+$0x9600] =	vst v1  }
0x66: {  	v63 =	vadd.f32 v62, v4;
	[tilespmem:s19+$0x9610] =	vst v61  }
0x67: {  	[tilespmem:s19+$0x9620] =	vst v0  }
0x68: {  	[tilespmem:s19+$0x9630] =	vst v63  }
0x69: {  	_ =	swait.ge [sflag:s14], $0x1000  }
0x6a: {  	[sflag:s14] =	ssyncset.done $0x0  }
0x6b: {  	[sflag:s14] =	ssyncadd.s32 $0xFFFFF000  }
0x6c: {  	s17 =	sadd.s32 $0x1, s17;
	_ =	swait.ge [sflag:s14], $0x900  }
0x6d: {  	p0 =	sne.s32 s17, s6;
	[sflag:s14] =	ssyncset.done $0x0  }
.Ltmp3:
0x6e: {  	[sflag:s14] =	ssyncadd.s32 $0xFFFFF700;
	(pc) =	sbr.rel @p0 .LBB2_1-.Ltmp3, $4  }
0x6f: {  	[hbm4b:s5+s2] =	stream.linear.scatter [tilespmem:s16], [sflag:$0x3], $0x2000, $0x38;
	[tilespmem:$0xB600] =	vst v63  }
0x70: {  	_ =	swait.ge [sflag:s7], $0x2000  }
0x71: {  	[sflag:s7] =	ssyncset.done $0x0  }
0x72: {  	[sflag:s7] =	ssyncadd.s32 $0xFFFFE000  }
0x73: {  	_ =	sfence.sel $0x180000  }
0x74: {  	[bflag:$0x0] =	sbarrier.arrive $0xFFFF  }
0x75: {  	p0 =	sne.s32 s0, $0x0;
	_ =	strace $0x90000047  }
0x76: {  	s0 =	sadd.s32 @!p0 $0x100000, s1;
	[bflag:$0x2] =	sbarrier.arrive $0xFFFF  }
0x77: {  	[sflag:s0] =	ssyncadd.tile.s32 @!p0 $0x1;
	_ =	shalt  }
.Lfunc_end2:
_tile_overlayer_lowered:
.L_overlay_start_2:
0x78: {  	(tag) =	ssettag $0x2  }
0x79: {  	s0 =	rddreg [dreg:$0x0];
	s2 =	stileid.u32  }
0x7a: {  	s1 =	rddreg [dreg:$0x1];
	p0 =	sne.s32 s2, $0x0  }
0x7b: {  	s3 =	rddreg [dreg:$0x2];
	[bflag:$0x3] =	sbarrier.arrive $0xFFFF;
	s2 =	simm.s32 @!p0 $0x1C03  }
0x7c: {  	[timem:s3], [sflag:s2] =	dma.local @!p0 [hbm:s0], s1  }
0x7d: {  	s0 =	simm.s32 @!p0 $0x3  }
0x7e: {  	_ =	swait.ge @!p0 [sflag:s0], s1  }
0x7f: {  	s1 =	ssub.s32 @!p0 $0x0, s1;
	[sflag:s0] =	ssyncset.done @!p0 $0x0  }
0x80: {  	[sflag:s0] =	ssyncadd.s32 @!p0 s1  }
0x81: {  	[bflag:$0x3] =	sbarrier.arrive $0xFFFF  }
0x82: {  	_ =	shalt  }

// kernel: kernel.9.cloned.1.call-start
scs
__scs_entry_jumppad:
0x0: {  	(pc) =	sbr.rel $0x88, $3  }
0x1: {  	(tag) =	ssettag $0x0;
	lr =	simm.s32 $0x1  }
0x2: {  	[smem:$0x3F97] =	sst lr;
	_ =	strace $0xD0000000  }
0x3: {  	_ = 	snop  }
0x4: {  	_ = 	snop  }
0x5: {  	_ = 	snop  }
0x6: {  	_ = 	snop  }
0x7: {  	_ = 	snop  }
__scs_overlays_trampoline_lowered:
0x8: {  	[smem:$0x3FA6] =	sst s0  }
0x9: {  	[smem:$0x3FA7] =	sst s1  }
0xa: {  	[smem:$0x3FA8] =	sst s2  }
0xb: {  	[smem:$0x3FA9] =	sst s3  }
0xc: {  	[smem:$0x3FAA] =	sst s4  }
0xd: {  	[smem:$0x3FAB] =	sst s5  }
0xe: {  	[smem:$0x3FAC] =	sst s6  }
0xf: {  	[smem:$0x3FAD] =	sst s7  }
0x10: {  	[smem:$0x3FAE] =	sst s8  }
0x11: {  	[smem:$0x3FAF] =	sst s9;
	s0 =	simm.s32 @!p0 $0x0  }
0x12: {  	s1 =	sld [smem:$0x3F95];
	s0 =	simm.s32 @p0 $0x1  }
0x13: {  	[smem:$0x3FB0] =	sst s0;
	s0 =	simm.s32 @!p1 $0x0  }
0x14: {  	s2 =	sld [smem:$0x3F94];
	s0 =	simm.s32 @p1 $0x1  }
0x15: {  	[smem:$0x3FB1] =	sst s0;
	s0 =	simm.s32 @!p2 $0x0  }
0x16: {  	s3 =	sld [smem:$0x3FDB];
	s0 =	simm.s32 @p2 $0x1  }
0x17: {  	s4 =	simm.s32 $0x1BF5;
	[smem:$0x3FB3] =	sst s0  }
0x18: {  	s0 =	sld [smem:$0x3F96];
	_ =	swait.ge [sflag:s4], $0x0  }
0x19: {  	s7 =	sld [smem:$0x3F97]  }
0x1a: {  	s8 =	sadd.s32 $0xFFFFE003, lr  }
0x1b: {  	s9 =	sadd.s32 $0xFFFFFEF7, lr;
	s5 =	simm.s32 $0xFFFFFFFF;
	p2 =	slt.u32 s8, $0xFFFFF086  }
0x1c: {  	p1 =	slt.u32 s9, $0xF7A;
	s5 =	simm.s32 @!p2 $0x0  }
0x1d: {  	s5 =	simm.s32 @p1 $0x1;
	p0 =	seq.s32 s7, s2  }
0x1e: {  	s7 =	smul.u32 @!p0 $0xF7A, s2;
	p2 =	seq.s32 @!p0 s5, $0x0  }
0x1f: {  	s9 =	smul.u32 $0xF7A, s1;
	s8 =	simm.s32 @!p0 $0x1BF5;
	p2 =	por !p2, p0  }
0x20: {  	[sflag:s8] =	ssyncset.s32 @!p0 $0xFFFFF086;
	s6 =	sadd.s32 @!p0 s3, s7;
	s7 =	simm.s32 @!p0 $0x108  }
0x21: {  	s3 =	sadd.s32 s3, s9;
	s6 =	sadd.s32 @!p0 $0x88, s6;
	s7 =	simm.s32 @p2 $0x1082  }
0x22: {  	[simem:s7], [sflag:s8] =	dma.local @!p0 [hbm:s6], $0xF7A  }
0x23: {  	s9 =	sor.u32 $0xD0000000, s2;
	s6 =	simm.s32 $0x108;
	_ =	swait.ge @!p0 [sflag:s8], $0x0  }
0x24: {  	s3 =	sadd.s32 $0x88, s3;
	s6 =	simm.s32 @!p1 $0x1082;
	[sflag:s4] =	ssyncset.s32 $0xFFFFF086  }
0x25: {  	[simem:s6], [sflag:s4] =	dma.local [hbm:s3], $0xF7A  }
0x26: {  	[smem:$0x3F97] =	sst s1;
	(tag) =	ssettag s2;
	_ =	strace s9  }
0x27: {  	s1 =	sld [smem:$0x3FA7]  }
0x28: {  	s2 =	sld [smem:$0x3FA8]  }
0x29: {  	s4 =	sld [smem:$0x3FAA]  }
0x2a: {  	p0 =	seq.s32 s5, $0x0;
	s5 =	sld [smem:$0x3FAB]  }
0x2b: {  	s6 =	sld [smem:$0x3FAC]  }
0x2c: {  	s7 =	sld [smem:$0x3FAD]  }
0x2d: {  	s3 =	simm.s32 $0x108;
	s8 =	sld [smem:$0x3FAE]  }
0x2e: {  	s3 =	simm.s32 @!p0 $0x1082;
	s9 =	sld [smem:$0x3FAF]  }
0x2f: {  	lr =	sadd.s32 s0, s3;
	s0 =	sld [smem:$0x3FA6]  }
0x30: {  	s3 =	sld [smem:$0x3FA9]  }
0x31: {  	[smem:$0x3FB2] =	sst s10  }
0x32: {  	s10 =	sld [smem:$0x3FB0];
	_ =	sdelay $0x3  }
0x33: {  	p0 =	seq.s32 s10, $0x1;
	s10 =	sld [smem:$0x3FB2];
	_ =	sdelay $0x3  }
0x34: {  	[smem:$0x3FB2] =	sst s10  }
0x35: {  	s10 =	sld [smem:$0x3FB1];
	_ =	sdelay $0x3  }
0x36: {  	p1 =	seq.s32 s10, $0x1;
	s10 =	sld [smem:$0x3FB2];
	_ =	sdelay $0x3  }
0x37: {  	[smem:$0x3FB2] =	sst s10  }
0x38: {  	s10 =	sld [smem:$0x3FB3]  }
0x39: {  	_ = 	snop;
	(pc) =	sbr.ind lr, $3  }
0x3a: {  	_ = 	snop  }
0x3b: {  	_ = 	snop  }
0x3c: {  	p2 =	seq.s32 s10, $0x1;
	s10 =	sld [smem:$0x3FB2]  }
0x3d: {  	_ =	shalt  }
0x3e: {  	_ =	shalt  }
0x3f: {  	_ =	shalt  }
0x40: {  	_ =	shalt  }
0x41: {  	_ =	shalt  }
0x42: {  	_ =	shalt  }
0x43: {  	_ =	shalt  }
0x44: {  	_ =	shalt  }
0x45: {  	_ =	shalt  }
0x46: {  	_ =	shalt  }
0x47: {  	_ =	shalt  }
0x48: {  	_ =	shalt  }
0x49: {  	_ =	shalt  }
0x4a: {  	_ =	shalt  }
0x4b: {  	_ =	shalt  }
0x4c: {  	_ =	shalt  }
0x4d: {  	_ =	shalt  }
0x4e: {  	_ =	shalt  }
0x4f: {  	_ =	shalt  }
0x50: {  	_ =	shalt  }
0x51: {  	_ =	shalt  }
0x52: {  	_ =	shalt  }
0x53: {  	_ =	shalt  }
0x54: {  	_ =	shalt  }
0x55: {  	_ =	shalt  }
0x56: {  	_ =	shalt  }
0x57: {  	_ =	shalt  }
0x58: {  	_ =	shalt  }
0x59: {  	_ =	shalt  }
0x5a: {  	_ =	shalt  }
0x5b: {  	_ =	shalt  }
0x5c: {  	_ =	shalt  }
0x5d: {  	_ =	shalt  }
0x5e: {  	_ =	shalt  }
0x5f: {  	_ =	shalt  }
0x60: {  	_ =	shalt  }
0x61: {  	_ =	shalt  }
0x62: {  	_ =	shalt  }
0x63: {  	_ =	shalt  }
0x64: {  	_ =	shalt  }
0x65: {  	_ =	shalt  }
0x66: {  	_ =	shalt  }
0x67: {  	_ =	shalt  }
0x68: {  	_ =	shalt  }
0x69: {  	_ =	shalt  }
0x6a: {  	_ =	shalt  }
0x6b: {  	_ =	shalt  }
0x6c: {  	_ =	shalt  }
0x6d: {  	_ =	shalt  }
0x6e: {  	_ =	shalt  }
0x6f: {  	_ =	shalt  }
0x70: {  	_ =	shalt  }
0x71: {  	_ =	shalt  }
0x72: {  	_ =	shalt  }
0x73: {  	_ =	shalt  }
0x74: {  	_ =	shalt  }
0x75: {  	_ =	shalt  }
0x76: {  	_ =	shalt  }
0x77: {  	_ =	shalt  }
0x78: {  	_ =	shalt  }
0x79: {  	_ =	shalt  }
0x7a: {  	_ =	shalt  }
0x7b: {  	_ =	shalt  }
0x7c: {  	_ =	shalt  }
0x7d: {  	_ =	shalt  }
0x7e: {  	_ =	shalt  }
0x7f: {  	_ =	shalt  }
0x80: {  	_ =	shalt  }
0x81: {  	_ =	shalt  }
0x82: {  	_ =	shalt  }
0x83: {  	_ =	shalt  }
0x84: {  	_ =	shalt  }
0x85: {  	_ =	shalt  }
0x86: {  	_ =	shalt  }
0x87: {  	_ =	shalt  }
.Lfunc_end0:
.L_simem_size_0:
called_computation_lowered:
.L_overlay_start_0:
0x88: {  	s2 =	sld [smem:$0x3FD9]  }
0x89: {  	s3 =	sld [smem:$0x3FFE];
	_ =	sdelay $0x1  }
0x8a: {  	s1 =	srdreg.scid  }
0x8b: {  	s0 =	sand.u32 $0x1, s1  }
0x8c: {  	s17 =	sshll.u32 s0, $0xA;
	s2 =	sadd.s32 s3, s2  }
0x8d: {  	s2 =	sadd.s32 s2, s17  }
0x8e: {  	[smem:$0x3FBE] =	sst s2  }
0x8f: {  	_ = 	snop  }
0x90: {  	(tm) =	ssettm $0x1  }
0x91: {  	s18 =	sld [smem:$0x3FFB];
	_ =	sdelay $0x3  }
0x92: {  	_ =	strace s18  }
0x93: {  	s2 =	sld [smem:$0x3FFC];
	_ =	sdelay $0x3  }
0x94: {  	_ =	strace s2  }
0x95: {  	s2 =	sld [smem:$0x3FFD];
	_ =	sdelay $0x3  }
0x96: {  	_ =	strace s2  }
0x97: {  	_ =	strace $0x8FFFFFFF  }
0x98: {  	s19 =	sld [smem:$0x3FDB];
	_ =	sdelay $0x1  }
0x99: {  	s20 =	simm.s32 $_scs_section_size  }
0x9a: {  	s4 =	simm.s32 $_size__tile_overlayer_lowered;
	s5 =	simm.s32 $_tile_overlayer_lowered  }
0x9b: {  	s6 =	simm.s32 $0x1BFF;
	s21 =	sshll.u32 s5, $0x1;
	s3 =	sadd.s32 s20, s19  }
0x9c: {  	s22 =	simm.s32 $0x0;
	s4 =	sshll.u32 s4, $0x1;
	s5 =	sadd.s32 s21, s3  }
0x9d: {  	[timem:s22], [sflag:s6] =	dma.local [hbm:s5], s4  }
0x9e: {  	_ =	swait.ge [sflag:s6], s4  }
0x9f: {  	s4 =	ssub.s32 $0x0, s4;
	[sflag:s6] =	ssyncset.done $0x0  }
0xa0: {  	[sflag:s6] =	ssyncadd.s32 s4;
	_ =	sdelay $0x1  }
0xa1: {  	s23 =	simm.s32 $0x1B8B  }
0xa2: {  	_ =	swait.ge [sflag:s23], $0x1  }
0xa3: {  	[sflag:s23] =	ssyncset.done $0x0  }
0xa4: {  	[sflag:s23] =	ssyncadd.s32 $0xFFFFFFFF  }
0xa5: {  	s4 =	sld [smem:$0x0]  }
0xa6: {  	s5 =	sand.u32 $0xFFFFFFFE, s1  }
0xa7: {  	p0 =	sne.s32 s1, s5  }
0xa8: {  	s5 =	sshll.u32 @p0 s5, $0xE  }
0xa9: {  	s5 =	sadd.s32 @p0 $0x11B8D, s5;
	s6 =	sshll.u32 @p0 s4, $0x11  }
0xaa: {  	s5 =	sor.u32 @p0 s6, s5  }
0xab: {  	[sflag:s5] =	ssyncadd.remote.s32 @p0 $0x1;
	_ =	sdelay $0x1  }
0xac: {  	s5 =	simm.s32 @p0 $0x1B8D  }
0xad: {  	_ =	swait.eq @p0 [sflag:s5], $0x1  }
0xae: {  	[sflag:s5] =	ssyncadd.s32 @p0 $0xFFFFFFFF  }
0xaf: {  	s6 =	sshll.u32 @!p0 s1, $0xE  }
0xb0: {  	s6 =	sor.u32 @!p0 $0x4000, s6;
	s5 =	simm.s32 @!p0 $0x1B8D  }
0xb1: {  	s4 =	sshll.u32 @!p0 s4, $0x11;
	s6 =	sadd.s32 @!p0 $0x11B8D, s6;
	_ =	swait.eq @!p0 [sflag:s5], $0x1  }
0xb2: {  	s4 =	sor.u32 @!p0 s4, s6;
	[sflag:s5] =	ssyncadd.s32 @!p0 $0xFFFFFFFF  }
0xb3: {  	s25 =	simm.s32 $0x1B8E;
	s24 =	sld [smem:$0x3FFE];
	[sflag:s4] =	ssyncadd.remote.s32 @!p0 $0x1  }
0xb4: {  	s26 =	simm.s32 $execute0_lowered;
	[smem:$0x3FD2] =	sst s25  }
0xb5: {  	s5 =	sshll.u32 s26, $0x1;
	_ =	strace $0x8000004C;
	[dreg:$0x1] =	wrdreg $0xFFFFFFFF  }
0xb6: {  	s28 =	simm.s32 $_size_execute0_lowered;
	s3 =	sadd.s32 s3, s5;
	[dreg:$0x0] =	wrdreg $0x0  }
0xb7: {  	s5 =	sshll.u32 s28, $0x1;
	[dreg:$0x2] =	wrdreg s3  }
0xb8: {  	[dreg:$0x3] =	wrdreg s5  }
0xb9: {  	[dreg:$0x4] =	wrdreg $0xC0  }
0xba: {  	_ =	task [dreg:s22], $0x5FFFF  }
0xbb: {  	[dreg:$0x1] =	wrdreg $0xFFFFFFFF  }
0xbc: {  	[dreg:$0x0] =	wrdreg $0x60  }
0xbd: {  	[dreg:$0x2] =	wrdreg s24  }
0xbe: {  	[dreg:$0x3] =	wrdreg $0x9  }
0xbf: {  	_ =	task.clear_ibuf [dreg:s22], $0x4FFFF;
	_ =	strace $0x9000004C  }
0xc0: {  	s29 =	simm.s32 $0x9;
	_ =	strace $0x8000004E  }
0xc1: {  	_ =	swait.ge [sflag:s29], $0x1  }
0xc2: {  	[sflag:s29] =	ssyncadd.s32 $0xFFFFFFFF  }
0xc3: {  	_ =	strace $0x9000004E  }
0xc4: {  	_ =	sfence  }
0xc5: {  	s30 =	sld [smem:$0x0];
	_ =	sdelay $0x2  }
0xc6: {  	s31 =	sshll.u32 s1, $0xD;
	s1 =	sshrl.u32 s1, $0x2  }
0xc7: {  	s4 =	sand.u32 $0x4000, s31;
	s1 =	sadd.s32 s1, s30  }
0xc8: {  	s0 =	sor.u32 s4, s0;
	s1 =	sshll.u32 s1, $0x11  }
0xc9: {  	s0 =	sor.u32 s1, s0  }
0xca: {  	s0 =	sadd.s32 $0x8F2B, s0  }
0xcb: {  	[sflag:s0] =	ssyncadd.remote.s32 $0x1  }
0xcc: {  	_ =	sfence.sel $0xFFFF  }
0xcd: {  	[dreg:$0x0] =	wrdreg $0xFFFFFFFF;
	(pc) =	sbr.abs _section_cstart, $3  }
0xce: {  	[dreg:$0x1] =	wrdreg $0xFFFFFFFF  }
0xcf: {  	_ =	task.clear_ibuf [dreg:s22], $0x2FFFF;
	_ =	strace $0x9FFFFFFF  }
0xd0: {  	(tm) =	ssettm $0x7FFFFFFF  }
0xd1: {  	_ =	shalt  }
tec
execute0_lowered:
.L_overlay_start_1:
0x0: {  	(tag) =	ssettag $0x1  }
0x1: {  	s1 =	srdreg.scid  }
0x2: {  	s0 =	stileid.u32;
	s4 =	rddreg [dreg:$0x0]  }
0x3: {  	s2 =	simm.s32 $0x0;
	s8 =	simm.s32 $0x80;
	s9 =	simm.s32 $0x6400  }
0x4: {  	s10 =	simm.s32 $0x48;
	s11 =	simm.s32 $0x7400;
	s12 =	simm.s32 $0x7D00  }
0x5: {  	s13 =	simm.s32 $0x8D00;
	s14 =	simm.s32 $0x1;
	s15 =	simm.s32 $0x2  }
0x6: {  	s16 =	simm.s32 $0x9600;
	s17 =	simm.s32 $0x0;
	s3 =	sand.u32 $0x1, s1  }
0x7: {  	s6 =	sshll.u32 s0, $0x7;
	[smem:$0x7FF] =	sst s2;
	s5 =	sshll.u32 s3, $0xB  }
0x8: {  	s1 =	rddreg [dreg:$0x1];
	_ =	strace $0x8000004D;
	s5 =	sor.u32 s6, s5  }
0x9: {  	s7 =	ssub.s32 $0x2, s3;
	s6 =	smul.u32 $0x19, s5;
	s5 =	sshll.u32 s5, $0x3  }
0xa: {  	s3 =	sadd.s32 $0x81C800, s4;
	s31 =	sshrl.u32 s7, $0x1;
	s5 =	sadd.s32 s5, s4  }
0xb: {  	s7 =	ssub.s32 s7, s31;
	s6 =	sadd.s32 s6, s4;
	s5 =	sadd.s32 $0xBFC800, s5  }
0xc: {  	s4 =	sadd.s32 $0x803800, s6;
	s6 =	smax.u32 s7, $0x1;
	s7 =	simm.s32 $0x3  }
.LBB2_1:
0xd: {  	[tilespmem:s2], [sflag:$0x3] =	stream.linear.gather [hbm4b:s4+s2], $0x6400, $0x38;
	[tilespmem:$0xB600] =	vst v63  }
0xe: {  	_ =	swait.ge [sflag:s7], $0x6400  }
0xf: {  	[sflag:s7] =	ssyncset.done $0x0  }
0x10: {  	[sflag:s7] =	ssyncadd.s32 $0xFFFF9C00  }
0x11: {  	[tilespmem:s9], [sflag:$0x1] =	stream.indirect.gather [hbm4b:s3+s8], $0x20, s2, s8, $0xb8;
	[tilespmem:$0xB600] =	vst v63  }
0x12: {  	s18 =	simm.s32 $0x0  }
0x13: {  	[tilespmem:s11], [sflag:$0x1] =	stream.indirect.gather [hbm4b:s3+s10], $0x20, s8, s10, $0xb8;
	[tilespmem:$0xB600] =	vst v63  }
.LBB2_2:
0x14: {  	s19 =	sshllo.u32 s18, $0x1  }
0x15: {  	s20 =	smul.u32 $0x320, s19;
	_ =	sdelay $0x1  }
0x16: {  	s20 =	sshra.s32 s20, $0x2  }
0x17: {  	[tilespmem:s12], [sflag:$0x2] =	stream.indirect.gather [hbm4b:s3+s8], $0x20, s20, s8, $0xb8;
	[tilespmem:$0xB600] =	vst v63  }
0x18: {  	s20 =	sadd.s32 $0x80, s20  }
0x19: {  	[tilespmem:s13], [sflag:$0x2] =	stream.indirect.gather [hbm4b:s3+s10], $0x20, s20, s10, $0xb8;
	[tilespmem:$0xB600] =	vst v63  }
0x1a: {  	_ =	swait.ge [sflag:s14], $0x1000  }
0x1b: {  	[sflag:s14] =	ssyncset.done $0x0  }
0x1c: {  	[sflag:s14] =	ssyncadd.s32 $0xFFFFF000  }
0x1d: {  	_ =	swait.ge [sflag:s14], $0x900  }
0x1e: {  	[sflag:s14] =	ssyncset.done $0x0  }
0x1f: {  	s22 =	simm.s32 $0x6440;
	[sflag:s14] =	ssyncadd.s32 $0xFFFFF700  }
0x20: {  	v1 =	vld [tilespmem:s22+$0x20]  }
0x21: {  	v3 =	vld [tilespmem:s22+$0x0]  }
0x22: {  	v4 =	vld [tilespmem:s22+$0xFFFFFFE0]  }
0x23: {  	v10 =	vld [tilespmem:s22+$0xFFFFFFC0]  }
0x24: {  	v12 =	vld [tilespmem:s22+$0xFFFFFFD0];
	_ =	sdelay $0x1  }
0x25: {  	v8 =	vimm.f32 $0.0e+00;
	v6 =	vld [tilespmem:s22+$0xFFFFFFF0];
	v2 =	vunpack.i.u.bf16.f32 v3  }
0x26: {  	v0 =	vunpack.i.u.bf16.f32 v1;
	v1 =	vunpack.i.l.bf16.f32 v1;
	v7 =	vunpack.i.u.bf16.f32 v4  }
0x27: {  	v9 =	vunpack.i.l.bf16.f32 v4;
	v5 =	vunpack.i.l.bf16.f32 v3;
	v11 =	vunpack.i.u.bf16.f32 v10;
	v4 =	vld [tilespmem:s22+$0x10]  }
0x28: {  	v3 =	vunpack.i.l.bf16.f32 v10;
	v10 =	vunpack.i.l.bf16.f32 v12;
	v13 =	vunpack.i.u.bf16.f32 v12  }
0x29: {  	s21 =	simm.s32 $0x0;
	s20 =	sshll.u32 s18, $0x1;
	v14 =	vadd.f32 v3, v8;
	v12 =	vadd.f32 v10, v8;
	v3 =	vld [tilespmem:s22+$0x30];
	s22 =	simm.s32 $0x64C0;
	v10 =	vimm.f32 $0.0e+00  }
.LBB2_3:
0x2a: {  	v15 =	vld [tilespmem:s22+$0x20];
	v8 =	vadd.f32 v11, v8;
	v10 =	vadd.f32 v13, v10;
	v11 =	vunpack.i.l.bf16.f32 v6  }
0x2b: {  	v6 =	vunpack.i.u.bf16.f32 v6;
	v13 =	vld [tilespmem:s22+$0x0];
	v9 =	vadd.f32 v9, v14;
	v11 =	vadd.f32 v11, v12  }
0x2c: {  	v12 =	vld [tilespmem:s22+$0xFFFFFFE0];
	v7 =	vadd.f32 v7, v8;
	v6 =	vadd.f32 v6, v10;
	v8 =	vunpack.i.l.bf16.f32 v4  }
0x2d: {  	v4 =	vunpack.i.u.bf16.f32 v4;
	v14 =	vld [tilespmem:s22+$0xFFFFFFC0];
	v5 =	vadd.f32 v5, v9;
	v8 =	vadd.f32 v8, v11  }
0x2e: {  	s21 =	sadd.s32 $0x4, s21;
	v16 =	vld [tilespmem:s22+$0xFFFFFFD0];
	v2 =	vadd.f32 v2, v7;
	v4 =	vadd.f32 v4, v6;
	v6 =	vunpack.i.l.bf16.f32 v3  }
0x2f: {  	p0 =	slt.u32 s21, $0xC4;
	v3 =	vunpack.i.u.bf16.f32 v3;
	v17 =	vadd.f32 v1, v5;
	v18 =	vadd.f32 v6, v8  }
.Ltmp0:
0x30: {  	v6 =	vld [tilespmem:s22+$0xFFFFFFF0];
	v8 =	vadd.f32 v0, v2;
	v10 =	vadd.f32 v3, v4;
	(pc) =	sbr.rel @p0 .LBB2_3-.Ltmp0, $4  }
0x31: {  	v1 =	vunpack.i.l.bf16.f32 v15;
	v2 =	vunpack.i.u.bf16.f32 v13;
	v0 =	vunpack.i.u.bf16.f32 v15  }
0x32: {  	v5 =	vunpack.i.l.bf16.f32 v13;
	v7 =	vunpack.i.u.bf16.f32 v12;
	v9 =	vunpack.i.l.bf16.f32 v12;
	v4 =	vld [tilespmem:s22+$0x10]  }
0x33: {  	v11 =	vunpack.i.u.bf16.f32 v14;
	v3 =	vunpack.i.l.bf16.f32 v14;
	v12 =	vunpack.i.l.bf16.f32 v16  }
0x34: {  	v13 =	vunpack.i.u.bf16.f32 v16;
	v14 =	vadd.f32 v3, v17;
	v12 =	vadd.f32 v12, v18;
	v3 =	vld [tilespmem:s22+$0x30];
	s22 =	sadd.s32 $0x80, s22  }
0x35: {  	_ = 	snop  }
0x36: {  	v8 =	vadd.f32 v11, v8;
	v11 =	vunpack.i.l.bf16.f32 v6;
	v9 =	vadd.f32 v9, v14  }
0x37: {  	v10 =	vadd.f32 v13, v10;
	v6 =	vunpack.i.u.bf16.f32 v6;
	v11 =	vadd.f32 v11, v12  }
0x38: {  	v7 =	vadd.f32 v7, v8;
	v8 =	vunpack.i.l.bf16.f32 v4;
	v5 =	vadd.f32 v5, v9  }
0x39: {  	v6 =	vadd.f32 v6, v10;
	v4 =	vunpack.i.u.bf16.f32 v4;
	v8 =	vadd.f32 v8, v11  }
0x3a: {  	s21 =	sshll.u32 s18, $0x7;
	v2 =	vadd.f32 v2, v7;
	v7 =	vunpack.i.l.bf16.f32 v3;
	v1 =	vadd.f32 v1, v5  }
0x3b: {  	s20 =	smin.u32 s20, $0x7D;
	s21 =	sand.u32 $0x3FFFFF80, s21;
	v4 =	vadd.f32 v4, v6;
	v5 =	vadd.f32 v7, v8  }
0x3c: {  	s20 =	smul.u32 $0x320, s20;
	v3 =	vunpack.i.u.bf16.f32 v3;
	v0 =	vadd.f32 v0, v2;
	[tilespmem:s21+$0x9600] =	vst v1  }
0x3d: {  	v1 =	vadd.f32 v3, v4;
	[tilespmem:s21+$0x9610] =	vst v5  }
0x3e: {  	s20 =	sshrl.u32 s20, $0x2;
	[tilespmem:s21+$0x9620] =	vst v0  }
0x3f: {  	s30 =	sadd.s32 $0x190, s20;
	[tilespmem:s21+$0x9630] =	vst v1  }
0x40: {  	[tilespmem:s9], [sflag:$0x1] =	stream.indirect.gather [hbm4b:s3+s8], $0x20, s30, s8, $0xb8;
	[tilespmem:$0xB600] =	vst v63  }
0x41: {  	s20 =	sadd.s32 $0x210, s20  }
0x42: {  	[tilespmem:s11], [sflag:$0x1] =	stream.indirect.gather [hbm4b:s3+s10], $0x20, s20, s10, $0xb8;
	[tilespmem:$0xB600] =	vst v63  }
0x43: {  	_ =	swait.ge [sflag:s15], $0x1000  }
0x44: {  	[sflag:s15] =	ssyncset.done $0x0  }
0x45: {  	[sflag:s15] =	ssyncadd.s32 $0xFFFFF000  }
0x46: {  	_ =	swait.ge [sflag:s15], $0x900  }
0x47: {  	[sflag:s15] =	ssyncset.done $0x0  }
0x48: {  	s31 =	simm.s32 $0x7D40;
	[sflag:s15] =	ssyncadd.s32 $0xFFFFF700  }
0x49: {  	v1 =	vld [tilespmem:s31+$0x20]  }
0x4a: {  	v3 =	vld [tilespmem:s31+$0x0]  }
0x4b: {  	v4 =	vld [tilespmem:s31+$0xFFFFFFE0]  }
0x4c: {  	v10 =	vld [tilespmem:s31+$0xFFFFFFC0]  }
0x4d: {  	v12 =	vld [tilespmem:s31+$0xFFFFFFD0];
	_ =	sdelay $0x1  }
0x4e: {  	v8 =	vimm.f32 $0.0e+00;
	v6 =	vld [tilespmem:s31+$0xFFFFFFF0];
	v2 =	vunpack.i.u.bf16.f32 v3  }
0x4f: {  	v0 =	vunpack.i.u.bf16.f32 v1;
	v1 =	vunpack.i.l.bf16.f32 v1;
	v7 =	vunpack.i.u.bf16.f32 v4  }
0x50: {  	v9 =	vunpack.i.l.bf16.f32 v4;
	v5 =	vunpack.i.l.bf16.f32 v3;
	v11 =	vunpack.i.u.bf16.f32 v10;
	v4 =	vld [tilespmem:s31+$0x10]  }
0x51: {  	v3 =	vunpack.i.l.bf16.f32 v10;
	v10 =	vunpack.i.l.bf16.f32 v12;
	v14 =	vunpack.i.u.bf16.f32 v12  }
0x52: {  	s21 =	simm.s32 $0x7DC0;
	s20 =	simm.s32 $0x0;
	v13 =	vadd.f32 v3, v8;
	v12 =	vadd.f32 v10, v8;
	v3 =	vld [tilespmem:s31+$0x30];
	v10 =	vimm.f32 $0.0e+00  }
.LBB2_5:
0x53: {  	v15 =	vld [tilespmem:s21+$0x20];
	v8 =	vadd.f32 v11, v8;
	v10 =	vadd.f32 v14, v10;
	v11 =	vunpack.i.l.bf16.f32 v6  }
0x54: {  	v6 =	vunpack.i.u.bf16.f32 v6;
	v14 =	vld [tilespmem:s21+$0x0];
	v9 =	vadd.f32 v9, v13;
	v11 =	vadd.f32 v11, v12  }
0x55: {  	v12 =	vld [tilespmem:s21+$0xFFFFFFE0];
	v7 =	vadd.f32 v7, v8;
	v6 =	vadd.f32 v6, v10;
	v8 =	vunpack.i.l.bf16.f32 v4  }
0x56: {  	v4 =	vunpack.i.u.bf16.f32 v4;
	v13 =	vld [tilespmem:s21+$0xFFFFFFC0];
	v5 =	vadd.f32 v5, v9;
	v8 =	vadd.f32 v8, v11  }
0x57: {  	s20 =	sadd.s32 $0x4, s20;
	v16 =	vld [tilespmem:s21+$0xFFFFFFD0];
	v2 =	vadd.f32 v2, v7;
	v4 =	vadd.f32 v4, v6;
	v6 =	vunpack.i.l.bf16.f32 v3  }
0x58: {  	p0 =	slt.u32 s20, $0xC4;
	v3 =	vunpack.i.u.bf16.f32 v3;
	v17 =	vadd.f32 v1, v5;
	v18 =	vadd.f32 v6, v8  }
.Ltmp1:
0x59: {  	v6 =	vld [tilespmem:s21+$0xFFFFFFF0];
	v8 =	vadd.f32 v0, v2;
	v10 =	vadd.f32 v3, v4;
	(pc) =	sbr.rel @p0 .LBB2_5-.Ltmp1, $4  }
0x5a: {  	v1 =	vunpack.i.l.bf16.f32 v15;
	v2 =	vunpack.i.u.bf16.f32 v14;
	v0 =	vunpack.i.u.bf16.f32 v15  }
0x5b: {  	v5 =	vunpack.i.l.bf16.f32 v14;
	v7 =	vunpack.i.u.bf16.f32 v12;
	v9 =	vunpack.i.l.bf16.f32 v12;
	v4 =	vld [tilespmem:s21+$0x10]  }
0x5c: {  	v11 =	vunpack.i.u.bf16.f32 v13;
	v3 =	vunpack.i.l.bf16.f32 v13;
	v12 =	vunpack.i.l.bf16.f32 v16  }
0x5d: {  	v14 =	vunpack.i.u.bf16.f32 v16;
	v13 =	vadd.f32 v3, v17;
	v12 =	vadd.f32 v12, v18;
	v3 =	vld [tilespmem:s21+$0x30];
	s21 =	sadd.s32 $0x80, s21  }
0x5e: {  	_ = 	snop  }
0x5f: {  	v8 =	vadd.f32 v11, v8;
	v56 =	vunpack.i.l.bf16.f32 v6;
	v9 =	vadd.f32 v9, v13  }
0x60: {  	v10 =	vadd.f32 v14, v10;
	v57 =	vunpack.i.u.bf16.f32 v6;
	v11 =	vadd.f32 v56, v12  }
0x61: {  	v7 =	vadd.f32 v7, v8;
	v58 =	vunpack.i.l.bf16.f32 v4;
	v5 =	vadd.f32 v5, v9  }
0x62: {  	s18 =	sadd.s32 $0x1, s18;
	v6 =	vadd.f32 v57, v10;
	v59 =	vunpack.i.u.bf16.f32 v4;
	v8 =	vadd.f32 v58, v11  }
0x63: {  	s19 =	sshll.u32 s19, $0x6;
	p0 =	sne.s32 s18, $0x40;
	v2 =	vadd.f32 v2, v7;
	v60 =	vunpack.i.l.bf16.f32 v3;
	v1 =	vadd.f32 v1, v5  }
.Ltmp2:
0x64: {  	s19 =	sand.u32 $0x3FFFFFC0, s19;
	v4 =	vadd.f32 v59, v6;
	v61 =	vadd.f32 v60, v8;
	(pc) =	sbr.rel @p0 .LBB2_2-.Ltmp2, $4  }
0x65: {  	v62 =	vunpack.i.u.bf16.f32 v3;
	v0 =	vadd.f32 v0, v2;
	[tilespmem:s19+$0x9600] =	vst v1  }
0x66: {  	v63 =	vadd.f32 v62, v4;
	[tilespmem:s19+$0x9610] =	vst v61  }
0x67: {  	[tilespmem:s19+$0x9620] =	vst v0  }
0x68: {  	[tilespmem:s19+$0x9630] =	vst v63  }
0x69: {  	_ =	swait.ge [sflag:s14], $0x1000  }
0x6a: {  	[sflag:s14] =	ssyncset.done $0x0  }
0x6b: {  	[sflag:s14] =	ssyncadd.s32 $0xFFFFF000  }
0x6c: {  	s17 =	sadd.s32 $0x1, s17;
	_ =	swait.ge [sflag:s14], $0x900  }
0x6d: {  	p0 =	sne.s32 s17, s6;
	[sflag:s14] =	ssyncset.done $0x0  }
.Ltmp3:
0x6e: {  	[sflag:s14] =	ssyncadd.s32 $0xFFFFF700;
	(pc) =	sbr.rel @p0 .LBB2_1-.Ltmp3, $4  }
0x6f: {  	[hbm4b:s5+s2] =	stream.linear.scatter [tilespmem:s16], [sflag:$0x3], $0x2000, $0x38;
	[tilespmem:$0xB600] =	vst v63  }
0x70: {  	_ =	swait.ge [sflag:s7], $0x2000  }
0x71: {  	[sflag:s7] =	ssyncset.done $0x0  }
0x72: {  	[sflag:s7] =	ssyncadd.s32 $0xFFFFE000  }
0x73: {  	_ =	sfence.sel $0x180000  }
0x74: {  	[bflag:$0x0] =	sbarrier.arrive $0xFFFF  }
0x75: {  	p0 =	sne.s32 s0, $0x0;
	_ =	strace $0x9000004D  }
0x76: {  	s0 =	sadd.s32 @!p0 $0x100000, s1;
	[bflag:$0x2] =	sbarrier.arrive $0xFFFF  }
0x77: {  	[sflag:s0] =	ssyncadd.tile.s32 @!p0 $0x1;
	_ =	shalt  }
.Lfunc_end2:
_tile_overlayer_lowered:
.L_overlay_start_2:
0x78: {  	(tag) =	ssettag $0x2  }
0x79: {  	s0 =	rddreg [dreg:$0x0];
	s2 =	stileid.u32  }
0x7a: {  	s1 =	rddreg [dreg:$0x1];
	p0 =	sne.s32 s2, $0x0  }
0x7b: {  	s3 =	rddreg [dreg:$0x2];
	[bflag:$0x3] =	sbarrier.arrive $0xFFFF;
	s2 =	simm.s32 @!p0 $0x1C03  }
0x7c: {  	[timem:s3], [sflag:s2] =	dma.local @!p0 [hbm:s0], s1  }
0x7d: {  	s0 =	simm.s32 @!p0 $0x3  }
0x7e: {  	_ =	swait.ge @!p0 [sflag:s0], s1  }
0x7f: {  	s1 =	ssub.s32 @!p0 $0x0, s1;
	[sflag:s0] =	ssyncset.done @!p0 $0x0  }
0x80: {  	[sflag:s0] =	ssyncadd.s32 @!p0 s1  }
0x81: {  	[bflag:$0x3] =	sbarrier.arrive $0xFFFF  }
0x82: {  	_ =	shalt  }

</sc_bundles>
